<compile_context>
chip_gen: v7x
topology: tpu7x:2x2x1
jax: 0.10.2.dev20260603
libtpu: 0.0.44.dev20260713+nightly
codegen_flags: <defaults>
</compile_context>

<pallas_src>
import functools

import numpy as np
import jax
import jax.numpy as jnp
from jax import lax
from jax.experimental import pallas as pl
from jax.experimental.pallas import tpu as pltpu
from jax.experimental.pallas import tpu_sc as plsc

N = 10000
E = 320000
D = 128
DH = D // 2

_INFO = plsc.get_sparse_core_info()
NC = _INFO.num_cores
NS = _INFO.num_subcores
NW = NC * NS
MICRO = 128
E_PER_W = 10240
E_PAD = NW * E_PER_W
ROWS_PER_W = E_PER_W // MICRO
HALF_ROWS = ROWS_PER_W // 2
ACC_N = 10240
N_PER_TILE = ACC_N // NS
L = 16


def _sc_body(xp_hbm, src_hbm, dst_hbm, zeros_hbm, out_hbm,
             sidx, didx, prows, frows, acc, sem0, sem1):
    i32 = np.int32
    c = lax.axis_index("c")
    s = lax.axis_index("s")
    wid = c * i32(NS) + s

    zrows = ACC_N // NS
    pltpu.sync_copy(zeros_hbm.at[pl.ds(s * i32(zrows), zrows)],
                    acc.at[pl.ds(s * i32(zrows), zrows)])
    plsc.subcore_barrier()

    base_e = wid * i32(E_PER_W)
    base_row = wid * i32(ROWS_PER_W)
    sems = (sem0, sem1)

    def start(k, buf):
        return pltpu.async_copy(
            xp_hbm.at[sidx.at[pl.ds(k * MICRO, MICRO)]], prows.at[buf],
            sems[buf])

    def process(k, buf):
        pltpu.make_async_copy(
            xp_hbm.at[sidx.at[pl.ds(k * MICRO, MICRO)]], prows.at[buf],
            sems[buf]).wait()

        def row_body(r, carry):
            for u in range(2):
                rr = r * 2 + u
                for j in range(DH // L):
                    w = prows.at[buf][rr, pl.ds(j * L, L)]
                    lo, hi = plsc.unpack(plsc.bitcast(w, jnp.bfloat16),
                                         format=plsc.PackFormat.INTERLEAVED)
                    frows[rr, pl.ds(j * L, L)] = lo
                    frows[rr, pl.ds(DH + j * L, L)] = hi
            return carry

        lax.fori_loop(i32(0), i32(MICRO // 2), row_body, i32(0))
        pltpu.sync_copy(frows, acc.at[didx.at[k]], add=True)

    for half in range(2):
        r0 = base_row + i32(half * HALF_ROWS)
        e0 = base_e + i32(half * HALF_ROWS * MICRO)
        pltpu.sync_copy(src_hbm.at[pl.ds(e0, HALF_ROWS * MICRO)], sidx)
        pltpu.sync_copy(dst_hbm.at[pl.ds(r0, HALF_ROWS)], didx)

        start(i32(0), 0)

        def pair_body(t, carry):
            k = t * 2
            start(k + 1, 1)
            process(k, 0)
            start(k + 2, 0)
            process(k + 1, 1)
            return carry

        lax.fori_loop(i32(0), i32(HALF_ROWS // 2 - 1), pair_body, i32(0))
        last = i32(HALF_ROWS - 2)
        start(last + 1, 1)
        process(last, 0)
        process(last + 1, 1)

    plsc.subcore_barrier()

    pltpu.sync_copy(acc.at[pl.ds(s * i32(N_PER_TILE), N_PER_TILE)],
                    out_hbm.at[c].at[pl.ds(s * i32(N_PER_TILE), N_PER_TILE)])


_sc_agg = functools.partial(
    pl.kernel,
    out_type=jax.ShapeDtypeStruct((NC, ACC_N, D), jnp.float32),
    mesh=plsc.VectorSubcoreMesh(core_axis_name="c", subcore_axis_name="s"),
    scratch_types=[
        pltpu.VMEM((HALF_ROWS * MICRO,), jnp.int32),
        pltpu.VMEM((HALF_ROWS, MICRO), jnp.int32),
        pltpu.VMEM((2, MICRO, DH), jnp.int32),
        pltpu.VMEM((MICRO, D), jnp.float32),
        pltpu.VMEM_SHARED((ACC_N, D), jnp.float32),
        pltpu.SemaphoreType.DMA,
        pltpu.SemaphoreType.DMA,
    ],
    compiler_params=pltpu.CompilerParams(use_tc_tiling_on_sc=False,
                                         needs_layout_passes=False),
)(_sc_body)


def _tc_body(x_ref, p_ref, ws_ref, wn_ref, b_ref, o_ref):
    agg = p_ref[0] + p_ref[1]
    o = (
        jnp.dot(x_ref[...], ws_ref[...], preferred_element_type=jnp.float32)
        + jnp.dot(agg, wn_ref[...], preferred_element_type=jnp.float32)
        + b_ref[...]
    )
    o_ref[...] = o * jax.nn.sigmoid(o)


def _tc_tail(x, parts, W_self, W_nbr, b2d):
    blk = 1000
    grid = (N // blk,)
    return pl.pallas_call(
        _tc_body,
        grid=grid,
        in_specs=[
            pl.BlockSpec((blk, D), lambda i: (i, 0)),
            pl.BlockSpec((NC, blk, D), lambda i: (0, i, 0)),
            pl.BlockSpec((D, D), lambda i: (0, 0)),
            pl.BlockSpec((D, D), lambda i: (0, 0)),
            pl.BlockSpec((1, D), lambda i: (0, 0)),
        ],
        out_specs=pl.BlockSpec((blk, D), lambda i: (i, 0)),
        out_shape=jax.ShapeDtypeStruct((N, D), jnp.float32),
    )(x, parts, W_self, W_nbr, b2d)


@jax.jit
def kernel(x, edge_index, W_self, W_nbr, b):
    out_dtype = jnp.result_type(x.dtype, W_self.dtype)
    with jax.enable_x64(False):
        out = _impl(x, edge_index, W_self, W_nbr, b)
    return out.astype(out_dtype)


def _impl(x, edge_index, W_self, W_nbr, b):
    x = x.astype(jnp.float32)
    W_self = W_self.astype(jnp.float32)
    W_nbr = W_nbr.astype(jnp.float32)
    b = b.astype(jnp.float32)
    src = edge_index[0].astype(jnp.int32)
    dst = edge_index[1].astype(jnp.int32)
    pad = E_PAD - E
    src = jnp.concatenate([src, jnp.zeros((pad,), jnp.int32)])
    dst = jnp.concatenate([dst, jnp.full((pad,), N, jnp.int32)])
    dst2d = dst.reshape(NW * ROWS_PER_W, MICRO)
    zeros = jnp.zeros((ACC_N, D), jnp.float32)
    xb = x.astype(jnp.bfloat16)
    xp = jax.lax.bitcast_convert_type(
        jnp.stack([xb[:, :DH], xb[:, DH:]], axis=-1), jnp.int32)
    parts = _sc_agg(xp, src, dst2d, zeros)
    return _tc_tail(x, parts, W_self, W_nbr, b.reshape(1, D))

# --- scband reference (transcript-rebuilt; emitter-appended) ---
"""Pipeline reference for scband-neural-network-9569187136204 (READ-ONLY COPY).

The authoritative reference and input builder live on the scoring server;
editing this copy changes nothing except your own understanding.
"""

import jax, jax.numpy as jnp
import numpy as np

jax.config.update("jax_enable_x64", True)

N = 10000
E = 320000
D = 128


def setup_inputs(seed: int = 0) -> dict:
    key = jax.random.key(seed)
    k1, k2, k3, k4, k5 = jax.random.split(key, 5)
    x = jax.random.normal(k1, (N, D), dtype=jnp.float32)
    edge_index = jax.random.randint(k2, (2, E), 0, N, dtype=jnp.int64)
    # learned parameters (DAG message-passing weights, per init_kwargs in/out channels = 128)
    W_self = jax.random.normal(k3, (D, D), dtype=jnp.float32) * (1.0 / np.sqrt(D))
    W_nbr = jax.random.normal(k4, (D, D), dtype=jnp.float32) * (1.0 / np.sqrt(D))
    b = jax.random.normal(k5, (D,), dtype=jnp.float32) * 0.01
    return {"x": x, "edge_index": edge_index, "W_self": W_self, "W_nbr": W_nbr, "b": b}


def reference(x, edge_index, W_self, W_nbr, b):
    # Topological message passing over the DAG, vectorized over one large
    # topological batch: each neuron (node) gathers its predecessors' values
    # (gather), sums them (scatter-add / segment_sum), applies the learned
    # affine transform, and fires through the hidden activation (silu, the
    # module default).
    src = edge_index[0]
    dst = edge_index[1]
    msgs = jnp.take(x, src, axis=0)                      # gather: [E, D]
    agg = jax.ops.segment_sum(msgs, dst, num_segments=N)  # scatter-add: [N, D]
    out = x @ W_self + agg @ W_nbr + b
    return jax.nn.silu(out)

if __name__ == "__main__":
    import jax
    _d = setup_inputs()
    print(jax.jit(kernel)(*tuple(_d.values())))

</pallas_src>

<mosaic_0001>
#map = affine_map<(d0, d1) -> (0, 0)>
#map1 = affine_map<(d0, d1) -> (0)>
#map2 = affine_map<(d0, d1) -> (0, 0, 0)>
module attributes {stable_mosaic.version = 14 : i64} {
  func.func @_sc_body(%arg0: i32, %arg1: i32, %arg2: memref<10000x64xi32, #tpu.memory_space<hbm>>, %arg3: memref<327680xi32, #tpu.memory_space<hbm>>, %arg4: memref<2560x128xi32, #tpu.memory_space<hbm>>, %arg5: memref<10240x128xf32, #tpu.memory_space<hbm>>, %arg6: memref<2x10240x128xf32, #tpu.memory_space<hbm>>, %arg7: memref<5120xi32, #tpu.memory_space<vmem>>, %arg8: memref<40x128xi32, #tpu.memory_space<vmem>>, %arg9: memref<2x128x64xi32, #tpu.memory_space<vmem>>, %arg10: memref<128x128xf32, #tpu.memory_space<vmem>>, %arg11: memref<10240x128xf32, #tpu.memory_space<vmem_shared>>, %arg12: memref<!tpu.dma_semaphore, #tpu.memory_space<semaphore_mem>>, %arg13: memref<!tpu.dma_semaphore, #tpu.memory_space<semaphore_mem>>) attributes {dimension_semantics = [#tpu.dimension_semantics<core_parallel>, #tpu.dimension_semantics<subcore_parallel>], iteration_bounds = array<i64: 2, 16>, scalar_prefetch = 0 : i64, scratch_operands = 7 : i64, tpu.core_type = #tpu.core_type<sc_vector_subcore>, window_params = [{transform_indices = #map}, {transform_indices = #map1}, {transform_indices = #map}, {transform_indices = #map}, {transform_indices = #map2}]} {
    %mul3A = arith.constant 16 : i32
    %mul3A_0 = arith.muli %arg0, %mul3A : i32
    %add3A = arith.addi %mul3A_0, %arg1 : i32
    %mul3A_1 = arith.constant 640 : i32
    %mul3A_2 = arith.muli %arg1, %mul3A_1 : i32
    %mul3A_3 = arith.constant 640 : i32
    %mul3A_4 = arith.muli %arg1, %mul3A_3 : i32
    "tpu.region"() ({
      %run_scoped3A_138 = tpu.sem_alloc : memref<!tpu.dma_semaphore, #tpu.memory_space<semaphore_mem>>
      %dma_start3A_139 = arith.constant 0 : i32
      %dma_start3A_140 = tpu.memref_slice %arg11[%mul3A_4, %dma_start3A_139] : memref<10240x128xf32, #tpu.memory_space<vmem_shared>> -> memref<640x128xf32, #tpu.memory_space<vmem_shared>>
      %dma_start3A_141 = arith.constant 0 : i32
      %dma_start3A_142 = tpu.memref_slice %arg5[%mul3A_2, %dma_start3A_141] : memref<10240x128xf32, #tpu.memory_space<hbm>> -> memref<640x128xf32, #tpu.memory_space<hbm>>
      tpu.enqueue_dma source(%dma_start3A_142 : memref<640x128xf32, #tpu.memory_space<hbm>>) target(%dma_start3A_140 : memref<640x128xf32, #tpu.memory_space<vmem_shared>>) target_semaphore(%run_scoped3A_138 : memref<!tpu.dma_semaphore, #tpu.memory_space<semaphore_mem>>)
      %dma_wait3A_143 = arith.constant 0 : i32
      %dma_wait3A_144 = tpu.memref_slice %arg11[%mul3A_4, %dma_wait3A_143] : memref<10240x128xf32, #tpu.memory_space<vmem_shared>> -> memref<640x128xf32, #tpu.memory_space<vmem_shared>>
      %dma_wait3A_145 = arith.constant 0 : i32
      %dma_wait3A_146 = tpu.memref_slice %arg5[%mul3A_2, %dma_wait3A_145] : memref<10240x128xf32, #tpu.memory_space<hbm>> -> memref<640x128xf32, #tpu.memory_space<hbm>>
      tpu.wait_dma2 semaphore(%run_scoped3A_138 : memref<!tpu.dma_semaphore, #tpu.memory_space<semaphore_mem>>) src(%dma_wait3A_146 : memref<640x128xf32, #tpu.memory_space<hbm>>) dst(%dma_wait3A_144 : memref<640x128xf32, #tpu.memory_space<vmem_shared>>)
      tpu.yield
    }) : () -> ()
    %barrier3A = arith.constant 0 : index
    tpu.barrier barrier_id(%barrier3A)
    %mul3A_5 = arith.constant 10240 : i32
    %mul3A_6 = arith.muli %add3A, %mul3A_5 : i32
    %mul3A_7 = arith.constant 80 : i32
    %mul3A_8 = arith.muli %add3A, %mul3A_7 : i32
    %add3A_9 = arith.constant 0 : i32
    %add3A_10 = arith.addi %mul3A_8, %add3A_9 : i32
    %add3A_11 = arith.constant 0 : i32
    %add3A_12 = arith.addi %mul3A_6, %add3A_11 : i32
    "tpu.region"() ({
      %run_scoped3A_138 = tpu.sem_alloc : memref<!tpu.dma_semaphore, #tpu.memory_space<semaphore_mem>>
      %dma_start3A_139 = tpu.memref_slice %arg3[%add3A_12] : memref<327680xi32, #tpu.memory_space<hbm>> -> memref<5120xi32, #tpu.memory_space<hbm>>
      %dma_start3A_140 = tpu.memref_slice %arg3[%add3A_12] : memref<327680xi32, #tpu.memory_space<hbm>> -> memref<5120xi32, #tpu.memory_space<hbm>>
      tpu.enqueue_dma source(%dma_start3A_140 : memref<5120xi32, #tpu.memory_space<hbm>>) target(%arg7 : memref<5120xi32, #tpu.memory_space<vmem>>) target_semaphore(%run_scoped3A_138 : memref<!tpu.dma_semaphore, #tpu.memory_space<semaphore_mem>>)
      %dma_wait3A_141 = tpu.memref_slice %arg3[%add3A_12] : memref<327680xi32, #tpu.memory_space<hbm>> -> memref<5120xi32, #tpu.memory_space<hbm>>
      %dma_wait3A_142 = tpu.memref_slice %arg3[%add3A_12] : memref<327680xi32, #tpu.memory_space<hbm>> -> memref<5120xi32, #tpu.memory_space<hbm>>
      tpu.wait_dma2 semaphore(%run_scoped3A_138 : memref<!tpu.dma_semaphore, #tpu.memory_space<semaphore_mem>>) src(%dma_wait3A_142 : memref<5120xi32, #tpu.memory_space<hbm>>) dst(%arg7 : memref<5120xi32, #tpu.memory_space<vmem>>)
      tpu.yield
    }) : () -> ()
    "tpu.region"() ({
      %run_scoped3A_138 = tpu.sem_alloc : memref<!tpu.dma_semaphore, #tpu.memory_space<semaphore_mem>>
      %dma_start3A_139 = arith.constant 0 : i32
      %dma_start3A_140 = tpu.memref_slice %arg4[%add3A_10, %dma_start3A_139] : memref<2560x128xi32, #tpu.memory_space<hbm>> -> memref<40x128xi32, #tpu.memory_space<hbm>>
      %dma_start3A_141 = arith.constant 0 : i32
      %dma_start3A_142 = tpu.memref_slice %arg4[%add3A_10, %dma_start3A_141] : memref<2560x128xi32, #tpu.memory_space<hbm>> -> memref<40x128xi32, #tpu.memory_space<hbm>>
      tpu.enqueue_dma source(%dma_start3A_142 : memref<40x128xi32, #tpu.memory_space<hbm>>) target(%arg8 : memref<40x128xi32, #tpu.memory_space<vmem>>) target_semaphore(%run_scoped3A_138 : memref<!tpu.dma_semaphore, #tpu.memory_space<semaphore_mem>>)
      %dma_wait3A_143 = arith.constant 0 : i32
      %dma_wait3A_144 = tpu.memref_slice %arg4[%add3A_10, %dma_wait3A_143] : memref<2560x128xi32, #tpu.memory_space<hbm>> -> memref<40x128xi32, #tpu.memory_space<hbm>>
      %dma_wait3A_145 = arith.constant 0 : i32
      %dma_wait3A_146 = tpu.memref_slice %arg4[%add3A_10, %dma_wait3A_145] : memref<2560x128xi32, #tpu.memory_space<hbm>> -> memref<40x128xi32, #tpu.memory_space<hbm>>
      tpu.wait_dma2 semaphore(%run_scoped3A_138 : memref<!tpu.dma_semaphore, #tpu.memory_space<semaphore_mem>>) src(%dma_wait3A_146 : memref<40x128xi32, #tpu.memory_space<hbm>>) dst(%arg8 : memref<40x128xi32, #tpu.memory_space<vmem>>)
      tpu.yield
    }) : () -> ()
    %dma_start3A = arith.constant 0 : i32
    %dma_start3A_13 = arith.constant 0 : i32
    %dma_start3A_14 = arith.constant 0 : i32
    %dma_start3A_15 = tpu.memref_slice %arg9[%dma_start3A, %dma_start3A_13, %dma_start3A_14] : memref<2x128x64xi32, #tpu.memory_space<vmem>> -> memref<1x128x64xi32, #tpu.memory_space<vmem>>
    %dma_start3A_16 = tpu.memref_squeeze %dma_start3A_15 : memref<1x128x64xi32, #tpu.memory_space<vmem>> -> memref<128x64xi32, #tpu.memory_space<vmem>>
    %dma_start3A_17 = arith.constant 0 : i32
    %dma_start3A_18 = tpu.memref_slice %arg7[%dma_start3A_17] : memref<5120xi32, #tpu.memory_space<vmem>> -> memref<128xi32, #tpu.memory_space<vmem>>
    %dma_start3A_19 = arith.constant 0 : i32
    %dma_start3A_20 = arith.constant 0 : i32
    %dma_start3A_21 = tpu.memref_slice %arg2[%dma_start3A_19, %dma_start3A_20] : memref<10000x64xi32, #tpu.memory_space<hbm>> -> memref<10000x64xi32, #tpu.memory_space<hbm>>
    tpu.enqueue_indirect_dma source(%dma_start3A_21 : memref<10000x64xi32, #tpu.memory_space<hbm>>) target(%dma_start3A_16 : memref<128x64xi32, #tpu.memory_space<vmem>>) offsets(%dma_start3A_18 : memref<128xi32, #tpu.memory_space<vmem>>) semaphore(%arg12 : memref<!tpu.dma_semaphore, #tpu.memory_space<semaphore_mem>>)
    %scan3A = arith.constant 0 : i32
    %scan3A_22 = arith.constant 0 : i32
    %scan3A_23 = arith.constant 19 : i32
    %scan3A_24 = arith.addi %scan3A_22, %scan3A_23 : i32
    %scan3A_25 = arith.constant 1 : i32
    scf.for %scan3A_138 = %scan3A_22 to %scan3A_24 step %scan3A_25  : i32 {
      %mul3A_139 = arith.constant 2 : i32
      %mul3A_140 = arith.muli %scan3A_138, %mul3A_139 : i32
      %add3A_141 = arith.constant 1 : i32
      %add3A_142 = arith.addi %mul3A_140, %add3A_141 : i32
      %mul3A_143 = arith.constant 128 : i32
      %mul3A_144 = arith.muli %add3A_142, %mul3A_143 : i32
      %dma_start3A_145 = arith.constant 1 : i32
      %dma_start3A_146 = arith.constant 0 : i32
      %dma_start3A_147 = arith.constant 0 : i32
      %dma_start3A_148 = tpu.memref_slice %arg9[%dma_start3A_145, %dma_start3A_146, %dma_start3A_147] : memref<2x128x64xi32, #tpu.memory_space<vmem>> -> memref<1x128x64xi32, #tpu.memory_space<vmem>>
      %dma_start3A_149 = tpu.memref_squeeze %dma_start3A_148 : memref<1x128x64xi32, #tpu.memory_space<vmem>> -> memref<128x64xi32, #tpu.memory_space<vmem>>
      %dma_start3A_150 = tpu.memref_slice %arg7[%mul3A_144] : memref<5120xi32, #tpu.memory_space<vmem>> -> memref<128xi32, #tpu.memory_space<vmem>>
      %dma_start3A_151 = arith.constant 0 : i32
      %dma_start3A_152 = arith.constant 0 : i32
      %dma_start3A_153 = tpu.memref_slice %arg2[%dma_start3A_151, %dma_start3A_152] : memref<10000x64xi32, #tpu.memory_space<hbm>> -> memref<10000x64xi32, #tpu.memory_space<hbm>>
      tpu.enqueue_indirect_dma source(%dma_start3A_153 : memref<10000x64xi32, #tpu.memory_space<hbm>>) target(%dma_start3A_149 : memref<128x64xi32, #tpu.memory_space<vmem>>) offsets(%dma_start3A_150 : memref<128xi32, #tpu.memory_space<vmem>>) semaphore(%arg13 : memref<!tpu.dma_semaphore, #tpu.memory_space<semaphore_mem>>)
      %mul3A_154 = arith.constant 128 : i32
      %mul3A_155 = arith.muli %mul3A_140, %mul3A_154 : i32
      %dma_wait3A_156 = arith.constant 0 : i32
      %dma_wait3A_157 = arith.constant 0 : i32
      %dma_wait3A_158 = arith.constant 0 : i32
      %dma_wait3A_159 = tpu.memref_slice %arg9[%dma_wait3A_156, %dma_wait3A_157, %dma_wait3A_158] : memref<2x128x64xi32, #tpu.memory_space<vmem>> -> memref<1x128x64xi32, #tpu.memory_space<vmem>>
      %dma_wait3A_160 = tpu.memref_squeeze %dma_wait3A_159 : memref<1x128x64xi32, #tpu.memory_space<vmem>> -> memref<128x64xi32, #tpu.memory_space<vmem>>
      %dma_wait3A_161 = tpu.memref_slice %arg7[%mul3A_155] : memref<5120xi32, #tpu.memory_space<vmem>> -> memref<128xi32, #tpu.memory_space<vmem>>
      %dma_wait3A_162 = arith.constant 0 : i32
      %dma_wait3A_163 = arith.constant 0 : i32
      %dma_wait3A_164 = tpu.memref_slice %arg2[%dma_wait3A_162, %dma_wait3A_163] : memref<10000x64xi32, #tpu.memory_space<hbm>> -> memref<10000x64xi32, #tpu.memory_space<hbm>>
      tpu.wait_indirect_dma semaphore(%arg12 : memref<!tpu.dma_semaphore, #tpu.memory_space<semaphore_mem>>) src(%dma_wait3A_164 : memref<10000x64xi32, #tpu.memory_space<hbm>>) dst(%dma_wait3A_160 : memref<128x64xi32, #tpu.memory_space<vmem>>)
      %scan3A_165 = arith.constant 0 : i32
      %scan3A_166 = arith.constant 0 : i32
      %scan3A_167 = arith.constant 64 : i32
      %scan3A_168 = arith.addi %scan3A_166, %scan3A_167 : i32
      %scan3A_169 = arith.constant 1 : i32
      scf.for %scan3A_203 = %scan3A_166 to %scan3A_168 step %scan3A_169  : i32 {
        %mul3A_204 = arith.constant 2 : i32
        %mul3A_205 = arith.muli %scan3A_203, %mul3A_204 : i32
        %add3A_206 = arith.constant 0 : i32
        %add3A_207 = arith.addi %mul3A_205, %add3A_206 : i32
        %get3A = arith.constant 0 : i32
        %get3A_208 = arith.constant 0 : i32
        %get3A_209 = arith.constant 0 : i32
        %get3A_210 = tpu.memref_slice %arg9[%get3A, %get3A_208, %get3A_209] : memref<2x128x64xi32, #tpu.memory_space<vmem>> -> memref<1x128x64xi32, #tpu.memory_space<vmem>>
        %get3A_211 = tpu.memref_squeeze %get3A_210 : memref<1x128x64xi32, #tpu.memory_space<vmem>> -> memref<128x64xi32, #tpu.memory_space<vmem>>
        %get3A_212 = arith.index_cast %add3A_207 : i32 to index
        %get3A_213 = arith.constant 0 : index
        %get3A_214 = tpu.vector_load %get3A_211[%get3A_212, %get3A_213] {strides = array<i32>} : memref<128x64xi32, #tpu.memory_space<vmem>>, vector<16xi32>,
        %bitcast3A = vector.bitcast %get3A_214 : vector<16xi32> to vector<32xbf16>
        %unpack3A = tpu.unpack_subelements %bitcast3A, 0 {pack_format = #tpu.pack_format<interleaved>} : vector<32xbf16> -> vector<16xf32>
        %unpack3A_215 = tpu.unpack_subelements %bitcast3A, 1 {pack_format = #tpu.pack_format<interleaved>} : vector<32xbf16> -> vector<16xf32>
        %swap3A = arith.index_cast %add3A_207 : i32 to index
        %swap3A_216 = arith.constant 0 : index
        %swap3A_217 = tpu.vector_load %arg10[%swap3A, %swap3A_216] {strides = array<i32>} : memref<128x128xf32, #tpu.memory_space<vmem>>, vector<16xf32>,
        tpu.vector_store %arg10[%swap3A, %swap3A_216], %unpack3A {strides = array<i32>} : memref<128x128xf32, #tpu.memory_space<vmem>>, vector<16xf32>,
        %swap3A_218 = arith.index_cast %add3A_207 : i32 to index
        %swap3A_219 = arith.constant 64 : index
        %swap3A_220 = tpu.vector_load %arg10[%swap3A_218, %swap3A_219] {strides = array<i32>} : memref<128x128xf32, #tpu.memory_space<vmem>>, vector<16xf32>,
        tpu.vector_store %arg10[%swap3A_218, %swap3A_219], %unpack3A_215 {strides = array<i32>} : memref<128x128xf32, #tpu.memory_space<vmem>>, vector<16xf32>,
        %get3A_221 = arith.constant 0 : i32
        %get3A_222 = arith.constant 0 : i32
        %get3A_223 = arith.constant 0 : i32
        %get3A_224 = tpu.memref_slice %arg9[%get3A_221, %get3A_222, %get3A_223] : memref<2x128x64xi32, #tpu.memory_space<vmem>> -> memref<1x128x64xi32, #tpu.memory_space<vmem>>
        %get3A_225 = tpu.memref_squeeze %get3A_224 : memref<1x128x64xi32, #tpu.memory_space<vmem>> -> memref<128x64xi32, #tpu.memory_space<vmem>>
        %get3A_226 = arith.index_cast %add3A_207 : i32 to index
        %get3A_227 = arith.constant 16 : index
        %get3A_228 = tpu.vector_load %get3A_225[%get3A_226, %get3A_227] {strides = array<i32>} : memref<128x64xi32, #tpu.memory_space<vmem>>, vector<16xi32>,
        %bitcast3A_229 = vector.bitcast %get3A_228 : vector<16xi32> to vector<32xbf16>
        %unpack3A_230 = tpu.unpack_subelements %bitcast3A_229, 0 {pack_format = #tpu.pack_format<interleaved>} : vector<32xbf16> -> vector<16xf32>
        %unpack3A_231 = tpu.unpack_subelements %bitcast3A_229, 1 {pack_format = #tpu.pack_format<interleaved>} : vector<32xbf16> -> vector<16xf32>
        %swap3A_232 = arith.index_cast %add3A_207 : i32 to index
        %swap3A_233 = arith.constant 16 : index
        %swap3A_234 = tpu.vector_load %arg10[%swap3A_232, %swap3A_233] {strides = array<i32>} : memref<128x128xf32, #tpu.memory_space<vmem>>, vector<16xf32>,
        tpu.vector_store %arg10[%swap3A_232, %swap3A_233], %unpack3A_230 {strides = array<i32>} : memref<128x128xf32, #tpu.memory_space<vmem>>, vector<16xf32>,
        %swap3A_235 = arith.index_cast %add3A_207 : i32 to index
        %swap3A_236 = arith.constant 80 : index
        %swap3A_237 = tpu.vector_load %arg10[%swap3A_235, %swap3A_236] {strides = array<i32>} : memref<128x128xf32, #tpu.memory_space<vmem>>, vector<16xf32>,
        tpu.vector_store %arg10[%swap3A_235, %swap3A_236], %unpack3A_231 {strides = array<i32>} : memref<128x128xf32, #tpu.memory_space<vmem>>, vector<16xf32>,
        %get3A_238 = arith.constant 0 : i32
        %get3A_239 = arith.constant 0 : i32
        %get3A_240 = arith.constant 0 : i32
        %get3A_241 = tpu.memref_slice %arg9[%get3A_238, %get3A_239, %get3A_240] : memref<2x128x64xi32, #tpu.memory_space<vmem>> -> memref<1x128x64xi32, #tpu.memory_space<vmem>>
        %get3A_242 = tpu.memref_squeeze %get3A_241 : memref<1x128x64xi32, #tpu.memory_space<vmem>> -> memref<128x64xi32, #tpu.memory_space<vmem>>
        %get3A_243 = arith.index_cast %add3A_207 : i32 to index
        %get3A_244 = arith.constant 32 : index
        %get3A_245 = tpu.vector_load %get3A_242[%get3A_243, %get3A_244] {strides = array<i32>} : memref<128x64xi32, #tpu.memory_space<vmem>>, vector<16xi32>,
        %bitcast3A_246 = vector.bitcast %get3A_245 : vector<16xi32> to vector<32xbf16>
        %unpack3A_247 = tpu.unpack_subelements %bitcast3A_246, 0 {pack_format = #tpu.pack_format<interleaved>} : vector<32xbf16> -> vector<16xf32>
        %unpack3A_248 = tpu.unpack_subelements %bitcast3A_246, 1 {pack_format = #tpu.pack_format<interleaved>} : vector<32xbf16> -> vector<16xf32>
        %swap3A_249 = arith.index_cast %add3A_207 : i32 to index
        %swap3A_250 = arith.constant 32 : index
        %swap3A_251 = tpu.vector_load %arg10[%swap3A_249, %swap3A_250] {strides = array<i32>} : memref<128x128xf32, #tpu.memory_space<vmem>>, vector<16xf32>,
        tpu.vector_store %arg10[%swap3A_249, %swap3A_250], %unpack3A_247 {strides = array<i32>} : memref<128x128xf32, #tpu.memory_space<vmem>>, vector<16xf32>,
        %swap3A_252 = arith.index_cast %add3A_207 : i32 to index
        %swap3A_253 = arith.constant 96 : index
        %swap3A_254 = tpu.vector_load %arg10[%swap3A_252, %swap3A_253] {strides = array<i32>} : memref<128x128xf32, #tpu.memory_space<vmem>>, vector<16xf32>,
        tpu.vector_store %arg10[%swap3A_252, %swap3A_253], %unpack3A_248 {strides = array<i32>} : memref<128x128xf32, #tpu.memory_space<vmem>>, vector<16xf32>,
        %get3A_255 = arith.constant 0 : i32
        %get3A_256 = arith.constant 0 : i32
        %get3A_257 = arith.constant 0 : i32
        %get3A_258 = tpu.memref_slice %arg9[%get3A_255, %get3A_256, %get3A_257] : memref<2x128x64xi32, #tpu.memory_space<vmem>> -> memref<1x128x64xi32, #tpu.memory_space<vmem>>
        %get3A_259 = tpu.memref_squeeze %get3A_258 : memref<1x128x64xi32, #tpu.memory_space<vmem>> -> memref<128x64xi32, #tpu.memory_space<vmem>>
        %get3A_260 = arith.index_cast %add3A_207 : i32 to index
        %get3A_261 = arith.constant 48 : index
        %get3A_262 = tpu.vector_load %get3A_259[%get3A_260, %get3A_261] {strides = array<i32>} : memref<128x64xi32, #tpu.memory_space<vmem>>, vector<16xi32>,
        %bitcast3A_263 = vector.bitcast %get3A_262 : vector<16xi32> to vector<32xbf16>
        %unpack3A_264 = tpu.unpack_subelements %bitcast3A_263, 0 {pack_format = #tpu.pack_format<interleaved>} : vector<32xbf16> -> vector<16xf32>
        %unpack3A_265 = tpu.unpack_subelements %bitcast3A_263, 1 {pack_format = #tpu.pack_format<interleaved>} : vector<32xbf16> -> vector<16xf32>
        %swap3A_266 = arith.index_cast %add3A_207 : i32 to index
        %swap3A_267 = arith.constant 48 : index
        %swap3A_268 = tpu.vector_load %arg10[%swap3A_266, %swap3A_267] {strides = array<i32>} : memref<128x128xf32, #tpu.memory_space<vmem>>, vector<16xf32>,
        tpu.vector_store %arg10[%swap3A_266, %swap3A_267], %unpack3A_264 {strides = array<i32>} : memref<128x128xf32, #tpu.memory_space<vmem>>, vector<16xf32>,
        %swap3A_269 = arith.index_cast %add3A_207 : i32 to index
        %swap3A_270 = arith.constant 112 : index
        %swap3A_271 = tpu.vector_load %arg10[%swap3A_269, %swap3A_270] {strides = array<i32>} : memref<128x128xf32, #tpu.memory_space<vmem>>, vector<16xf32>,
        tpu.vector_store %arg10[%swap3A_269, %swap3A_270], %unpack3A_265 {strides = array<i32>} : memref<128x128xf32, #tpu.memory_space<vmem>>, vector<16xf32>,
        %mul3A_272 = arith.constant 2 : i32
        %mul3A_273 = arith.muli %scan3A_203, %mul3A_272 : i32
        %add3A_274 = arith.constant 1 : i32
        %add3A_275 = arith.addi %mul3A_273, %add3A_274 : i32
        %get3A_276 = arith.constant 0 : i32
        %get3A_277 = arith.constant 0 : i32
        %get3A_278 = arith.constant 0 : i32
        %get3A_279 = tpu.memref_slice %arg9[%get3A_276, %get3A_277, %get3A_278] : memref<2x128x64xi32, #tpu.memory_space<vmem>> -> memref<1x128x64xi32, #tpu.memory_space<vmem>>
        %get3A_280 = tpu.memref_squeeze %get3A_279 : memref<1x128x64xi32, #tpu.memory_space<vmem>> -> memref<128x64xi32, #tpu.memory_space<vmem>>
        %get3A_281 = arith.index_cast %add3A_275 : i32 to index
        %get3A_282 = arith.constant 0 : index
        %get3A_283 = tpu.vector_load %get3A_280[%get3A_281, %get3A_282] {strides = array<i32>} : memref<128x64xi32, #tpu.memory_space<vmem>>, vector<16xi32>,
        %bitcast3A_284 = vector.bitcast %get3A_283 : vector<16xi32> to vector<32xbf16>
        %unpack3A_285 = tpu.unpack_subelements %bitcast3A_284, 0 {pack_format = #tpu.pack_format<interleaved>} : vector<32xbf16> -> vector<16xf32>
        %unpack3A_286 = tpu.unpack_subelements %bitcast3A_284, 1 {pack_format = #tpu.pack_format<interleaved>} : vector<32xbf16> -> vector<16xf32>
        %swap3A_287 = arith.index_cast %add3A_275 : i32 to index
        %swap3A_288 = arith.constant 0 : index
        %swap3A_289 = tpu.vector_load %arg10[%swap3A_287, %swap3A_288] {strides = array<i32>} : memref<128x128xf32, #tpu.memory_space<vmem>>, vector<16xf32>,
        tpu.vector_store %arg10[%swap3A_287, %swap3A_288], %unpack3A_285 {strides = array<i32>} : memref<128x128xf32, #tpu.memory_space<vmem>>, vector<16xf32>,
        %swap3A_290 = arith.index_cast %add3A_275 : i32 to index
        %swap3A_291 = arith.constant 64 : index
        %swap3A_292 = tpu.vector_load %arg10[%swap3A_290, %swap3A_291] {strides = array<i32>} : memref<128x128xf32, #tpu.memory_space<vmem>>, vector<16xf32>,
        tpu.vector_store %arg10[%swap3A_290, %swap3A_291], %unpack3A_286 {strides = array<i32>} : memref<128x128xf32, #tpu.memory_space<vmem>>, vector<16xf32>,
        %get3A_293 = arith.constant 0 : i32
        %get3A_294 = arith.constant 0 : i32
        %get3A_295 = arith.constant 0 : i32
        %get3A_296 = tpu.memref_slice %arg9[%get3A_293, %get3A_294, %get3A_295] : memref<2x128x64xi32, #tpu.memory_space<vmem>> -> memref<1x128x64xi32, #tpu.memory_space<vmem>>
        %get3A_297 = tpu.memref_squeeze %get3A_296 : memref<1x128x64xi32, #tpu.memory_space<vmem>> -> memref<128x64xi32, #tpu.memory_space<vmem>>
        %get3A_298 = arith.index_cast %add3A_275 : i32 to index
        %get3A_299 = arith.constant 16 : index
        %get3A_300 = tpu.vector_load %get3A_297[%get3A_298, %get3A_299] {strides = array<i32>} : memref<128x64xi32, #tpu.memory_space<vmem>>, vector<16xi32>,
        %bitcast3A_301 = vector.bitcast %get3A_300 : vector<16xi32> to vector<32xbf16>
        %unpack3A_302 = tpu.unpack_subelements %bitcast3A_301, 0 {pack_format = #tpu.pack_format<interleaved>} : vector<32xbf16> -> vector<16xf32>
        %unpack3A_303 = tpu.unpack_subelements %bitcast3A_301, 1 {pack_format = #tpu.pack_format<interleaved>} : vector<32xbf16> -> vector<16xf32>
        %swap3A_304 = arith.index_cast %add3A_275 : i32 to index
        %swap3A_305 = arith.constant 16 : index
        %swap3A_306 = tpu.vector_load %arg10[%swap3A_304, %swap3A_305] {strides = array<i32>} : memref<128x128xf32, #tpu.memory_space<vmem>>, vector<16xf32>,
        tpu.vector_store %arg10[%swap3A_304, %swap3A_305], %unpack3A_302 {strides = array<i32>} : memref<128x128xf32, #tpu.memory_space<vmem>>, vector<16xf32>,
        %swap3A_307 = arith.index_cast %add3A_275 : i32 to index
        %swap3A_308 = arith.constant 80 : index
        %swap3A_309 = tpu.vector_load %arg10[%swap3A_307, %swap3A_308] {strides = array<i32>} : memref<128x128xf32, #tpu.memory_space<vmem>>, vector<16xf32>,
        tpu.vector_store %arg10[%swap3A_307, %swap3A_308], %unpack3A_303 {strides = array<i32>} : memref<128x128xf32, #tpu.memory_space<vmem>>, vector<16xf32>,
        %get3A_310 = arith.constant 0 : i32
        %get3A_311 = arith.constant 0 : i32
        %get3A_312 = arith.constant 0 : i32
        %get3A_313 = tpu.memref_slice %arg9[%get3A_310, %get3A_311, %get3A_312] : memref<2x128x64xi32, #tpu.memory_space<vmem>> -> memref<1x128x64xi32, #tpu.memory_space<vmem>>
        %get3A_314 = tpu.memref_squeeze %get3A_313 : memref<1x128x64xi32, #tpu.memory_space<vmem>> -> memref<128x64xi32, #tpu.memory_space<vmem>>
        %get3A_315 = arith.index_cast %add3A_275 : i32 to index
        %get3A_316 = arith.constant 32 : index
        %get3A_317 = tpu.vector_load %get3A_314[%get3A_315, %get3A_316] {strides = array<i32>} : memref<128x64xi32, #tpu.memory_space<vmem>>, vector<16xi32>,
        %bitcast3A_318 = vector.bitcast %get3A_317 : vector<16xi32> to vector<32xbf16>
        %unpack3A_319 = tpu.unpack_subelements %bitcast3A_318, 0 {pack_format = #tpu.pack_format<interleaved>} : vector<32xbf16> -> vector<16xf32>
        %unpack3A_320 = tpu.unpack_subelements %bitcast3A_318, 1 {pack_format = #tpu.pack_format<interleaved>} : vector<32xbf16> -> vector<16xf32>
        %swap3A_321 = arith.index_cast %add3A_275 : i32 to index
        %swap3A_322 = arith.constant 32 : index
        %swap3A_323 = tpu.vector_load %arg10[%swap3A_321, %swap3A_322] {strides = array<i32>} : memref<128x128xf32, #tpu.memory_space<vmem>>, vector<16xf32>,
        tpu.vector_store %arg10[%swap3A_321, %swap3A_322], %unpack3A_319 {strides = array<i32>} : memref<128x128xf32, #tpu.memory_space<vmem>>, vector<16xf32>,
        %swap3A_324 = arith.index_cast %add3A_275 : i32 to index
        %swap3A_325 = arith.constant 96 : index
        %swap3A_326 = tpu.vector_load %arg10[%swap3A_324, %swap3A_325] {strides = array<i32>} : memref<128x128xf32, #tpu.memory_space<vmem>>, vector<16xf32>,
        tpu.vector_store %arg10[%swap3A_324, %swap3A_325], %unpack3A_320 {strides = array<i32>} : memref<128x128xf32, #tpu.memory_space<vmem>>, vector<16xf32>,
        %get3A_327 = arith.constant 0 : i32
        %get3A_328 = arith.constant 0 : i32
        %get3A_329 = arith.constant 0 : i32
        %get3A_330 = tpu.memref_slice %arg9[%get3A_327, %get3A_328, %get3A_329] : memref<2x128x64xi32, #tpu.memory_space<vmem>> -> memref<1x128x64xi32, #tpu.memory_space<vmem>>
        %get3A_331 = tpu.memref_squeeze %get3A_330 : memref<1x128x64xi32, #tpu.memory_space<vmem>> -> memref<128x64xi32, #tpu.memory_space<vmem>>
        %get3A_332 = arith.index_cast %add3A_275 : i32 to index
        %get3A_333 = arith.constant 48 : index
        %get3A_334 = tpu.vector_load %get3A_331[%get3A_332, %get3A_333] {strides = array<i32>} : memref<128x64xi32, #tpu.memory_space<vmem>>, vector<16xi32>,
        %bitcast3A_335 = vector.bitcast %get3A_334 : vector<16xi32> to vector<32xbf16>
        %unpack3A_336 = tpu.unpack_subelements %bitcast3A_335, 0 {pack_format = #tpu.pack_format<interleaved>} : vector<32xbf16> -> vector<16xf32>
        %unpack3A_337 = tpu.unpack_subelements %bitcast3A_335, 1 {pack_format = #tpu.pack_format<interleaved>} : vector<32xbf16> -> vector<16xf32>
        %swap3A_338 = arith.index_cast %add3A_275 : i32 to index
        %swap3A_339 = arith.constant 48 : index
        %swap3A_340 = tpu.vector_load %arg10[%swap3A_338, %swap3A_339] {strides = array<i32>} : memref<128x128xf32, #tpu.memory_space<vmem>>, vector<16xf32>,
        tpu.vector_store %arg10[%swap3A_338, %swap3A_339], %unpack3A_336 {strides = array<i32>} : memref<128x128xf32, #tpu.memory_space<vmem>>, vector<16xf32>,
        %swap3A_341 = arith.index_cast %add3A_275 : i32 to index
        %swap3A_342 = arith.constant 112 : index
        %swap3A_343 = tpu.vector_load %arg10[%swap3A_341, %swap3A_342] {strides = array<i32>} : memref<128x128xf32, #tpu.memory_space<vmem>>, vector<16xf32>,
        tpu.vector_store %arg10[%swap3A_341, %swap3A_342], %unpack3A_337 {strides = array<i32>} : memref<128x128xf32, #tpu.memory_space<vmem>>, vector<16xf32>,
      }
      %scan3A_170 = arith.constant 64 : i32
      "tpu.region"() ({
        %run_scoped3A_203 = tpu.sem_alloc : memref<!tpu.dma_semaphore, #tpu.memory_space<semaphore_mem>>
        %dma_start3A_204 = arith.constant 0 : i32
        %dma_start3A_205 = tpu.memref_slice %arg8[%mul3A_140, %dma_start3A_204] : memref<40x128xi32, #tpu.memory_space<vmem>> -> memref<1x128xi32, #tpu.memory_space<vmem>>
        %dma_start3A_206 = tpu.memref_squeeze %dma_start3A_205 : memref<1x128xi32, #tpu.memory_space<vmem>> -> memref<128xi32, #tpu.memory_space<vmem>>
        %dma_start3A_207 = arith.constant 0 : i32
        %dma_start3A_208 = arith.constant 0 : i32
        %dma_start3A_209 = tpu.memref_slice %arg11[%dma_start3A_207, %dma_start3A_208] : memref<10240x128xf32, #tpu.memory_space<vmem_shared>> -> memref<10240x128xf32, #tpu.memory_space<vmem_shared>>
        tpu.enqueue_indirect_dma source(%arg10 : memref<128x128xf32, #tpu.memory_space<vmem>>) target(%dma_start3A_209 : memref<10240x128xf32, #tpu.memory_space<vmem_shared>>) offsets(%dma_start3A_206 : memref<128xi32, #tpu.memory_space<vmem>>) semaphore(%run_scoped3A_203 : memref<!tpu.dma_semaphore, #tpu.memory_space<semaphore_mem>>) {add = true}
        %dma_wait3A_210 = arith.constant 0 : i32
        %dma_wait3A_211 = tpu.memref_slice %arg8[%mul3A_140, %dma_wait3A_210] : memref<40x128xi32, #tpu.memory_space<vmem>> -> memref<1x128xi32, #tpu.memory_space<vmem>>
        %dma_wait3A_212 = tpu.memref_squeeze %dma_wait3A_211 : memref<1x128xi32, #tpu.memory_space<vmem>> -> memref<128xi32, #tpu.memory_space<vmem>>
        %dma_wait3A_213 = arith.constant 0 : i32
        %dma_wait3A_214 = arith.constant 0 : i32
        %dma_wait3A_215 = tpu.memref_slice %arg11[%dma_wait3A_213, %dma_wait3A_214] : memref<10240x128xf32, #tpu.memory_space<vmem_shared>> -> memref<10240x128xf32, #tpu.memory_space<vmem_shared>>
        tpu.wait_indirect_dma semaphore(%run_scoped3A_203 : memref<!tpu.dma_semaphore, #tpu.memory_space<semaphore_mem>>) src(%arg10 : memref<128x128xf32, #tpu.memory_space<vmem>>) dst(%dma_wait3A_215 : memref<10240x128xf32, #tpu.memory_space<vmem_shared>>)
        tpu.yield
      }) : () -> ()
      %add3A_171 = arith.constant 2 : i32
      %add3A_172 = arith.addi %mul3A_140, %add3A_171 : i32
      %mul3A_173 = arith.constant 128 : i32
      %mul3A_174 = arith.muli %add3A_172, %mul3A_173 : i32
      %dma_start3A_175 = arith.constant 0 : i32
      %dma_start3A_176 = arith.constant 0 : i32
      %dma_start3A_177 = arith.constant 0 : i32
      %dma_start3A_178 = tpu.memref_slice %arg9[%dma_start3A_175, %dma_start3A_176, %dma_start3A_177] : memref<2x128x64xi32, #tpu.memory_space<vmem>> -> memref<1x128x64xi32, #tpu.memory_space<vmem>>
      %dma_start3A_179 = tpu.memref_squeeze %dma_start3A_178 : memref<1x128x64xi32, #tpu.memory_space<vmem>> -> memref<128x64xi32, #tpu.memory_space<vmem>>
      %dma_start3A_180 = tpu.memref_slice %arg7[%mul3A_174] : memref<5120xi32, #tpu.memory_space<vmem>> -> memref<128xi32, #tpu.memory_space<vmem>>
      %dma_start3A_181 = arith.constant 0 : i32
      %dma_start3A_182 = arith.constant 0 : i32
      %dma_start3A_183 = tpu.memref_slice %arg2[%dma_start3A_181, %dma_start3A_182] : memref<10000x64xi32, #tpu.memory_space<hbm>> -> memref<10000x64xi32, #tpu.memory_space<hbm>>
      tpu.enqueue_indirect_dma source(%dma_start3A_183 : memref<10000x64xi32, #tpu.memory_space<hbm>>) target(%dma_start3A_179 : memref<128x64xi32, #tpu.memory_space<vmem>>) offsets(%dma_start3A_180 : memref<128xi32, #tpu.memory_space<vmem>>) semaphore(%arg12 : memref<!tpu.dma_semaphore, #tpu.memory_space<semaphore_mem>>)
      %add3A_184 = arith.constant 1 : i32
      %add3A_185 = arith.addi %mul3A_140, %add3A_184 : i32
      %mul3A_186 = arith.constant 128 : i32
      %mul3A_187 = arith.muli %add3A_185, %mul3A_186 : i32
      %dma_wait3A_188 = arith.constant 1 : i32
      %dma_wait3A_189 = arith.constant 0 : i32
      %dma_wait3A_190 = arith.constant 0 : i32
      %dma_wait3A_191 = tpu.memref_slice %arg9[%dma_wait3A_188, %dma_wait3A_189, %dma_wait3A_190] : memref<2x128x64xi32, #tpu.memory_space<vmem>> -> memref<1x128x64xi32, #tpu.memory_space<vmem>>
      %dma_wait3A_192 = tpu.memref_squeeze %dma_wait3A_191 : memref<1x128x64xi32, #tpu.memory_space<vmem>> -> memref<128x64xi32, #tpu.memory_space<vmem>>
      %dma_wait3A_193 = tpu.memref_slice %arg7[%mul3A_187] : memref<5120xi32, #tpu.memory_space<vmem>> -> memref<128xi32, #tpu.memory_space<vmem>>
      %dma_wait3A_194 = arith.constant 0 : i32
      %dma_wait3A_195 = arith.constant 0 : i32
      %dma_wait3A_196 = tpu.memref_slice %arg2[%dma_wait3A_194, %dma_wait3A_195] : memref<10000x64xi32, #tpu.memory_space<hbm>> -> memref<10000x64xi32, #tpu.memory_space<hbm>>
      tpu.wait_indirect_dma semaphore(%arg13 : memref<!tpu.dma_semaphore, #tpu.memory_space<semaphore_mem>>) src(%dma_wait3A_196 : memref<10000x64xi32, #tpu.memory_space<hbm>>) dst(%dma_wait3A_192 : memref<128x64xi32, #tpu.memory_space<vmem>>)
      %scan3A_197 = arith.constant 0 : i32
      %scan3A_198 = arith.constant 0 : i32
      %scan3A_199 = arith.constant 64 : i32
      %scan3A_200 = arith.addi %scan3A_198, %scan3A_199 : i32
      %scan3A_201 = arith.constant 1 : i32
      scf.for %scan3A_203 = %scan3A_198 to %scan3A_200 step %scan3A_201  : i32 {
        %mul3A_204 = arith.constant 2 : i32
        %mul3A_205 = arith.muli %scan3A_203, %mul3A_204 : i32
        %add3A_206 = arith.constant 0 : i32
        %add3A_207 = arith.addi %mul3A_205, %add3A_206 : i32
        %get3A = arith.constant 1 : i32
        %get3A_208 = arith.constant 0 : i32
        %get3A_209 = arith.constant 0 : i32
        %get3A_210 = tpu.memref_slice %arg9[%get3A, %get3A_208, %get3A_209] : memref<2x128x64xi32, #tpu.memory_space<vmem>> -> memref<1x128x64xi32, #tpu.memory_space<vmem>>
        %get3A_211 = tpu.memref_squeeze %get3A_210 : memref<1x128x64xi32, #tpu.memory_space<vmem>> -> memref<128x64xi32, #tpu.memory_space<vmem>>
        %get3A_212 = arith.index_cast %add3A_207 : i32 to index
        %get3A_213 = arith.constant 0 : index
        %get3A_214 = tpu.vector_load %get3A_211[%get3A_212, %get3A_213] {strides = array<i32>} : memref<128x64xi32, #tpu.memory_space<vmem>>, vector<16xi32>,
        %bitcast3A = vector.bitcast %get3A_214 : vector<16xi32> to vector<32xbf16>
        %unpack3A = tpu.unpack_subelements %bitcast3A, 0 {pack_format = #tpu.pack_format<interleaved>} : vector<32xbf16> -> vector<16xf32>
        %unpack3A_215 = tpu.unpack_subelements %bitcast3A, 1 {pack_format = #tpu.pack_format<interleaved>} : vector<32xbf16> -> vector<16xf32>
        %swap3A = arith.index_cast %add3A_207 : i32 to index
        %swap3A_216 = arith.constant 0 : index
        %swap3A_217 = tpu.vector_load %arg10[%swap3A, %swap3A_216] {strides = array<i32>} : memref<128x128xf32, #tpu.memory_space<vmem>>, vector<16xf32>,
        tpu.vector_store %arg10[%swap3A, %swap3A_216], %unpack3A {strides = array<i32>} : memref<128x128xf32, #tpu.memory_space<vmem>>, vector<16xf32>,
        %swap3A_218 = arith.index_cast %add3A_207 : i32 to index
        %swap3A_219 = arith.constant 64 : index
        %swap3A_220 = tpu.vector_load %arg10[%swap3A_218, %swap3A_219] {strides = array<i32>} : memref<128x128xf32, #tpu.memory_space<vmem>>, vector<16xf32>,
        tpu.vector_store %arg10[%swap3A_218, %swap3A_219], %unpack3A_215 {strides = array<i32>} : memref<128x128xf32, #tpu.memory_space<vmem>>, vector<16xf32>,
        %get3A_221 = arith.constant 1 : i32
        %get3A_222 = arith.constant 0 : i32
        %get3A_223 = arith.constant 0 : i32
        %get3A_224 = tpu.memref_slice %arg9[%get3A_221, %get3A_222, %get3A_223] : memref<2x128x64xi32, #tpu.memory_space<vmem>> -> memref<1x128x64xi32, #tpu.memory_space<vmem>>
        %get3A_225 = tpu.memref_squeeze %get3A_224 : memref<1x128x64xi32, #tpu.memory_space<vmem>> -> memref<128x64xi32, #tpu.memory_space<vmem>>
        %get3A_226 = arith.index_cast %add3A_207 : i32 to index
        %get3A_227 = arith.constant 16 : index
        %get3A_228 = tpu.vector_load %get3A_225[%get3A_226, %get3A_227] {strides = array<i32>} : memref<128x64xi32, #tpu.memory_space<vmem>>, vector<16xi32>,
        %bitcast3A_229 = vector.bitcast %get3A_228 : vector<16xi32> to vector<32xbf16>
        %unpack3A_230 = tpu.unpack_subelements %bitcast3A_229, 0 {pack_format = #tpu.pack_format<interleaved>} : vector<32xbf16> -> vector<16xf32>
        %unpack3A_231 = tpu.unpack_subelements %bitcast3A_229, 1 {pack_format = #tpu.pack_format<interleaved>} : vector<32xbf16> -> vector<16xf32>
        %swap3A_232 = arith.index_cast %add3A_207 : i32 to index
        %swap3A_233 = arith.constant 16 : index
        %swap3A_234 = tpu.vector_load %arg10[%swap3A_232, %swap3A_233] {strides = array<i32>} : memref<128x128xf32, #tpu.memory_space<vmem>>, vector<16xf32>,
        tpu.vector_store %arg10[%swap3A_232, %swap3A_233], %unpack3A_230 {strides = array<i32>} : memref<128x128xf32, #tpu.memory_space<vmem>>, vector<16xf32>,
        %swap3A_235 = arith.index_cast %add3A_207 : i32 to index
        %swap3A_236 = arith.constant 80 : index
        %swap3A_237 = tpu.vector_load %arg10[%swap3A_235, %swap3A_236] {strides = array<i32>} : memref<128x128xf32, #tpu.memory_space<vmem>>, vector<16xf32>,
        tpu.vector_store %arg10[%swap3A_235, %swap3A_236], %unpack3A_231 {strides = array<i32>} : memref<128x128xf32, #tpu.memory_space<vmem>>, vector<16xf32>,
        %get3A_238 = arith.constant 1 : i32
        %get3A_239 = arith.constant 0 : i32
        %get3A_240 = arith.constant 0 : i32
        %get3A_241 = tpu.memref_slice %arg9[%get3A_238, %get3A_239, %get3A_240] : memref<2x128x64xi32, #tpu.memory_space<vmem>> -> memref<1x128x64xi32, #tpu.memory_space<vmem>>
        %get3A_242 = tpu.memref_squeeze %get3A_241 : memref<1x128x64xi32, #tpu.memory_space<vmem>> -> memref<128x64xi32, #tpu.memory_space<vmem>>
        %get3A_243 = arith.index_cast %add3A_207 : i32 to index
        %get3A_244 = arith.constant 32 : index
        %get3A_245 = tpu.vector_load %get3A_242[%get3A_243, %get3A_244] {strides = array<i32>} : memref<128x64xi32, #tpu.memory_space<vmem>>, vector<16xi32>,
        %bitcast3A_246 = vector.bitcast %get3A_245 : vector<16xi32> to vector<32xbf16>
        %unpack3A_247 = tpu.unpack_subelements %bitcast3A_246, 0 {pack_format = #tpu.pack_format<interleaved>} : vector<32xbf16> -> vector<16xf32>
        %unpack3A_248 = tpu.unpack_subelements %bitcast3A_246, 1 {pack_format = #tpu.pack_format<interleaved>} : vector<32xbf16> -> vector<16xf32>
        %swap3A_249 = arith.index_cast %add3A_207 : i32 to index
        %swap3A_250 = arith.constant 32 : index
        %swap3A_251 = tpu.vector_load %arg10[%swap3A_249, %swap3A_250] {strides = array<i32>} : memref<128x128xf32, #tpu.memory_space<vmem>>, vector<16xf32>,
        tpu.vector_store %arg10[%swap3A_249, %swap3A_250], %unpack3A_247 {strides = array<i32>} : memref<128x128xf32, #tpu.memory_space<vmem>>, vector<16xf32>,
        %swap3A_252 = arith.index_cast %add3A_207 : i32 to index
        %swap3A_253 = arith.constant 96 : index
        %swap3A_254 = tpu.vector_load %arg10[%swap3A_252, %swap3A_253] {strides = array<i32>} : memref<128x128xf32, #tpu.memory_space<vmem>>, vector<16xf32>,
        tpu.vector_store %arg10[%swap3A_252, %swap3A_253], %unpack3A_248 {strides = array<i32>} : memref<128x128xf32, #tpu.memory_space<vmem>>, vector<16xf32>,
        %get3A_255 = arith.constant 1 : i32
        %get3A_256 = arith.constant 0 : i32
        %get3A_257 = arith.constant 0 : i32
        %get3A_258 = tpu.memref_slice %arg9[%get3A_255, %get3A_256, %get3A_257] : memref<2x128x64xi32, #tpu.memory_space<vmem>> -> memref<1x128x64xi32, #tpu.memory_space<vmem>>
        %get3A_259 = tpu.memref_squeeze %get3A_258 : memref<1x128x64xi32, #tpu.memory_space<vmem>> -> memref<128x64xi32, #tpu.memory_space<vmem>>
        %get3A_260 = arith.index_cast %add3A_207 : i32 to index
        %get3A_261 = arith.constant 48 : index
        %get3A_262 = tpu.vector_load %get3A_259[%get3A_260, %get3A_261] {strides = array<i32>} : memref<128x64xi32, #tpu.memory_space<vmem>>, vector<16xi32>,
        %bitcast3A_263 = vector.bitcast %get3A_262 : vector<16xi32> to vector<32xbf16>
        %unpack3A_264 = tpu.unpack_subelements %bitcast3A_263, 0 {pack_format = #tpu.pack_format<interleaved>} : vector<32xbf16> -> vector<16xf32>
        %unpack3A_265 = tpu.unpack_subelements %bitcast3A_263, 1 {pack_format = #tpu.pack_format<interleaved>} : vector<32xbf16> -> vector<16xf32>
        %swap3A_266 = arith.index_cast %add3A_207 : i32 to index
        %swap3A_267 = arith.constant 48 : index
        %swap3A_268 = tpu.vector_load %arg10[%swap3A_266, %swap3A_267] {strides = array<i32>} : memref<128x128xf32, #tpu.memory_space<vmem>>, vector<16xf32>,
        tpu.vector_store %arg10[%swap3A_266, %swap3A_267], %unpack3A_264 {strides = array<i32>} : memref<128x128xf32, #tpu.memory_space<vmem>>, vector<16xf32>,
        %swap3A_269 = arith.index_cast %add3A_207 : i32 to index
        %swap3A_270 = arith.constant 112 : index
        %swap3A_271 = tpu.vector_load %arg10[%swap3A_269, %swap3A_270] {strides = array<i32>} : memref<128x128xf32, #tpu.memory_space<vmem>>, vector<16xf32>,
        tpu.vector_store %arg10[%swap3A_269, %swap3A_270], %unpack3A_265 {strides = array<i32>} : memref<128x128xf32, #tpu.memory_space<vmem>>, vector<16xf32>,
        %mul3A_272 = arith.constant 2 : i32
        %mul3A_273 = arith.muli %scan3A_203, %mul3A_272 : i32
        %add3A_274 = arith.constant 1 : i32
        %add3A_275 = arith.addi %mul3A_273, %add3A_274 : i32
        %get3A_276 = arith.constant 1 : i32
        %get3A_277 = arith.constant 0 : i32
        %get3A_278 = arith.constant 0 : i32
        %get3A_279 = tpu.memref_slice %arg9[%get3A_276, %get3A_277, %get3A_278] : memref<2x128x64xi32, #tpu.memory_space<vmem>> -> memref<1x128x64xi32, #tpu.memory_space<vmem>>
        %get3A_280 = tpu.memref_squeeze %get3A_279 : memref<1x128x64xi32, #tpu.memory_space<vmem>> -> memref<128x64xi32, #tpu.memory_space<vmem>>
        %get3A_281 = arith.index_cast %add3A_275 : i32 to index
        %get3A_282 = arith.constant 0 : index
        %get3A_283 = tpu.vector_load %get3A_280[%get3A_281, %get3A_282] {strides = array<i32>} : memref<128x64xi32, #tpu.memory_space<vmem>>, vector<16xi32>,
        %bitcast3A_284 = vector.bitcast %get3A_283 : vector<16xi32> to vector<32xbf16>
        %unpack3A_285 = tpu.unpack_subelements %bitcast3A_284, 0 {pack_format = #tpu.pack_format<interleaved>} : vector<32xbf16> -> vector<16xf32>
        %unpack3A_286 = tpu.unpack_subelements %bitcast3A_284, 1 {pack_format = #tpu.pack_format<interleaved>} : vector<32xbf16> -> vector<16xf32>
        %swap3A_287 = arith.index_cast %add3A_275 : i32 to index
        %swap3A_288 = arith.constant 0 : index
        %swap3A_289 = tpu.vector_load %arg10[%swap3A_287, %swap3A_288] {strides = array<i32>} : memref<128x128xf32, #tpu.memory_space<vmem>>, vector<16xf32>,
        tpu.vector_store %arg10[%swap3A_287, %swap3A_288], %unpack3A_285 {strides = array<i32>} : memref<128x128xf32, #tpu.memory_space<vmem>>, vector<16xf32>,
        %swap3A_290 = arith.index_cast %add3A_275 : i32 to index
        %swap3A_291 = arith.constant 64 : index
        %swap3A_292 = tpu.vector_load %arg10[%swap3A_290, %swap3A_291] {strides = array<i32>} : memref<128x128xf32, #tpu.memory_space<vmem>>, vector<16xf32>,
        tpu.vector_store %arg10[%swap3A_290, %swap3A_291], %unpack3A_286 {strides = array<i32>} : memref<128x128xf32, #tpu.memory_space<vmem>>, vector<16xf32>,
        %get3A_293 = arith.constant 1 : i32
        %get3A_294 = arith.constant 0 : i32
        %get3A_295 = arith.constant 0 : i32
        %get3A_296 = tpu.memref_slice %arg9[%get3A_293, %get3A_294, %get3A_295] : memref<2x128x64xi32, #tpu.memory_space<vmem>> -> memref<1x128x64xi32, #tpu.memory_space<vmem>>
        %get3A_297 = tpu.memref_squeeze %get3A_296 : memref<1x128x64xi32, #tpu.memory_space<vmem>> -> memref<128x64xi32, #tpu.memory_space<vmem>>
        %get3A_298 = arith.index_cast %add3A_275 : i32 to index
        %get3A_299 = arith.constant 16 : index
        %get3A_300 = tpu.vector_load %get3A_297[%get3A_298, %get3A_299] {strides = array<i32>} : memref<128x64xi32, #tpu.memory_space<vmem>>, vector<16xi32>,
        %bitcast3A_301 = vector.bitcast %get3A_300 : vector<16xi32> to vector<32xbf16>
        %unpack3A_302 = tpu.unpack_subelements %bitcast3A_301, 0 {pack_format = #tpu.pack_format<interleaved>} : vector<32xbf16> -> vector<16xf32>
        %unpack3A_303 = tpu.unpack_subelements %bitcast3A_301, 1 {pack_format = #tpu.pack_format<interleaved>} : vector<32xbf16> -> vector<16xf32>
        %swap3A_304 = arith.index_cast %add3A_275 : i32 to index
        %swap3A_305 = arith.constant 16 : index
        %swap3A_306 = tpu.vector_load %arg10[%swap3A_304, %swap3A_305] {strides = array<i32>} : memref<128x128xf32, #tpu.memory_space<vmem>>, vector<16xf32>,
        tpu.vector_store %arg10[%swap3A_304, %swap3A_305], %unpack3A_302 {strides = array<i32>} : memref<128x128xf32, #tpu.memory_space<vmem>>, vector<16xf32>,
        %swap3A_307 = arith.index_cast %add3A_275 : i32 to index
        %swap3A_308 = arith.constant 80 : index
        %swap3A_309 = tpu.vector_load %arg10[%swap3A_307, %swap3A_308] {strides = array<i32>} : memref<128x128xf32, #tpu.memory_space<vmem>>, vector<16xf32>,
        tpu.vector_store %arg10[%swap3A_307, %swap3A_308], %unpack3A_303 {strides = array<i32>} : memref<128x128xf32, #tpu.memory_space<vmem>>, vector<16xf32>,
        %get3A_310 = arith.constant 1 : i32
        %get3A_311 = arith.constant 0 : i32
        %get3A_312 = arith.constant 0 : i32
        %get3A_313 = tpu.memref_slice %arg9[%get3A_310, %get3A_311, %get3A_312] : memref<2x128x64xi32, #tpu.memory_space<vmem>> -> memref<1x128x64xi32, #tpu.memory_space<vmem>>
        %get3A_314 = tpu.memref_squeeze %get3A_313 : memref<1x128x64xi32, #tpu.memory_space<vmem>> -> memref<128x64xi32, #tpu.memory_space<vmem>>
        %get3A_315 = arith.index_cast %add3A_275 : i32 to index
        %get3A_316 = arith.constant 32 : index
        %get3A_317 = tpu.vector_load %get3A_314[%get3A_315, %get3A_316] {strides = array<i32>} : memref<128x64xi32, #tpu.memory_space<vmem>>, vector<16xi32>,
        %bitcast3A_318 = vector.bitcast %get3A_317 : vector<16xi32> to vector<32xbf16>
        %unpack3A_319 = tpu.unpack_subelements %bitcast3A_318, 0 {pack_format = #tpu.pack_format<interleaved>} : vector<32xbf16> -> vector<16xf32>
        %unpack3A_320 = tpu.unpack_subelements %bitcast3A_318, 1 {pack_format = #tpu.pack_format<interleaved>} : vector<32xbf16> -> vector<16xf32>
        %swap3A_321 = arith.index_cast %add3A_275 : i32 to index
        %swap3A_322 = arith.constant 32 : index
        %swap3A_323 = tpu.vector_load %arg10[%swap3A_321, %swap3A_322] {strides = array<i32>} : memref<128x128xf32, #tpu.memory_space<vmem>>, vector<16xf32>,
        tpu.vector_store %arg10[%swap3A_321, %swap3A_322], %unpack3A_319 {strides = array<i32>} : memref<128x128xf32, #tpu.memory_space<vmem>>, vector<16xf32>,
        %swap3A_324 = arith.index_cast %add3A_275 : i32 to index
        %swap3A_325 = arith.constant 96 : index
        %swap3A_326 = tpu.vector_load %arg10[%swap3A_324, %swap3A_325] {strides = array<i32>} : memref<128x128xf32, #tpu.memory_space<vmem>>, vector<16xf32>,
        tpu.vector_store %arg10[%swap3A_324, %swap3A_325], %unpack3A_320 {strides = array<i32>} : memref<128x128xf32, #tpu.memory_space<vmem>>, vector<16xf32>,
        %get3A_327 = arith.constant 1 : i32
        %get3A_328 = arith.constant 0 : i32
        %get3A_329 = arith.constant 0 : i32
        %get3A_330 = tpu.memref_slice %arg9[%get3A_327, %get3A_328, %get3A_329] : memref<2x128x64xi32, #tpu.memory_space<vmem>> -> memref<1x128x64xi32, #tpu.memory_space<vmem>>
        %get3A_331 = tpu.memref_squeeze %get3A_330 : memref<1x128x64xi32, #tpu.memory_space<vmem>> -> memref<128x64xi32, #tpu.memory_space<vmem>>
        %get3A_332 = arith.index_cast %add3A_275 : i32 to index
        %get3A_333 = arith.constant 48 : index
        %get3A_334 = tpu.vector_load %get3A_331[%get3A_332, %get3A_333] {strides = array<i32>} : memref<128x64xi32, #tpu.memory_space<vmem>>, vector<16xi32>,
        %bitcast3A_335 = vector.bitcast %get3A_334 : vector<16xi32> to vector<32xbf16>
        %unpack3A_336 = tpu.unpack_subelements %bitcast3A_335, 0 {pack_format = #tpu.pack_format<interleaved>} : vector<32xbf16> -> vector<16xf32>
        %unpack3A_337 = tpu.unpack_subelements %bitcast3A_335, 1 {pack_format = #tpu.pack_format<interleaved>} : vector<32xbf16> -> vector<16xf32>
        %swap3A_338 = arith.index_cast %add3A_275 : i32 to index
        %swap3A_339 = arith.constant 48 : index
        %swap3A_340 = tpu.vector_load %arg10[%swap3A_338, %swap3A_339] {strides = array<i32>} : memref<128x128xf32, #tpu.memory_space<vmem>>, vector<16xf32>,
        tpu.vector_store %arg10[%swap3A_338, %swap3A_339], %unpack3A_336 {strides = array<i32>} : memref<128x128xf32, #tpu.memory_space<vmem>>, vector<16xf32>,
        %swap3A_341 = arith.index_cast %add3A_275 : i32 to index
        %swap3A_342 = arith.constant 112 : index
        %swap3A_343 = tpu.vector_load %arg10[%swap3A_341, %swap3A_342] {strides = array<i32>} : memref<128x128xf32, #tpu.memory_space<vmem>>, vector<16xf32>,
        tpu.vector_store %arg10[%swap3A_341, %swap3A_342], %unpack3A_337 {strides = array<i32>} : memref<128x128xf32, #tpu.memory_space<vmem>>, vector<16xf32>,
      }
      %scan3A_202 = arith.constant 64 : i32
      "tpu.region"() ({
        %run_scoped3A_203 = tpu.sem_alloc : memref<!tpu.dma_semaphore, #tpu.memory_space<semaphore_mem>>
        %dma_start3A_204 = arith.constant 0 : i32
        %dma_start3A_205 = tpu.memref_slice %arg8[%add3A_185, %dma_start3A_204] : memref<40x128xi32, #tpu.memory_space<vmem>> -> memref<1x128xi32, #tpu.memory_space<vmem>>
        %dma_start3A_206 = tpu.memref_squeeze %dma_start3A_205 : memref<1x128xi32, #tpu.memory_space<vmem>> -> memref<128xi32, #tpu.memory_space<vmem>>
        %dma_start3A_207 = arith.constant 0 : i32
        %dma_start3A_208 = arith.constant 0 : i32
        %dma_start3A_209 = tpu.memref_slice %arg11[%dma_start3A_207, %dma_start3A_208] : memref<10240x128xf32, #tpu.memory_space<vmem_shared>> -> memref<10240x128xf32, #tpu.memory_space<vmem_shared>>
        tpu.enqueue_indirect_dma source(%arg10 : memref<128x128xf32, #tpu.memory_space<vmem>>) target(%dma_start3A_209 : memref<10240x128xf32, #tpu.memory_space<vmem_shared>>) offsets(%dma_start3A_206 : memref<128xi32, #tpu.memory_space<vmem>>) semaphore(%run_scoped3A_203 : memref<!tpu.dma_semaphore, #tpu.memory_space<semaphore_mem>>) {add = true}
        %dma_wait3A_210 = arith.constant 0 : i32
        %dma_wait3A_211 = tpu.memref_slice %arg8[%add3A_185, %dma_wait3A_210] : memref<40x128xi32, #tpu.memory_space<vmem>> -> memref<1x128xi32, #tpu.memory_space<vmem>>
        %dma_wait3A_212 = tpu.memref_squeeze %dma_wait3A_211 : memref<1x128xi32, #tpu.memory_space<vmem>> -> memref<128xi32, #tpu.memory_space<vmem>>
        %dma_wait3A_213 = arith.constant 0 : i32
        %dma_wait3A_214 = arith.constant 0 : i32
        %dma_wait3A_215 = tpu.memref_slice %arg11[%dma_wait3A_213, %dma_wait3A_214] : memref<10240x128xf32, #tpu.memory_space<vmem_shared>> -> memref<10240x128xf32, #tpu.memory_space<vmem_shared>>
        tpu.wait_indirect_dma semaphore(%run_scoped3A_203 : memref<!tpu.dma_semaphore, #tpu.memory_space<semaphore_mem>>) src(%arg10 : memref<128x128xf32, #tpu.memory_space<vmem>>) dst(%dma_wait3A_215 : memref<10240x128xf32, #tpu.memory_space<vmem_shared>>)
        tpu.yield
      }) : () -> ()
    }
    %scan3A_26 = arith.constant 19 : i32
    %dma_start3A_27 = arith.constant 1 : i32
    %dma_start3A_28 = arith.constant 0 : i32
    %dma_start3A_29 = arith.constant 0 : i32
    %dma_start3A_30 = tpu.memref_slice %arg9[%dma_start3A_27, %dma_start3A_28, %dma_start3A_29] : memref<2x128x64xi32, #tpu.memory_space<vmem>> -> memref<1x128x64xi32, #tpu.memory_space<vmem>>
    %dma_start3A_31 = tpu.memref_squeeze %dma_start3A_30 : memref<1x128x64xi32, #tpu.memory_space<vmem>> -> memref<128x64xi32, #tpu.memory_space<vmem>>
    %dma_start3A_32 = arith.constant 4992 : i32
    %dma_start3A_33 = tpu.memref_slice %arg7[%dma_start3A_32] : memref<5120xi32, #tpu.memory_space<vmem>> -> memref<128xi32, #tpu.memory_space<vmem>>
    %dma_start3A_34 = arith.constant 0 : i32
    %dma_start3A_35 = arith.constant 0 : i32
    %dma_start3A_36 = tpu.memref_slice %arg2[%dma_start3A_34, %dma_start3A_35] : memref<10000x64xi32, #tpu.memory_space<hbm>> -> memref<10000x64xi32, #tpu.memory_space<hbm>>
    tpu.enqueue_indirect_dma source(%dma_start3A_36 : memref<10000x64xi32, #tpu.memory_space<hbm>>) target(%dma_start3A_31 : memref<128x64xi32, #tpu.memory_space<vmem>>) offsets(%dma_start3A_33 : memref<128xi32, #tpu.memory_space<vmem>>) semaphore(%arg13 : memref<!tpu.dma_semaphore, #tpu.memory_space<semaphore_mem>>)
    %dma_wait3A = arith.constant 0 : i32
    %dma_wait3A_37 = arith.constant 0 : i32
    %dma_wait3A_38 = arith.constant 0 : i32
    %dma_wait3A_39 = tpu.memref_slice %arg9[%dma_wait3A, %dma_wait3A_37, %dma_wait3A_38] : memref<2x128x64xi32, #tpu.memory_space<vmem>> -> memref<1x128x64xi32, #tpu.memory_space<vmem>>
    %dma_wait3A_40 = tpu.memref_squeeze %dma_wait3A_39 : memref<1x128x64xi32, #tpu.memory_space<vmem>> -> memref<128x64xi32, #tpu.memory_space<vmem>>
    %dma_wait3A_41 = arith.constant 4864 : i32
    %dma_wait3A_42 = tpu.memref_slice %arg7[%dma_wait3A_41] : memref<5120xi32, #tpu.memory_space<vmem>> -> memref<128xi32, #tpu.memory_space<vmem>>
    %dma_wait3A_43 = arith.constant 0 : i32
    %dma_wait3A_44 = arith.constant 0 : i32
    %dma_wait3A_45 = tpu.memref_slice %arg2[%dma_wait3A_43, %dma_wait3A_44] : memref<10000x64xi32, #tpu.memory_space<hbm>> -> memref<10000x64xi32, #tpu.memory_space<hbm>>
    tpu.wait_indirect_dma semaphore(%arg12 : memref<!tpu.dma_semaphore, #tpu.memory_space<semaphore_mem>>) src(%dma_wait3A_45 : memref<10000x64xi32, #tpu.memory_space<hbm>>) dst(%dma_wait3A_40 : memref<128x64xi32, #tpu.memory_space<vmem>>)
    %scan3A_46 = arith.constant 0 : i32
    %scan3A_47 = arith.constant 0 : i32
    %scan3A_48 = arith.constant 64 : i32
    %scan3A_49 = arith.addi %scan3A_47, %scan3A_48 : i32
    %scan3A_50 = arith.constant 1 : i32
    scf.for %scan3A_138 = %scan3A_47 to %scan3A_49 step %scan3A_50  : i32 {
      %mul3A_139 = arith.constant 2 : i32
      %mul3A_140 = arith.muli %scan3A_138, %mul3A_139 : i32
      %add3A_141 = arith.constant 0 : i32
      %add3A_142 = arith.addi %mul3A_140, %add3A_141 : i32
      %get3A = arith.constant 0 : i32
      %get3A_143 = arith.constant 0 : i32
      %get3A_144 = arith.constant 0 : i32
      %get3A_145 = tpu.memref_slice %arg9[%get3A, %get3A_143, %get3A_144] : memref<2x128x64xi32, #tpu.memory_space<vmem>> -> memref<1x128x64xi32, #tpu.memory_space<vmem>>
      %get3A_146 = tpu.memref_squeeze %get3A_145 : memref<1x128x64xi32, #tpu.memory_space<vmem>> -> memref<128x64xi32, #tpu.memory_space<vmem>>
      %get3A_147 = arith.index_cast %add3A_142 : i32 to index
      %get3A_148 = arith.constant 0 : index
      %get3A_149 = tpu.vector_load %get3A_146[%get3A_147, %get3A_148] {strides = array<i32>} : memref<128x64xi32, #tpu.memory_space<vmem>>, vector<16xi32>,
      %bitcast3A = vector.bitcast %get3A_149 : vector<16xi32> to vector<32xbf16>
      %unpack3A = tpu.unpack_subelements %bitcast3A, 0 {pack_format = #tpu.pack_format<interleaved>} : vector<32xbf16> -> vector<16xf32>
      %unpack3A_150 = tpu.unpack_subelements %bitcast3A, 1 {pack_format = #tpu.pack_format<interleaved>} : vector<32xbf16> -> vector<16xf32>
      %swap3A = arith.index_cast %add3A_142 : i32 to index
      %swap3A_151 = arith.constant 0 : index
      %swap3A_152 = tpu.vector_load %arg10[%swap3A, %swap3A_151] {strides = array<i32>} : memref<128x128xf32, #tpu.memory_space<vmem>>, vector<16xf32>,
      tpu.vector_store %arg10[%swap3A, %swap3A_151], %unpack3A {strides = array<i32>} : memref<128x128xf32, #tpu.memory_space<vmem>>, vector<16xf32>,
      %swap3A_153 = arith.index_cast %add3A_142 : i32 to index
      %swap3A_154 = arith.constant 64 : index
      %swap3A_155 = tpu.vector_load %arg10[%swap3A_153, %swap3A_154] {strides = array<i32>} : memref<128x128xf32, #tpu.memory_space<vmem>>, vector<16xf32>,
      tpu.vector_store %arg10[%swap3A_153, %swap3A_154], %unpack3A_150 {strides = array<i32>} : memref<128x128xf32, #tpu.memory_space<vmem>>, vector<16xf32>,
      %get3A_156 = arith.constant 0 : i32
      %get3A_157 = arith.constant 0 : i32
      %get3A_158 = arith.constant 0 : i32
      %get3A_159 = tpu.memref_slice %arg9[%get3A_156, %get3A_157, %get3A_158] : memref<2x128x64xi32, #tpu.memory_space<vmem>> -> memref<1x128x64xi32, #tpu.memory_space<vmem>>
      %get3A_160 = tpu.memref_squeeze %get3A_159 : memref<1x128x64xi32, #tpu.memory_space<vmem>> -> memref<128x64xi32, #tpu.memory_space<vmem>>
      %get3A_161 = arith.index_cast %add3A_142 : i32 to index
      %get3A_162 = arith.constant 16 : index
      %get3A_163 = tpu.vector_load %get3A_160[%get3A_161, %get3A_162] {strides = array<i32>} : memref<128x64xi32, #tpu.memory_space<vmem>>, vector<16xi32>,
      %bitcast3A_164 = vector.bitcast %get3A_163 : vector<16xi32> to vector<32xbf16>
      %unpack3A_165 = tpu.unpack_subelements %bitcast3A_164, 0 {pack_format = #tpu.pack_format<interleaved>} : vector<32xbf16> -> vector<16xf32>
      %unpack3A_166 = tpu.unpack_subelements %bitcast3A_164, 1 {pack_format = #tpu.pack_format<interleaved>} : vector<32xbf16> -> vector<16xf32>
      %swap3A_167 = arith.index_cast %add3A_142 : i32 to index
      %swap3A_168 = arith.constant 16 : index
      %swap3A_169 = tpu.vector_load %arg10[%swap3A_167, %swap3A_168] {strides = array<i32>} : memref<128x128xf32, #tpu.memory_space<vmem>>, vector<16xf32>,
      tpu.vector_store %arg10[%swap3A_167, %swap3A_168], %unpack3A_165 {strides = array<i32>} : memref<128x128xf32, #tpu.memory_space<vmem>>, vector<16xf32>,
      %swap3A_170 = arith.index_cast %add3A_142 : i32 to index
      %swap3A_171 = arith.constant 80 : index
      %swap3A_172 = tpu.vector_load %arg10[%swap3A_170, %swap3A_171] {strides = array<i32>} : memref<128x128xf32, #tpu.memory_space<vmem>>, vector<16xf32>,
      tpu.vector_store %arg10[%swap3A_170, %swap3A_171], %unpack3A_166 {strides = array<i32>} : memref<128x128xf32, #tpu.memory_space<vmem>>, vector<16xf32>,
      %get3A_173 = arith.constant 0 : i32
      %get3A_174 = arith.constant 0 : i32
      %get3A_175 = arith.constant 0 : i32
      %get3A_176 = tpu.memref_slice %arg9[%get3A_173, %get3A_174, %get3A_175] : memref<2x128x64xi32, #tpu.memory_space<vmem>> -> memref<1x128x64xi32, #tpu.memory_space<vmem>>
      %get3A_177 = tpu.memref_squeeze %get3A_176 : memref<1x128x64xi32, #tpu.memory_space<vmem>> -> memref<128x64xi32, #tpu.memory_space<vmem>>
      %get3A_178 = arith.index_cast %add3A_142 : i32 to index
      %get3A_179 = arith.constant 32 : index
      %get3A_180 = tpu.vector_load %get3A_177[%get3A_178, %get3A_179] {strides = array<i32>} : memref<128x64xi32, #tpu.memory_space<vmem>>, vector<16xi32>,
      %bitcast3A_181 = vector.bitcast %get3A_180 : vector<16xi32> to vector<32xbf16>
      %unpack3A_182 = tpu.unpack_subelements %bitcast3A_181, 0 {pack_format = #tpu.pack_format<interleaved>} : vector<32xbf16> -> vector<16xf32>
      %unpack3A_183 = tpu.unpack_subelements %bitcast3A_181, 1 {pack_format = #tpu.pack_format<interleaved>} : vector<32xbf16> -> vector<16xf32>
      %swap3A_184 = arith.index_cast %add3A_142 : i32 to index
      %swap3A_185 = arith.constant 32 : index
      %swap3A_186 = tpu.vector_load %arg10[%swap3A_184, %swap3A_185] {strides = array<i32>} : memref<128x128xf32, #tpu.memory_space<vmem>>, vector<16xf32>,
      tpu.vector_store %arg10[%swap3A_184, %swap3A_185], %unpack3A_182 {strides = array<i32>} : memref<128x128xf32, #tpu.memory_space<vmem>>, vector<16xf32>,
      %swap3A_187 = arith.index_cast %add3A_142 : i32 to index
      %swap3A_188 = arith.constant 96 : index
      %swap3A_189 = tpu.vector_load %arg10[%swap3A_187, %swap3A_188] {strides = array<i32>} : memref<128x128xf32, #tpu.memory_space<vmem>>, vector<16xf32>,
      tpu.vector_store %arg10[%swap3A_187, %swap3A_188], %unpack3A_183 {strides = array<i32>} : memref<128x128xf32, #tpu.memory_space<vmem>>, vector<16xf32>,
      %get3A_190 = arith.constant 0 : i32
      %get3A_191 = arith.constant 0 : i32
      %get3A_192 = arith.constant 0 : i32
      %get3A_193 = tpu.memref_slice %arg9[%get3A_190, %get3A_191, %get3A_192] : memref<2x128x64xi32, #tpu.memory_space<vmem>> -> memref<1x128x64xi32, #tpu.memory_space<vmem>>
      %get3A_194 = tpu.memref_squeeze %get3A_193 : memref<1x128x64xi32, #tpu.memory_space<vmem>> -> memref<128x64xi32, #tpu.memory_space<vmem>>
      %get3A_195 = arith.index_cast %add3A_142 : i32 to index
      %get3A_196 = arith.constant 48 : index
      %get3A_197 = tpu.vector_load %get3A_194[%get3A_195, %get3A_196] {strides = array<i32>} : memref<128x64xi32, #tpu.memory_space<vmem>>, vector<16xi32>,
      %bitcast3A_198 = vector.bitcast %get3A_197 : vector<16xi32> to vector<32xbf16>
      %unpack3A_199 = tpu.unpack_subelements %bitcast3A_198, 0 {pack_format = #tpu.pack_format<interleaved>} : vector<32xbf16> -> vector<16xf32>
      %unpack3A_200 = tpu.unpack_subelements %bitcast3A_198, 1 {pack_format = #tpu.pack_format<interleaved>} : vector<32xbf16> -> vector<16xf32>
      %swap3A_201 = arith.index_cast %add3A_142 : i32 to index
      %swap3A_202 = arith.constant 48 : index
      %swap3A_203 = tpu.vector_load %arg10[%swap3A_201, %swap3A_202] {strides = array<i32>} : memref<128x128xf32, #tpu.memory_space<vmem>>, vector<16xf32>,
      tpu.vector_store %arg10[%swap3A_201, %swap3A_202], %unpack3A_199 {strides = array<i32>} : memref<128x128xf32, #tpu.memory_space<vmem>>, vector<16xf32>,
      %swap3A_204 = arith.index_cast %add3A_142 : i32 to index
      %swap3A_205 = arith.constant 112 : index
      %swap3A_206 = tpu.vector_load %arg10[%swap3A_204, %swap3A_205] {strides = array<i32>} : memref<128x128xf32, #tpu.memory_space<vmem>>, vector<16xf32>,
      tpu.vector_store %arg10[%swap3A_204, %swap3A_205], %unpack3A_200 {strides = array<i32>} : memref<128x128xf32, #tpu.memory_space<vmem>>, vector<16xf32>,
      %mul3A_207 = arith.constant 2 : i32
      %mul3A_208 = arith.muli %scan3A_138, %mul3A_207 : i32
      %add3A_209 = arith.constant 1 : i32
      %add3A_210 = arith.addi %mul3A_208, %add3A_209 : i32
      %get3A_211 = arith.constant 0 : i32
      %get3A_212 = arith.constant 0 : i32
      %get3A_213 = arith.constant 0 : i32
      %get3A_214 = tpu.memref_slice %arg9[%get3A_211, %get3A_212, %get3A_213] : memref<2x128x64xi32, #tpu.memory_space<vmem>> -> memref<1x128x64xi32, #tpu.memory_space<vmem>>
      %get3A_215 = tpu.memref_squeeze %get3A_214 : memref<1x128x64xi32, #tpu.memory_space<vmem>> -> memref<128x64xi32, #tpu.memory_space<vmem>>
      %get3A_216 = arith.index_cast %add3A_210 : i32 to index
      %get3A_217 = arith.constant 0 : index
      %get3A_218 = tpu.vector_load %get3A_215[%get3A_216, %get3A_217] {strides = array<i32>} : memref<128x64xi32, #tpu.memory_space<vmem>>, vector<16xi32>,
      %bitcast3A_219 = vector.bitcast %get3A_218 : vector<16xi32> to vector<32xbf16>
      %unpack3A_220 = tpu.unpack_subelements %bitcast3A_219, 0 {pack_format = #tpu.pack_format<interleaved>} : vector<32xbf16> -> vector<16xf32>
      %unpack3A_221 = tpu.unpack_subelements %bitcast3A_219, 1 {pack_format = #tpu.pack_format<interleaved>} : vector<32xbf16> -> vector<16xf32>
      %swap3A_222 = arith.index_cast %add3A_210 : i32 to index
      %swap3A_223 = arith.constant 0 : index
      %swap3A_224 = tpu.vector_load %arg10[%swap3A_222, %swap3A_223] {strides = array<i32>} : memref<128x128xf32, #tpu.memory_space<vmem>>, vector<16xf32>,
      tpu.vector_store %arg10[%swap3A_222, %swap3A_223], %unpack3A_220 {strides = array<i32>} : memref<128x128xf32, #tpu.memory_space<vmem>>, vector<16xf32>,
      %swap3A_225 = arith.index_cast %add3A_210 : i32 to index
      %swap3A_226 = arith.constant 64 : index
      %swap3A_227 = tpu.vector_load %arg10[%swap3A_225, %swap3A_226] {strides = array<i32>} : memref<128x128xf32, #tpu.memory_space<vmem>>, vector<16xf32>,
      tpu.vector_store %arg10[%swap3A_225, %swap3A_226], %unpack3A_221 {strides = array<i32>} : memref<128x128xf32, #tpu.memory_space<vmem>>, vector<16xf32>,
      %get3A_228 = arith.constant 0 : i32
      %get3A_229 = arith.constant 0 : i32
      %get3A_230 = arith.constant 0 : i32
      %get3A_231 = tpu.memref_slice %arg9[%get3A_228, %get3A_229, %get3A_230] : memref<2x128x64xi32, #tpu.memory_space<vmem>> -> memref<1x128x64xi32, #tpu.memory_space<vmem>>
      %get3A_232 = tpu.memref_squeeze %get3A_231 : memref<1x128x64xi32, #tpu.memory_space<vmem>> -> memref<128x64xi32, #tpu.memory_space<vmem>>
      %get3A_233 = arith.index_cast %add3A_210 : i32 to index
      %get3A_234 = arith.constant 16 : index
      %get3A_235 = tpu.vector_load %get3A_232[%get3A_233, %get3A_234] {strides = array<i32>} : memref<128x64xi32, #tpu.memory_space<vmem>>, vector<16xi32>,
      %bitcast3A_236 = vector.bitcast %get3A_235 : vector<16xi32> to vector<32xbf16>
      %unpack3A_237 = tpu.unpack_subelements %bitcast3A_236, 0 {pack_format = #tpu.pack_format<interleaved>} : vector<32xbf16> -> vector<16xf32>
      %unpack3A_238 = tpu.unpack_subelements %bitcast3A_236, 1 {pack_format = #tpu.pack_format<interleaved>} : vector<32xbf16> -> vector<16xf32>
      %swap3A_239 = arith.index_cast %add3A_210 : i32 to index
      %swap3A_240 = arith.constant 16 : index
      %swap3A_241 = tpu.vector_load %arg10[%swap3A_239, %swap3A_240] {strides = array<i32>} : memref<128x128xf32, #tpu.memory_space<vmem>>, vector<16xf32>,
      tpu.vector_store %arg10[%swap3A_239, %swap3A_240], %unpack3A_237 {strides = array<i32>} : memref<128x128xf32, #tpu.memory_space<vmem>>, vector<16xf32>,
      %swap3A_242 = arith.index_cast %add3A_210 : i32 to index
      %swap3A_243 = arith.constant 80 : index
      %swap3A_244 = tpu.vector_load %arg10[%swap3A_242, %swap3A_243] {strides = array<i32>} : memref<128x128xf32, #tpu.memory_space<vmem>>, vector<16xf32>,
      tpu.vector_store %arg10[%swap3A_242, %swap3A_243], %unpack3A_238 {strides = array<i32>} : memref<128x128xf32, #tpu.memory_space<vmem>>, vector<16xf32>,
      %get3A_245 = arith.constant 0 : i32
      %get3A_246 = arith.constant 0 : i32
      %get3A_247 = arith.constant 0 : i32
      %get3A_248 = tpu.memref_slice %arg9[%get3A_245, %get3A_246, %get3A_247] : memref<2x128x64xi32, #tpu.memory_space<vmem>> -> memref<1x128x64xi32, #tpu.memory_space<vmem>>
      %get3A_249 = tpu.memref_squeeze %get3A_248 : memref<1x128x64xi32, #tpu.memory_space<vmem>> -> memref<128x64xi32, #tpu.memory_space<vmem>>
      %get3A_250 = arith.index_cast %add3A_210 : i32 to index
      %get3A_251 = arith.constant 32 : index
      %get3A_252 = tpu.vector_load %get3A_249[%get3A_250, %get3A_251] {strides = array<i32>} : memref<128x64xi32, #tpu.memory_space<vmem>>, vector<16xi32>,
      %bitcast3A_253 = vector.bitcast %get3A_252 : vector<16xi32> to vector<32xbf16>
      %unpack3A_254 = tpu.unpack_subelements %bitcast3A_253, 0 {pack_format = #tpu.pack_format<interleaved>} : vector<32xbf16> -> vector<16xf32>
      %unpack3A_255 = tpu.unpack_subelements %bitcast3A_253, 1 {pack_format = #tpu.pack_format<interleaved>} : vector<32xbf16> -> vector<16xf32>
      %swap3A_256 = arith.index_cast %add3A_210 : i32 to index
      %swap3A_257 = arith.constant 32 : index
      %swap3A_258 = tpu.vector_load %arg10[%swap3A_256, %swap3A_257] {strides = array<i32>} : memref<128x128xf32, #tpu.memory_space<vmem>>, vector<16xf32>,
      tpu.vector_store %arg10[%swap3A_256, %swap3A_257], %unpack3A_254 {strides = array<i32>} : memref<128x128xf32, #tpu.memory_space<vmem>>, vector<16xf32>,
      %swap3A_259 = arith.index_cast %add3A_210 : i32 to index
      %swap3A_260 = arith.constant 96 : index
      %swap3A_261 = tpu.vector_load %arg10[%swap3A_259, %swap3A_260] {strides = array<i32>} : memref<128x128xf32, #tpu.memory_space<vmem>>, vector<16xf32>,
      tpu.vector_store %arg10[%swap3A_259, %swap3A_260], %unpack3A_255 {strides = array<i32>} : memref<128x128xf32, #tpu.memory_space<vmem>>, vector<16xf32>,
      %get3A_262 = arith.constant 0 : i32
      %get3A_263 = arith.constant 0 : i32
      %get3A_264 = arith.constant 0 : i32
      %get3A_265 = tpu.memref_slice %arg9[%get3A_262, %get3A_263, %get3A_264] : memref<2x128x64xi32, #tpu.memory_space<vmem>> -> memref<1x128x64xi32, #tpu.memory_space<vmem>>
      %get3A_266 = tpu.memref_squeeze %get3A_265 : memref<1x128x64xi32, #tpu.memory_space<vmem>> -> memref<128x64xi32, #tpu.memory_space<vmem>>
      %get3A_267 = arith.index_cast %add3A_210 : i32 to index
      %get3A_268 = arith.constant 48 : index
      %get3A_269 = tpu.vector_load %get3A_266[%get3A_267, %get3A_268] {strides = array<i32>} : memref<128x64xi32, #tpu.memory_space<vmem>>, vector<16xi32>,
      %bitcast3A_270 = vector.bitcast %get3A_269 : vector<16xi32> to vector<32xbf16>
      %unpack3A_271 = tpu.unpack_subelements %bitcast3A_270, 0 {pack_format = #tpu.pack_format<interleaved>} : vector<32xbf16> -> vector<16xf32>
      %unpack3A_272 = tpu.unpack_subelements %bitcast3A_270, 1 {pack_format = #tpu.pack_format<interleaved>} : vector<32xbf16> -> vector<16xf32>
      %swap3A_273 = arith.index_cast %add3A_210 : i32 to index
      %swap3A_274 = arith.constant 48 : index
      %swap3A_275 = tpu.vector_load %arg10[%swap3A_273, %swap3A_274] {strides = array<i32>} : memref<128x128xf32, #tpu.memory_space<vmem>>, vector<16xf32>,
      tpu.vector_store %arg10[%swap3A_273, %swap3A_274], %unpack3A_271 {strides = array<i32>} : memref<128x128xf32, #tpu.memory_space<vmem>>, vector<16xf32>,
      %swap3A_276 = arith.index_cast %add3A_210 : i32 to index
      %swap3A_277 = arith.constant 112 : index
      %swap3A_278 = tpu.vector_load %arg10[%swap3A_276, %swap3A_277] {strides = array<i32>} : memref<128x128xf32, #tpu.memory_space<vmem>>, vector<16xf32>,
      tpu.vector_store %arg10[%swap3A_276, %swap3A_277], %unpack3A_272 {strides = array<i32>} : memref<128x128xf32, #tpu.memory_space<vmem>>, vector<16xf32>,
    }
    %scan3A_51 = arith.constant 64 : i32
    %run_scoped3A = arith.constant 38 : i32
    "tpu.region"() ({
      %run_scoped3A_138 = tpu.sem_alloc : memref<!tpu.dma_semaphore, #tpu.memory_space<semaphore_mem>>
      %dma_start3A_139 = arith.constant 0 : i32
      %dma_start3A_140 = tpu.memref_slice %arg8[%run_scoped3A, %dma_start3A_139] : memref<40x128xi32, #tpu.memory_space<vmem>> -> memref<1x128xi32, #tpu.memory_space<vmem>>
      %dma_start3A_141 = tpu.memref_squeeze %dma_start3A_140 : memref<1x128xi32, #tpu.memory_space<vmem>> -> memref<128xi32, #tpu.memory_space<vmem>>
      %dma_start3A_142 = arith.constant 0 : i32
      %dma_start3A_143 = arith.constant 0 : i32
      %dma_start3A_144 = tpu.memref_slice %arg11[%dma_start3A_142, %dma_start3A_143] : memref<10240x128xf32, #tpu.memory_space<vmem_shared>> -> memref<10240x128xf32, #tpu.memory_space<vmem_shared>>
      tpu.enqueue_indirect_dma source(%arg10 : memref<128x128xf32, #tpu.memory_space<vmem>>) target(%dma_start3A_144 : memref<10240x128xf32, #tpu.memory_space<vmem_shared>>) offsets(%dma_start3A_141 : memref<128xi32, #tpu.memory_space<vmem>>) semaphore(%run_scoped3A_138 : memref<!tpu.dma_semaphore, #tpu.memory_space<semaphore_mem>>) {add = true}
      %dma_wait3A_145 = arith.constant 0 : i32
      %dma_wait3A_146 = tpu.memref_slice %arg8[%run_scoped3A, %dma_wait3A_145] : memref<40x128xi32, #tpu.memory_space<vmem>> -> memref<1x128xi32, #tpu.memory_space<vmem>>
      %dma_wait3A_147 = tpu.memref_squeeze %dma_wait3A_146 : memref<1x128xi32, #tpu.memory_space<vmem>> -> memref<128xi32, #tpu.memory_space<vmem>>
      %dma_wait3A_148 = arith.constant 0 : i32
      %dma_wait3A_149 = arith.constant 0 : i32
      %dma_wait3A_150 = tpu.memref_slice %arg11[%dma_wait3A_148, %dma_wait3A_149] : memref<10240x128xf32, #tpu.memory_space<vmem_shared>> -> memref<10240x128xf32, #tpu.memory_space<vmem_shared>>
      tpu.wait_indirect_dma semaphore(%run_scoped3A_138 : memref<!tpu.dma_semaphore, #tpu.memory_space<semaphore_mem>>) src(%arg10 : memref<128x128xf32, #tpu.memory_space<vmem>>) dst(%dma_wait3A_150 : memref<10240x128xf32, #tpu.memory_space<vmem_shared>>)
      tpu.yield
    }) : () -> ()
    %dma_wait3A_52 = arith.constant 1 : i32
    %dma_wait3A_53 = arith.constant 0 : i32
    %dma_wait3A_54 = arith.constant 0 : i32
    %dma_wait3A_55 = tpu.memref_slice %arg9[%dma_wait3A_52, %dma_wait3A_53, %dma_wait3A_54] : memref<2x128x64xi32, #tpu.memory_space<vmem>> -> memref<1x128x64xi32, #tpu.memory_space<vmem>>
    %dma_wait3A_56 = tpu.memref_squeeze %dma_wait3A_55 : memref<1x128x64xi32, #tpu.memory_space<vmem>> -> memref<128x64xi32, #tpu.memory_space<vmem>>
    %dma_wait3A_57 = arith.constant 4992 : i32
    %dma_wait3A_58 = tpu.memref_slice %arg7[%dma_wait3A_57] : memref<5120xi32, #tpu.memory_space<vmem>> -> memref<128xi32, #tpu.memory_space<vmem>>
    %dma_wait3A_59 = arith.constant 0 : i32
    %dma_wait3A_60 = arith.constant 0 : i32
    %dma_wait3A_61 = tpu.memref_slice %arg2[%dma_wait3A_59, %dma_wait3A_60] : memref<10000x64xi32, #tpu.memory_space<hbm>> -> memref<10000x64xi32, #tpu.memory_space<hbm>>
    tpu.wait_indirect_dma semaphore(%arg13 : memref<!tpu.dma_semaphore, #tpu.memory_space<semaphore_mem>>) src(%dma_wait3A_61 : memref<10000x64xi32, #tpu.memory_space<hbm>>) dst(%dma_wait3A_56 : memref<128x64xi32, #tpu.memory_space<vmem>>)
    %scan3A_62 = arith.constant 0 : i32
    %scan3A_63 = arith.constant 0 : i32
    %scan3A_64 = arith.constant 64 : i32
    %scan3A_65 = arith.addi %scan3A_63, %scan3A_64 : i32
    %scan3A_66 = arith.constant 1 : i32
    scf.for %scan3A_138 = %scan3A_63 to %scan3A_65 step %scan3A_66  : i32 {
      %mul3A_139 = arith.constant 2 : i32
      %mul3A_140 = arith.muli %scan3A_138, %mul3A_139 : i32
      %add3A_141 = arith.constant 0 : i32
      %add3A_142 = arith.addi %mul3A_140, %add3A_141 : i32
      %get3A = arith.constant 1 : i32
      %get3A_143 = arith.constant 0 : i32
      %get3A_144 = arith.constant 0 : i32
      %get3A_145 = tpu.memref_slice %arg9[%get3A, %get3A_143, %get3A_144] : memref<2x128x64xi32, #tpu.memory_space<vmem>> -> memref<1x128x64xi32, #tpu.memory_space<vmem>>
      %get3A_146 = tpu.memref_squeeze %get3A_145 : memref<1x128x64xi32, #tpu.memory_space<vmem>> -> memref<128x64xi32, #tpu.memory_space<vmem>>
      %get3A_147 = arith.index_cast %add3A_142 : i32 to index
      %get3A_148 = arith.constant 0 : index
      %get3A_149 = tpu.vector_load %get3A_146[%get3A_147, %get3A_148] {strides = array<i32>} : memref<128x64xi32, #tpu.memory_space<vmem>>, vector<16xi32>,
      %bitcast3A = vector.bitcast %get3A_149 : vector<16xi32> to vector<32xbf16>
      %unpack3A = tpu.unpack_subelements %bitcast3A, 0 {pack_format = #tpu.pack_format<interleaved>} : vector<32xbf16> -> vector<16xf32>
      %unpack3A_150 = tpu.unpack_subelements %bitcast3A, 1 {pack_format = #tpu.pack_format<interleaved>} : vector<32xbf16> -> vector<16xf32>
      %swap3A = arith.index_cast %add3A_142 : i32 to index
      %swap3A_151 = arith.constant 0 : index
      %swap3A_152 = tpu.vector_load %arg10[%swap3A, %swap3A_151] {strides = array<i32>} : memref<128x128xf32, #tpu.memory_space<vmem>>, vector<16xf32>,
      tpu.vector_store %arg10[%swap3A, %swap3A_151], %unpack3A {strides = array<i32>} : memref<128x128xf32, #tpu.memory_space<vmem>>, vector<16xf32>,
      %swap3A_153 = arith.index_cast %add3A_142 : i32 to index
      %swap3A_154 = arith.constant 64 : index
      %swap3A_155 = tpu.vector_load %arg10[%swap3A_153, %swap3A_154] {strides = array<i32>} : memref<128x128xf32, #tpu.memory_space<vmem>>, vector<16xf32>,
      tpu.vector_store %arg10[%swap3A_153, %swap3A_154], %unpack3A_150 {strides = array<i32>} : memref<128x128xf32, #tpu.memory_space<vmem>>, vector<16xf32>,
      %get3A_156 = arith.constant 1 : i32
      %get3A_157 = arith.constant 0 : i32
      %get3A_158 = arith.constant 0 : i32
      %get3A_159 = tpu.memref_slice %arg9[%get3A_156, %get3A_157, %get3A_158] : memref<2x128x64xi32, #tpu.memory_space<vmem>> -> memref<1x128x64xi32, #tpu.memory_space<vmem>>
      %get3A_160 = tpu.memref_squeeze %get3A_159 : memref<1x128x64xi32, #tpu.memory_space<vmem>> -> memref<128x64xi32, #tpu.memory_space<vmem>>
      %get3A_161 = arith.index_cast %add3A_142 : i32 to index
      %get3A_162 = arith.constant 16 : index
      %get3A_163 = tpu.vector_load %get3A_160[%get3A_161, %get3A_162] {strides = array<i32>} : memref<128x64xi32, #tpu.memory_space<vmem>>, vector<16xi32>,
      %bitcast3A_164 = vector.bitcast %get3A_163 : vector<16xi32> to vector<32xbf16>
      %unpack3A_165 = tpu.unpack_subelements %bitcast3A_164, 0 {pack_format = #tpu.pack_format<interleaved>} : vector<32xbf16> -> vector<16xf32>
      %unpack3A_166 = tpu.unpack_subelements %bitcast3A_164, 1 {pack_format = #tpu.pack_format<interleaved>} : vector<32xbf16> -> vector<16xf32>
      %swap3A_167 = arith.index_cast %add3A_142 : i32 to index
      %swap3A_168 = arith.constant 16 : index
      %swap3A_169 = tpu.vector_load %arg10[%swap3A_167, %swap3A_168] {strides = array<i32>} : memref<128x128xf32, #tpu.memory_space<vmem>>, vector<16xf32>,
      tpu.vector_store %arg10[%swap3A_167, %swap3A_168], %unpack3A_165 {strides = array<i32>} : memref<128x128xf32, #tpu.memory_space<vmem>>, vector<16xf32>,
      %swap3A_170 = arith.index_cast %add3A_142 : i32 to index
      %swap3A_171 = arith.constant 80 : index
      %swap3A_172 = tpu.vector_load %arg10[%swap3A_170, %swap3A_171] {strides = array<i32>} : memref<128x128xf32, #tpu.memory_space<vmem>>, vector<16xf32>,
      tpu.vector_store %arg10[%swap3A_170, %swap3A_171], %unpack3A_166 {strides = array<i32>} : memref<128x128xf32, #tpu.memory_space<vmem>>, vector<16xf32>,
      %get3A_173 = arith.constant 1 : i32
      %get3A_174 = arith.constant 0 : i32
      %get3A_175 = arith.constant 0 : i32
      %get3A_176 = tpu.memref_slice %arg9[%get3A_173, %get3A_174, %get3A_175] : memref<2x128x64xi32, #tpu.memory_space<vmem>> -> memref<1x128x64xi32, #tpu.memory_space<vmem>>
      %get3A_177 = tpu.memref_squeeze %get3A_176 : memref<1x128x64xi32, #tpu.memory_space<vmem>> -> memref<128x64xi32, #tpu.memory_space<vmem>>
      %get3A_178 = arith.index_cast %add3A_142 : i32 to index
      %get3A_179 = arith.constant 32 : index
      %get3A_180 = tpu.vector_load %get3A_177[%get3A_178, %get3A_179] {strides = array<i32>} : memref<128x64xi32, #tpu.memory_space<vmem>>, vector<16xi32>,
      %bitcast3A_181 = vector.bitcast %get3A_180 : vector<16xi32> to vector<32xbf16>
      %unpack3A_182 = tpu.unpack_subelements %bitcast3A_181, 0 {pack_format = #tpu.pack_format<interleaved>} : vector<32xbf16> -> vector<16xf32>
      %unpack3A_183 = tpu.unpack_subelements %bitcast3A_181, 1 {pack_format = #tpu.pack_format<interleaved>} : vector<32xbf16> -> vector<16xf32>
      %swap3A_184 = arith.index_cast %add3A_142 : i32 to index
      %swap3A_185 = arith.constant 32 : index
      %swap3A_186 = tpu.vector_load %arg10[%swap3A_184, %swap3A_185] {strides = array<i32>} : memref<128x128xf32, #tpu.memory_space<vmem>>, vector<16xf32>,
      tpu.vector_store %arg10[%swap3A_184, %swap3A_185], %unpack3A_182 {strides = array<i32>} : memref<128x128xf32, #tpu.memory_space<vmem>>, vector<16xf32>,
      %swap3A_187 = arith.index_cast %add3A_142 : i32 to index
      %swap3A_188 = arith.constant 96 : index
      %swap3A_189 = tpu.vector_load %arg10[%swap3A_187, %swap3A_188] {strides = array<i32>} : memref<128x128xf32, #tpu.memory_space<vmem>>, vector<16xf32>,
      tpu.vector_store %arg10[%swap3A_187, %swap3A_188], %unpack3A_183 {strides = array<i32>} : memref<128x128xf32, #tpu.memory_space<vmem>>, vector<16xf32>,
      %get3A_190 = arith.constant 1 : i32
      %get3A_191 = arith.constant 0 : i32
      %get3A_192 = arith.constant 0 : i32
      %get3A_193 = tpu.memref_slice %arg9[%get3A_190, %get3A_191, %get3A_192] : memref<2x128x64xi32, #tpu.memory_space<vmem>> -> memref<1x128x64xi32, #tpu.memory_space<vmem>>
      %get3A_194 = tpu.memref_squeeze %get3A_193 : memref<1x128x64xi32, #tpu.memory_space<vmem>> -> memref<128x64xi32, #tpu.memory_space<vmem>>
      %get3A_195 = arith.index_cast %add3A_142 : i32 to index
      %get3A_196 = arith.constant 48 : index
      %get3A_197 = tpu.vector_load %get3A_194[%get3A_195, %get3A_196] {strides = array<i32>} : memref<128x64xi32, #tpu.memory_space<vmem>>, vector<16xi32>,
      %bitcast3A_198 = vector.bitcast %get3A_197 : vector<16xi32> to vector<32xbf16>
      %unpack3A_199 = tpu.unpack_subelements %bitcast3A_198, 0 {pack_format = #tpu.pack_format<interleaved>} : vector<32xbf16> -> vector<16xf32>
      %unpack3A_200 = tpu.unpack_subelements %bitcast3A_198, 1 {pack_format = #tpu.pack_format<interleaved>} : vector<32xbf16> -> vector<16xf32>
      %swap3A_201 = arith.index_cast %add3A_142 : i32 to index
      %swap3A_202 = arith.constant 48 : index
      %swap3A_203 = tpu.vector_load %arg10[%swap3A_201, %swap3A_202] {strides = array<i32>} : memref<128x128xf32, #tpu.memory_space<vmem>>, vector<16xf32>,
      tpu.vector_store %arg10[%swap3A_201, %swap3A_202], %unpack3A_199 {strides = array<i32>} : memref<128x128xf32, #tpu.memory_space<vmem>>, vector<16xf32>,
      %swap3A_204 = arith.index_cast %add3A_142 : i32 to index
      %swap3A_205 = arith.constant 112 : index
      %swap3A_206 = tpu.vector_load %arg10[%swap3A_204, %swap3A_205] {strides = array<i32>} : memref<128x128xf32, #tpu.memory_space<vmem>>, vector<16xf32>,
      tpu.vector_store %arg10[%swap3A_204, %swap3A_205], %unpack3A_200 {strides = array<i32>} : memref<128x128xf32, #tpu.memory_space<vmem>>, vector<16xf32>,
      %mul3A_207 = arith.constant 2 : i32
      %mul3A_208 = arith.muli %scan3A_138, %mul3A_207 : i32
      %add3A_209 = arith.constant 1 : i32
      %add3A_210 = arith.addi %mul3A_208, %add3A_209 : i32
      %get3A_211 = arith.constant 1 : i32
      %get3A_212 = arith.constant 0 : i32
      %get3A_213 = arith.constant 0 : i32
      %get3A_214 = tpu.memref_slice %arg9[%get3A_211, %get3A_212, %get3A_213] : memref<2x128x64xi32, #tpu.memory_space<vmem>> -> memref<1x128x64xi32, #tpu.memory_space<vmem>>
      %get3A_215 = tpu.memref_squeeze %get3A_214 : memref<1x128x64xi32, #tpu.memory_space<vmem>> -> memref<128x64xi32, #tpu.memory_space<vmem>>
      %get3A_216 = arith.index_cast %add3A_210 : i32 to index
      %get3A_217 = arith.constant 0 : index
      %get3A_218 = tpu.vector_load %get3A_215[%get3A_216, %get3A_217] {strides = array<i32>} : memref<128x64xi32, #tpu.memory_space<vmem>>, vector<16xi32>,
      %bitcast3A_219 = vector.bitcast %get3A_218 : vector<16xi32> to vector<32xbf16>
      %unpack3A_220 = tpu.unpack_subelements %bitcast3A_219, 0 {pack_format = #tpu.pack_format<interleaved>} : vector<32xbf16> -> vector<16xf32>
      %unpack3A_221 = tpu.unpack_subelements %bitcast3A_219, 1 {pack_format = #tpu.pack_format<interleaved>} : vector<32xbf16> -> vector<16xf32>
      %swap3A_222 = arith.index_cast %add3A_210 : i32 to index
      %swap3A_223 = arith.constant 0 : index
      %swap3A_224 = tpu.vector_load %arg10[%swap3A_222, %swap3A_223] {strides = array<i32>} : memref<128x128xf32, #tpu.memory_space<vmem>>, vector<16xf32>,
      tpu.vector_store %arg10[%swap3A_222, %swap3A_223], %unpack3A_220 {strides = array<i32>} : memref<128x128xf32, #tpu.memory_space<vmem>>, vector<16xf32>,
      %swap3A_225 = arith.index_cast %add3A_210 : i32 to index
      %swap3A_226 = arith.constant 64 : index
      %swap3A_227 = tpu.vector_load %arg10[%swap3A_225, %swap3A_226] {strides = array<i32>} : memref<128x128xf32, #tpu.memory_space<vmem>>, vector<16xf32>,
      tpu.vector_store %arg10[%swap3A_225, %swap3A_226], %unpack3A_221 {strides = array<i32>} : memref<128x128xf32, #tpu.memory_space<vmem>>, vector<16xf32>,
      %get3A_228 = arith.constant 1 : i32
      %get3A_229 = arith.constant 0 : i32
      %get3A_230 = arith.constant 0 : i32
      %get3A_231 = tpu.memref_slice %arg9[%get3A_228, %get3A_229, %get3A_230] : memref<2x128x64xi32, #tpu.memory_space<vmem>> -> memref<1x128x64xi32, #tpu.memory_space<vmem>>
      %get3A_232 = tpu.memref_squeeze %get3A_231 : memref<1x128x64xi32, #tpu.memory_space<vmem>> -> memref<128x64xi32, #tpu.memory_space<vmem>>
      %get3A_233 = arith.index_cast %add3A_210 : i32 to index
      %get3A_234 = arith.constant 16 : index
      %get3A_235 = tpu.vector_load %get3A_232[%get3A_233, %get3A_234] {strides = array<i32>} : memref<128x64xi32, #tpu.memory_space<vmem>>, vector<16xi32>,
      %bitcast3A_236 = vector.bitcast %get3A_235 : vector<16xi32> to vector<32xbf16>
      %unpack3A_237 = tpu.unpack_subelements %bitcast3A_236, 0 {pack_format = #tpu.pack_format<interleaved>} : vector<32xbf16> -> vector<16xf32>
      %unpack3A_238 = tpu.unpack_subelements %bitcast3A_236, 1 {pack_format = #tpu.pack_format<interleaved>} : vector<32xbf16> -> vector<16xf32>
      %swap3A_239 = arith.index_cast %add3A_210 : i32 to index
      %swap3A_240 = arith.constant 16 : index
      %swap3A_241 = tpu.vector_load %arg10[%swap3A_239, %swap3A_240] {strides = array<i32>} : memref<128x128xf32, #tpu.memory_space<vmem>>, vector<16xf32>,
      tpu.vector_store %arg10[%swap3A_239, %swap3A_240], %unpack3A_237 {strides = array<i32>} : memref<128x128xf32, #tpu.memory_space<vmem>>, vector<16xf32>,
      %swap3A_242 = arith.index_cast %add3A_210 : i32 to index
      %swap3A_243 = arith.constant 80 : index
      %swap3A_244 = tpu.vector_load %arg10[%swap3A_242, %swap3A_243] {strides = array<i32>} : memref<128x128xf32, #tpu.memory_space<vmem>>, vector<16xf32>,
      tpu.vector_store %arg10[%swap3A_242, %swap3A_243], %unpack3A_238 {strides = array<i32>} : memref<128x128xf32, #tpu.memory_space<vmem>>, vector<16xf32>,
      %get3A_245 = arith.constant 1 : i32
      %get3A_246 = arith.constant 0 : i32
      %get3A_247 = arith.constant 0 : i32
      %get3A_248 = tpu.memref_slice %arg9[%get3A_245, %get3A_246, %get3A_247] : memref<2x128x64xi32, #tpu.memory_space<vmem>> -> memref<1x128x64xi32, #tpu.memory_space<vmem>>
      %get3A_249 = tpu.memref_squeeze %get3A_248 : memref<1x128x64xi32, #tpu.memory_space<vmem>> -> memref<128x64xi32, #tpu.memory_space<vmem>>
      %get3A_250 = arith.index_cast %add3A_210 : i32 to index
      %get3A_251 = arith.constant 32 : index
      %get3A_252 = tpu.vector_load %get3A_249[%get3A_250, %get3A_251] {strides = array<i32>} : memref<128x64xi32, #tpu.memory_space<vmem>>, vector<16xi32>,
      %bitcast3A_253 = vector.bitcast %get3A_252 : vector<16xi32> to vector<32xbf16>
      %unpack3A_254 = tpu.unpack_subelements %bitcast3A_253, 0 {pack_format = #tpu.pack_format<interleaved>} : vector<32xbf16> -> vector<16xf32>
      %unpack3A_255 = tpu.unpack_subelements %bitcast3A_253, 1 {pack_format = #tpu.pack_format<interleaved>} : vector<32xbf16> -> vector<16xf32>
      %swap3A_256 = arith.index_cast %add3A_210 : i32 to index
      %swap3A_257 = arith.constant 32 : index
      %swap3A_258 = tpu.vector_load %arg10[%swap3A_256, %swap3A_257] {strides = array<i32>} : memref<128x128xf32, #tpu.memory_space<vmem>>, vector<16xf32>,
      tpu.vector_store %arg10[%swap3A_256, %swap3A_257], %unpack3A_254 {strides = array<i32>} : memref<128x128xf32, #tpu.memory_space<vmem>>, vector<16xf32>,
      %swap3A_259 = arith.index_cast %add3A_210 : i32 to index
      %swap3A_260 = arith.constant 96 : index
      %swap3A_261 = tpu.vector_load %arg10[%swap3A_259, %swap3A_260] {strides = array<i32>} : memref<128x128xf32, #tpu.memory_space<vmem>>, vector<16xf32>,
      tpu.vector_store %arg10[%swap3A_259, %swap3A_260], %unpack3A_255 {strides = array<i32>} : memref<128x128xf32, #tpu.memory_space<vmem>>, vector<16xf32>,
      %get3A_262 = arith.constant 1 : i32
      %get3A_263 = arith.constant 0 : i32
      %get3A_264 = arith.constant 0 : i32
      %get3A_265 = tpu.memref_slice %arg9[%get3A_262, %get3A_263, %get3A_264] : memref<2x128x64xi32, #tpu.memory_space<vmem>> -> memref<1x128x64xi32, #tpu.memory_space<vmem>>
      %get3A_266 = tpu.memref_squeeze %get3A_265 : memref<1x128x64xi32, #tpu.memory_space<vmem>> -> memref<128x64xi32, #tpu.memory_space<vmem>>
      %get3A_267 = arith.index_cast %add3A_210 : i32 to index
      %get3A_268 = arith.constant 48 : index
      %get3A_269 = tpu.vector_load %get3A_266[%get3A_267, %get3A_268] {strides = array<i32>} : memref<128x64xi32, #tpu.memory_space<vmem>>, vector<16xi32>,
      %bitcast3A_270 = vector.bitcast %get3A_269 : vector<16xi32> to vector<32xbf16>
      %unpack3A_271 = tpu.unpack_subelements %bitcast3A_270, 0 {pack_format = #tpu.pack_format<interleaved>} : vector<32xbf16> -> vector<16xf32>
      %unpack3A_272 = tpu.unpack_subelements %bitcast3A_270, 1 {pack_format = #tpu.pack_format<interleaved>} : vector<32xbf16> -> vector<16xf32>
      %swap3A_273 = arith.index_cast %add3A_210 : i32 to index
      %swap3A_274 = arith.constant 48 : index
      %swap3A_275 = tpu.vector_load %arg10[%swap3A_273, %swap3A_274] {strides = array<i32>} : memref<128x128xf32, #tpu.memory_space<vmem>>, vector<16xf32>,
      tpu.vector_store %arg10[%swap3A_273, %swap3A_274], %unpack3A_271 {strides = array<i32>} : memref<128x128xf32, #tpu.memory_space<vmem>>, vector<16xf32>,
      %swap3A_276 = arith.index_cast %add3A_210 : i32 to index
      %swap3A_277 = arith.constant 112 : index
      %swap3A_278 = tpu.vector_load %arg10[%swap3A_276, %swap3A_277] {strides = array<i32>} : memref<128x128xf32, #tpu.memory_space<vmem>>, vector<16xf32>,
      tpu.vector_store %arg10[%swap3A_276, %swap3A_277], %unpack3A_272 {strides = array<i32>} : memref<128x128xf32, #tpu.memory_space<vmem>>, vector<16xf32>,
    }
    %scan3A_67 = arith.constant 64 : i32
    %run_scoped3A_68 = arith.constant 39 : i32
    "tpu.region"() ({
      %run_scoped3A_138 = tpu.sem_alloc : memref<!tpu.dma_semaphore, #tpu.memory_space<semaphore_mem>>
      %dma_start3A_139 = arith.constant 0 : i32
      %dma_start3A_140 = tpu.memref_slice %arg8[%run_scoped3A_68, %dma_start3A_139] : memref<40x128xi32, #tpu.memory_space<vmem>> -> memref<1x128xi32, #tpu.memory_space<vmem>>
      %dma_start3A_141 = tpu.memref_squeeze %dma_start3A_140 : memref<1x128xi32, #tpu.memory_space<vmem>> -> memref<128xi32, #tpu.memory_space<vmem>>
      %dma_start3A_142 = arith.constant 0 : i32
      %dma_start3A_143 = arith.constant 0 : i32
      %dma_start3A_144 = tpu.memref_slice %arg11[%dma_start3A_142, %dma_start3A_143] : memref<10240x128xf32, #tpu.memory_space<vmem_shared>> -> memref<10240x128xf32, #tpu.memory_space<vmem_shared>>
      tpu.enqueue_indirect_dma source(%arg10 : memref<128x128xf32, #tpu.memory_space<vmem>>) target(%dma_start3A_144 : memref<10240x128xf32, #tpu.memory_space<vmem_shared>>) offsets(%dma_start3A_141 : memref<128xi32, #tpu.memory_space<vmem>>) semaphore(%run_scoped3A_138 : memref<!tpu.dma_semaphore, #tpu.memory_space<semaphore_mem>>) {add = true}
      %dma_wait3A_145 = arith.constant 0 : i32
      %dma_wait3A_146 = tpu.memref_slice %arg8[%run_scoped3A_68, %dma_wait3A_145] : memref<40x128xi32, #tpu.memory_space<vmem>> -> memref<1x128xi32, #tpu.memory_space<vmem>>
      %dma_wait3A_147 = tpu.memref_squeeze %dma_wait3A_146 : memref<1x128xi32, #tpu.memory_space<vmem>> -> memref<128xi32, #tpu.memory_space<vmem>>
      %dma_wait3A_148 = arith.constant 0 : i32
      %dma_wait3A_149 = arith.constant 0 : i32
      %dma_wait3A_150 = tpu.memref_slice %arg11[%dma_wait3A_148, %dma_wait3A_149] : memref<10240x128xf32, #tpu.memory_space<vmem_shared>> -> memref<10240x128xf32, #tpu.memory_space<vmem_shared>>
      tpu.wait_indirect_dma semaphore(%run_scoped3A_138 : memref<!tpu.dma_semaphore, #tpu.memory_space<semaphore_mem>>) src(%arg10 : memref<128x128xf32, #tpu.memory_space<vmem>>) dst(%dma_wait3A_150 : memref<10240x128xf32, #tpu.memory_space<vmem_shared>>)
      tpu.yield
    }) : () -> ()
    %add3A_69 = arith.constant 40 : i32
    %add3A_70 = arith.addi %mul3A_8, %add3A_69 : i32
    %add3A_71 = arith.constant 5120 : i32
    %add3A_72 = arith.addi %mul3A_6, %add3A_71 : i32
    "tpu.region"() ({
      %run_scoped3A_138 = tpu.sem_alloc : memref<!tpu.dma_semaphore, #tpu.memory_space<semaphore_mem>>
      %dma_start3A_139 = tpu.memref_slice %arg3[%add3A_72] : memref<327680xi32, #tpu.memory_space<hbm>> -> memref<5120xi32, #tpu.memory_space<hbm>>
      %dma_start3A_140 = tpu.memref_slice %arg3[%add3A_72] : memref<327680xi32, #tpu.memory_space<hbm>> -> memref<5120xi32, #tpu.memory_space<hbm>>
      tpu.enqueue_dma source(%dma_start3A_140 : memref<5120xi32, #tpu.memory_space<hbm>>) target(%arg7 : memref<5120xi32, #tpu.memory_space<vmem>>) target_semaphore(%run_scoped3A_138 : memref<!tpu.dma_semaphore, #tpu.memory_space<semaphore_mem>>)
      %dma_wait3A_141 = tpu.memref_slice %arg3[%add3A_72] : memref<327680xi32, #tpu.memory_space<hbm>> -> memref<5120xi32, #tpu.memory_space<hbm>>
      %dma_wait3A_142 = tpu.memref_slice %arg3[%add3A_72] : memref<327680xi32, #tpu.memory_space<hbm>> -> memref<5120xi32, #tpu.memory_space<hbm>>
      tpu.wait_dma2 semaphore(%run_scoped3A_138 : memref<!tpu.dma_semaphore, #tpu.memory_space<semaphore_mem>>) src(%dma_wait3A_142 : memref<5120xi32, #tpu.memory_space<hbm>>) dst(%arg7 : memref<5120xi32, #tpu.memory_space<vmem>>)
      tpu.yield
    }) : () -> ()
    "tpu.region"() ({
      %run_scoped3A_138 = tpu.sem_alloc : memref<!tpu.dma_semaphore, #tpu.memory_space<semaphore_mem>>
      %dma_start3A_139 = arith.constant 0 : i32
      %dma_start3A_140 = tpu.memref_slice %arg4[%add3A_70, %dma_start3A_139] : memref<2560x128xi32, #tpu.memory_space<hbm>> -> memref<40x128xi32, #tpu.memory_space<hbm>>
      %dma_start3A_141 = arith.constant 0 : i32
      %dma_start3A_142 = tpu.memref_slice %arg4[%add3A_70, %dma_start3A_141] : memref<2560x128xi32, #tpu.memory_space<hbm>> -> memref<40x128xi32, #tpu.memory_space<hbm>>
      tpu.enqueue_dma source(%dma_start3A_142 : memref<40x128xi32, #tpu.memory_space<hbm>>) target(%arg8 : memref<40x128xi32, #tpu.memory_space<vmem>>) target_semaphore(%run_scoped3A_138 : memref<!tpu.dma_semaphore, #tpu.memory_space<semaphore_mem>>)
      %dma_wait3A_143 = arith.constant 0 : i32
      %dma_wait3A_144 = tpu.memref_slice %arg4[%add3A_70, %dma_wait3A_143] : memref<2560x128xi32, #tpu.memory_space<hbm>> -> memref<40x128xi32, #tpu.memory_space<hbm>>
      %dma_wait3A_145 = arith.constant 0 : i32
      %dma_wait3A_146 = tpu.memref_slice %arg4[%add3A_70, %dma_wait3A_145] : memref<2560x128xi32, #tpu.memory_space<hbm>> -> memref<40x128xi32, #tpu.memory_space<hbm>>
      tpu.wait_dma2 semaphore(%run_scoped3A_138 : memref<!tpu.dma_semaphore, #tpu.memory_space<semaphore_mem>>) src(%dma_wait3A_146 : memref<40x128xi32, #tpu.memory_space<hbm>>) dst(%arg8 : memref<40x128xi32, #tpu.memory_space<vmem>>)
      tpu.yield
    }) : () -> ()
    %dma_start3A_73 = arith.constant 0 : i32
    %dma_start3A_74 = arith.constant 0 : i32
    %dma_start3A_75 = arith.constant 0 : i32
    %dma_start3A_76 = tpu.memref_slice %arg9[%dma_start3A_73, %dma_start3A_74, %dma_start3A_75] : memref<2x128x64xi32, #tpu.memory_space<vmem>> -> memref<1x128x64xi32, #tpu.memory_space<vmem>>
    %dma_start3A_77 = tpu.memref_squeeze %dma_start3A_76 : memref<1x128x64xi32, #tpu.memory_space<vmem>> -> memref<128x64xi32, #tpu.memory_space<vmem>>
    %dma_start3A_78 = arith.constant 0 : i32
    %dma_start3A_79 = tpu.memref_slice %arg7[%dma_start3A_78] : memref<5120xi32, #tpu.memory_space<vmem>> -> memref<128xi32, #tpu.memory_space<vmem>>
    %dma_start3A_80 = arith.constant 0 : i32
    %dma_start3A_81 = arith.constant 0 : i32
    %dma_start3A_82 = tpu.memref_slice %arg2[%dma_start3A_80, %dma_start3A_81] : memref<10000x64xi32, #tpu.memory_space<hbm>> -> memref<10000x64xi32, #tpu.memory_space<hbm>>
    tpu.enqueue_indirect_dma source(%dma_start3A_82 : memref<10000x64xi32, #tpu.memory_space<hbm>>) target(%dma_start3A_77 : memref<128x64xi32, #tpu.memory_space<vmem>>) offsets(%dma_start3A_79 : memref<128xi32, #tpu.memory_space<vmem>>) semaphore(%arg12 : memref<!tpu.dma_semaphore, #tpu.memory_space<semaphore_mem>>)
    %scan3A_83 = arith.constant 0 : i32
    %scan3A_84 = arith.constant 0 : i32
    %scan3A_85 = arith.constant 19 : i32
    %scan3A_86 = arith.addi %scan3A_84, %scan3A_85 : i32
    %scan3A_87 = arith.constant 1 : i32
    scf.for %scan3A_138 = %scan3A_84 to %scan3A_86 step %scan3A_87  : i32 {
      %mul3A_139 = arith.constant 2 : i32
      %mul3A_140 = arith.muli %scan3A_138, %mul3A_139 : i32
      %add3A_141 = arith.constant 1 : i32
      %add3A_142 = arith.addi %mul3A_140, %add3A_141 : i32
      %mul3A_143 = arith.constant 128 : i32
      %mul3A_144 = arith.muli %add3A_142, %mul3A_143 : i32
      %dma_start3A_145 = arith.constant 1 : i32
      %dma_start3A_146 = arith.constant 0 : i32
      %dma_start3A_147 = arith.constant 0 : i32
      %dma_start3A_148 = tpu.memref_slice %arg9[%dma_start3A_145, %dma_start3A_146, %dma_start3A_147] : memref<2x128x64xi32, #tpu.memory_space<vmem>> -> memref<1x128x64xi32, #tpu.memory_space<vmem>>
      %dma_start3A_149 = tpu.memref_squeeze %dma_start3A_148 : memref<1x128x64xi32, #tpu.memory_space<vmem>> -> memref<128x64xi32, #tpu.memory_space<vmem>>
      %dma_start3A_150 = tpu.memref_slice %arg7[%mul3A_144] : memref<5120xi32, #tpu.memory_space<vmem>> -> memref<128xi32, #tpu.memory_space<vmem>>
      %dma_start3A_151 = arith.constant 0 : i32
      %dma_start3A_152 = arith.constant 0 : i32
      %dma_start3A_153 = tpu.memref_slice %arg2[%dma_start3A_151, %dma_start3A_152] : memref<10000x64xi32, #tpu.memory_space<hbm>> -> memref<10000x64xi32, #tpu.memory_space<hbm>>
      tpu.enqueue_indirect_dma source(%dma_start3A_153 : memref<10000x64xi32, #tpu.memory_space<hbm>>) target(%dma_start3A_149 : memref<128x64xi32, #tpu.memory_space<vmem>>) offsets(%dma_start3A_150 : memref<128xi32, #tpu.memory_space<vmem>>) semaphore(%arg13 : memref<!tpu.dma_semaphore, #tpu.memory_space<semaphore_mem>>)
      %mul3A_154 = arith.constant 128 : i32
      %mul3A_155 = arith.muli %mul3A_140, %mul3A_154 : i32
      %dma_wait3A_156 = arith.constant 0 : i32
      %dma_wait3A_157 = arith.constant 0 : i32
      %dma_wait3A_158 = arith.constant 0 : i32
      %dma_wait3A_159 = tpu.memref_slice %arg9[%dma_wait3A_156, %dma_wait3A_157, %dma_wait3A_158] : memref<2x128x64xi32, #tpu.memory_space<vmem>> -> memref<1x128x64xi32, #tpu.memory_space<vmem>>
      %dma_wait3A_160 = tpu.memref_squeeze %dma_wait3A_159 : memref<1x128x64xi32, #tpu.memory_space<vmem>> -> memref<128x64xi32, #tpu.memory_space<vmem>>
      %dma_wait3A_161 = tpu.memref_slice %arg7[%mul3A_155] : memref<5120xi32, #tpu.memory_space<vmem>> -> memref<128xi32, #tpu.memory_space<vmem>>
      %dma_wait3A_162 = arith.constant 0 : i32
      %dma_wait3A_163 = arith.constant 0 : i32
      %dma_wait3A_164 = tpu.memref_slice %arg2[%dma_wait3A_162, %dma_wait3A_163] : memref<10000x64xi32, #tpu.memory_space<hbm>> -> memref<10000x64xi32, #tpu.memory_space<hbm>>
      tpu.wait_indirect_dma semaphore(%arg12 : memref<!tpu.dma_semaphore, #tpu.memory_space<semaphore_mem>>) src(%dma_wait3A_164 : memref<10000x64xi32, #tpu.memory_space<hbm>>) dst(%dma_wait3A_160 : memref<128x64xi32, #tpu.memory_space<vmem>>)
      %scan3A_165 = arith.constant 0 : i32
      %scan3A_166 = arith.constant 0 : i32
      %scan3A_167 = arith.constant 64 : i32
      %scan3A_168 = arith.addi %scan3A_166, %scan3A_167 : i32
      %scan3A_169 = arith.constant 1 : i32
      scf.for %scan3A_203 = %scan3A_166 to %scan3A_168 step %scan3A_169  : i32 {
        %mul3A_204 = arith.constant 2 : i32
        %mul3A_205 = arith.muli %scan3A_203, %mul3A_204 : i32
        %add3A_206 = arith.constant 0 : i32
        %add3A_207 = arith.addi %mul3A_205, %add3A_206 : i32
        %get3A = arith.constant 0 : i32
        %get3A_208 = arith.constant 0 : i32
        %get3A_209 = arith.constant 0 : i32
        %get3A_210 = tpu.memref_slice %arg9[%get3A, %get3A_208, %get3A_209] : memref<2x128x64xi32, #tpu.memory_space<vmem>> -> memref<1x128x64xi32, #tpu.memory_space<vmem>>
        %get3A_211 = tpu.memref_squeeze %get3A_210 : memref<1x128x64xi32, #tpu.memory_space<vmem>> -> memref<128x64xi32, #tpu.memory_space<vmem>>
        %get3A_212 = arith.index_cast %add3A_207 : i32 to index
        %get3A_213 = arith.constant 0 : index
        %get3A_214 = tpu.vector_load %get3A_211[%get3A_212, %get3A_213] {strides = array<i32>} : memref<128x64xi32, #tpu.memory_space<vmem>>, vector<16xi32>,
        %bitcast3A = vector.bitcast %get3A_214 : vector<16xi32> to vector<32xbf16>
        %unpack3A = tpu.unpack_subelements %bitcast3A, 0 {pack_format = #tpu.pack_format<interleaved>} : vector<32xbf16> -> vector<16xf32>
        %unpack3A_215 = tpu.unpack_subelements %bitcast3A, 1 {pack_format = #tpu.pack_format<interleaved>} : vector<32xbf16> -> vector<16xf32>
        %swap3A = arith.index_cast %add3A_207 : i32 to index
        %swap3A_216 = arith.constant 0 : index
        %swap3A_217 = tpu.vector_load %arg10[%swap3A, %swap3A_216] {strides = array<i32>} : memref<128x128xf32, #tpu.memory_space<vmem>>, vector<16xf32>,
        tpu.vector_store %arg10[%swap3A, %swap3A_216], %unpack3A {strides = array<i32>} : memref<128x128xf32, #tpu.memory_space<vmem>>, vector<16xf32>,
        %swap3A_218 = arith.index_cast %add3A_207 : i32 to index
        %swap3A_219 = arith.constant 64 : index
        %swap3A_220 = tpu.vector_load %arg10[%swap3A_218, %swap3A_219] {strides = array<i32>} : memref<128x128xf32, #tpu.memory_space<vmem>>, vector<16xf32>,
        tpu.vector_store %arg10[%swap3A_218, %swap3A_219], %unpack3A_215 {strides = array<i32>} : memref<128x128xf32, #tpu.memory_space<vmem>>, vector<16xf32>,
        %get3A_221 = arith.constant 0 : i32
        %get3A_222 = arith.constant 0 : i32
        %get3A_223 = arith.constant 0 : i32
        %get3A_224 = tpu.memref_slice %arg9[%get3A_221, %get3A_222, %get3A_223] : memref<2x128x64xi32, #tpu.memory_space<vmem>> -> memref<1x128x64xi32, #tpu.memory_space<vmem>>
        %get3A_225 = tpu.memref_squeeze %get3A_224 : memref<1x128x64xi32, #tpu.memory_space<vmem>> -> memref<128x64xi32, #tpu.memory_space<vmem>>
        %get3A_226 = arith.index_cast %add3A_207 : i32 to index
        %get3A_227 = arith.constant 16 : index
        %get3A_228 = tpu.vector_load %get3A_225[%get3A_226, %get3A_227] {strides = array<i32>} : memref<128x64xi32, #tpu.memory_space<vmem>>, vector<16xi32>,
        %bitcast3A_229 = vector.bitcast %get3A_228 : vector<16xi32> to vector<32xbf16>
        %unpack3A_230 = tpu.unpack_subelements %bitcast3A_229, 0 {pack_format = #tpu.pack_format<interleaved>} : vector<32xbf16> -> vector<16xf32>
        %unpack3A_231 = tpu.unpack_subelements %bitcast3A_229, 1 {pack_format = #tpu.pack_format<interleaved>} : vector<32xbf16> -> vector<16xf32>
        %swap3A_232 = arith.index_cast %add3A_207 : i32 to index
        %swap3A_233 = arith.constant 16 : index
        %swap3A_234 = tpu.vector_load %arg10[%swap3A_232, %swap3A_233] {strides = array<i32>} : memref<128x128xf32, #tpu.memory_space<vmem>>, vector<16xf32>,
        tpu.vector_store %arg10[%swap3A_232, %swap3A_233], %unpack3A_230 {strides = array<i32>} : memref<128x128xf32, #tpu.memory_space<vmem>>, vector<16xf32>,
        %swap3A_235 = arith.index_cast %add3A_207 : i32 to index
        %swap3A_236 = arith.constant 80 : index
        %swap3A_237 = tpu.vector_load %arg10[%swap3A_235, %swap3A_236] {strides = array<i32>} : memref<128x128xf32, #tpu.memory_space<vmem>>, vector<16xf32>,
        tpu.vector_store %arg10[%swap3A_235, %swap3A_236], %unpack3A_231 {strides = array<i32>} : memref<128x128xf32, #tpu.memory_space<vmem>>, vector<16xf32>,
        %get3A_238 = arith.constant 0 : i32
        %get3A_239 = arith.constant 0 : i32
        %get3A_240 = arith.constant 0 : i32
        %get3A_241 = tpu.memref_slice %arg9[%get3A_238, %get3A_239, %get3A_240] : memref<2x128x64xi32, #tpu.memory_space<vmem>> -> memref<1x128x64xi32, #tpu.memory_space<vmem>>
        %get3A_242 = tpu.memref_squeeze %get3A_241 : memref<1x128x64xi32, #tpu.memory_space<vmem>> -> memref<128x64xi32, #tpu.memory_space<vmem>>
        %get3A_243 = arith.index_cast %add3A_207 : i32 to index
        %get3A_244 = arith.constant 32 : index
        %get3A_245 = tpu.vector_load %get3A_242[%get3A_243, %get3A_244] {strides = array<i32>} : memref<128x64xi32, #tpu.memory_space<vmem>>, vector<16xi32>,
        %bitcast3A_246 = vector.bitcast %get3A_245 : vector<16xi32> to vector<32xbf16>
        %unpack3A_247 = tpu.unpack_subelements %bitcast3A_246, 0 {pack_format = #tpu.pack_format<interleaved>} : vector<32xbf16> -> vector<16xf32>
        %unpack3A_248 = tpu.unpack_subelements %bitcast3A_246, 1 {pack_format = #tpu.pack_format<interleaved>} : vector<32xbf16> -> vector<16xf32>
        %swap3A_249 = arith.index_cast %add3A_207 : i32 to index
        %swap3A_250 = arith.constant 32 : index
        %swap3A_251 = tpu.vector_load %arg10[%swap3A_249, %swap3A_250] {strides = array<i32>} : memref<128x128xf32, #tpu.memory_space<vmem>>, vector<16xf32>,
        tpu.vector_store %arg10[%swap3A_249, %swap3A_250], %unpack3A_247 {strides = array<i32>} : memref<128x128xf32, #tpu.memory_space<vmem>>, vector<16xf32>,
        %swap3A_252 = arith.index_cast %add3A_207 : i32 to index
        %swap3A_253 = arith.constant 96 : index
        %swap3A_254 = tpu.vector_load %arg10[%swap3A_252, %swap3A_253] {strides = array<i32>} : memref<128x128xf32, #tpu.memory_space<vmem>>, vector<16xf32>,
        tpu.vector_store %arg10[%swap3A_252, %swap3A_253], %unpack3A_248 {strides = array<i32>} : memref<128x128xf32, #tpu.memory_space<vmem>>, vector<16xf32>,
        %get3A_255 = arith.constant 0 : i32
        %get3A_256 = arith.constant 0 : i32
        %get3A_257 = arith.constant 0 : i32
        %get3A_258 = tpu.memref_slice %arg9[%get3A_255, %get3A_256, %get3A_257] : memref<2x128x64xi32, #tpu.memory_space<vmem>> -> memref<1x128x64xi32, #tpu.memory_space<vmem>>
        %get3A_259 = tpu.memref_squeeze %get3A_258 : memref<1x128x64xi32, #tpu.memory_space<vmem>> -> memref<128x64xi32, #tpu.memory_space<vmem>>
        %get3A_260 = arith.index_cast %add3A_207 : i32 to index
        %get3A_261 = arith.constant 48 : index
        %get3A_262 = tpu.vector_load %get3A_259[%get3A_260, %get3A_261] {strides = array<i32>} : memref<128x64xi32, #tpu.memory_space<vmem>>, vector<16xi32>,
        %bitcast3A_263 = vector.bitcast %get3A_262 : vector<16xi32> to vector<32xbf16>
        %unpack3A_264 = tpu.unpack_subelements %bitcast3A_263, 0 {pack_format = #tpu.pack_format<interleaved>} : vector<32xbf16> -> vector<16xf32>
        %unpack3A_265 = tpu.unpack_subelements %bitcast3A_263, 1 {pack_format = #tpu.pack_format<interleaved>} : vector<32xbf16> -> vector<16xf32>
        %swap3A_266 = arith.index_cast %add3A_207 : i32 to index
        %swap3A_267 = arith.constant 48 : index
        %swap3A_268 = tpu.vector_load %arg10[%swap3A_266, %swap3A_267] {strides = array<i32>} : memref<128x128xf32, #tpu.memory_space<vmem>>, vector<16xf32>,
        tpu.vector_store %arg10[%swap3A_266, %swap3A_267], %unpack3A_264 {strides = array<i32>} : memref<128x128xf32, #tpu.memory_space<vmem>>, vector<16xf32>,
        %swap3A_269 = arith.index_cast %add3A_207 : i32 to index
        %swap3A_270 = arith.constant 112 : index
        %swap3A_271 = tpu.vector_load %arg10[%swap3A_269, %swap3A_270] {strides = array<i32>} : memref<128x128xf32, #tpu.memory_space<vmem>>, vector<16xf32>,
        tpu.vector_store %arg10[%swap3A_269, %swap3A_270], %unpack3A_265 {strides = array<i32>} : memref<128x128xf32, #tpu.memory_space<vmem>>, vector<16xf32>,
        %mul3A_272 = arith.constant 2 : i32
        %mul3A_273 = arith.muli %scan3A_203, %mul3A_272 : i32
        %add3A_274 = arith.constant 1 : i32
        %add3A_275 = arith.addi %mul3A_273, %add3A_274 : i32
        %get3A_276 = arith.constant 0 : i32
        %get3A_277 = arith.constant 0 : i32
        %get3A_278 = arith.constant 0 : i32
        %get3A_279 = tpu.memref_slice %arg9[%get3A_276, %get3A_277, %get3A_278] : memref<2x128x64xi32, #tpu.memory_space<vmem>> -> memref<1x128x64xi32, #tpu.memory_space<vmem>>
        %get3A_280 = tpu.memref_squeeze %get3A_279 : memref<1x128x64xi32, #tpu.memory_space<vmem>> -> memref<128x64xi32, #tpu.memory_space<vmem>>
        %get3A_281 = arith.index_cast %add3A_275 : i32 to index
        %get3A_282 = arith.constant 0 : index
        %get3A_283 = tpu.vector_load %get3A_280[%get3A_281, %get3A_282] {strides = array<i32>} : memref<128x64xi32, #tpu.memory_space<vmem>>, vector<16xi32>,
        %bitcast3A_284 = vector.bitcast %get3A_283 : vector<16xi32> to vector<32xbf16>
        %unpack3A_285 = tpu.unpack_subelements %bitcast3A_284, 0 {pack_format = #tpu.pack_format<interleaved>} : vector<32xbf16> -> vector<16xf32>
        %unpack3A_286 = tpu.unpack_subelements %bitcast3A_284, 1 {pack_format = #tpu.pack_format<interleaved>} : vector<32xbf16> -> vector<16xf32>
        %swap3A_287 = arith.index_cast %add3A_275 : i32 to index
        %swap3A_288 = arith.constant 0 : index
        %swap3A_289 = tpu.vector_load %arg10[%swap3A_287, %swap3A_288] {strides = array<i32>} : memref<128x128xf32, #tpu.memory_space<vmem>>, vector<16xf32>,
        tpu.vector_store %arg10[%swap3A_287, %swap3A_288], %unpack3A_285 {strides = array<i32>} : memref<128x128xf32, #tpu.memory_space<vmem>>, vector<16xf32>,
        %swap3A_290 = arith.index_cast %add3A_275 : i32 to index
        %swap3A_291 = arith.constant 64 : index
        %swap3A_292 = tpu.vector_load %arg10[%swap3A_290, %swap3A_291] {strides = array<i32>} : memref<128x128xf32, #tpu.memory_space<vmem>>, vector<16xf32>,
        tpu.vector_store %arg10[%swap3A_290, %swap3A_291], %unpack3A_286 {strides = array<i32>} : memref<128x128xf32, #tpu.memory_space<vmem>>, vector<16xf32>,
        %get3A_293 = arith.constant 0 : i32
        %get3A_294 = arith.constant 0 : i32
        %get3A_295 = arith.constant 0 : i32
        %get3A_296 = tpu.memref_slice %arg9[%get3A_293, %get3A_294, %get3A_295] : memref<2x128x64xi32, #tpu.memory_space<vmem>> -> memref<1x128x64xi32, #tpu.memory_space<vmem>>
        %get3A_297 = tpu.memref_squeeze %get3A_296 : memref<1x128x64xi32, #tpu.memory_space<vmem>> -> memref<128x64xi32, #tpu.memory_space<vmem>>
        %get3A_298 = arith.index_cast %add3A_275 : i32 to index
        %get3A_299 = arith.constant 16 : index
        %get3A_300 = tpu.vector_load %get3A_297[%get3A_298, %get3A_299] {strides = array<i32>} : memref<128x64xi32, #tpu.memory_space<vmem>>, vector<16xi32>,
        %bitcast3A_301 = vector.bitcast %get3A_300 : vector<16xi32> to vector<32xbf16>
        %unpack3A_302 = tpu.unpack_subelements %bitcast3A_301, 0 {pack_format = #tpu.pack_format<interleaved>} : vector<32xbf16> -> vector<16xf32>
        %unpack3A_303 = tpu.unpack_subelements %bitcast3A_301, 1 {pack_format = #tpu.pack_format<interleaved>} : vector<32xbf16> -> vector<16xf32>
        %swap3A_304 = arith.index_cast %add3A_275 : i32 to index
        %swap3A_305 = arith.constant 16 : index
        %swap3A_306 = tpu.vector_load %arg10[%swap3A_304, %swap3A_305] {strides = array<i32>} : memref<128x128xf32, #tpu.memory_space<vmem>>, vector<16xf32>,
        tpu.vector_store %arg10[%swap3A_304, %swap3A_305], %unpack3A_302 {strides = array<i32>} : memref<128x128xf32, #tpu.memory_space<vmem>>, vector<16xf32>,
        %swap3A_307 = arith.index_cast %add3A_275 : i32 to index
        %swap3A_308 = arith.constant 80 : index
        %swap3A_309 = tpu.vector_load %arg10[%swap3A_307, %swap3A_308] {strides = array<i32>} : memref<128x128xf32, #tpu.memory_space<vmem>>, vector<16xf32>,
        tpu.vector_store %arg10[%swap3A_307, %swap3A_308], %unpack3A_303 {strides = array<i32>} : memref<128x128xf32, #tpu.memory_space<vmem>>, vector<16xf32>,
        %get3A_310 = arith.constant 0 : i32
        %get3A_311 = arith.constant 0 : i32
        %get3A_312 = arith.constant 0 : i32
        %get3A_313 = tpu.memref_slice %arg9[%get3A_310, %get3A_311, %get3A_312] : memref<2x128x64xi32, #tpu.memory_space<vmem>> -> memref<1x128x64xi32, #tpu.memory_space<vmem>>
        %get3A_314 = tpu.memref_squeeze %get3A_313 : memref<1x128x64xi32, #tpu.memory_space<vmem>> -> memref<128x64xi32, #tpu.memory_space<vmem>>
        %get3A_315 = arith.index_cast %add3A_275 : i32 to index
        %get3A_316 = arith.constant 32 : index
        %get3A_317 = tpu.vector_load %get3A_314[%get3A_315, %get3A_316] {strides = array<i32>} : memref<128x64xi32, #tpu.memory_space<vmem>>, vector<16xi32>,
        %bitcast3A_318 = vector.bitcast %get3A_317 : vector<16xi32> to vector<32xbf16>
        %unpack3A_319 = tpu.unpack_subelements %bitcast3A_318, 0 {pack_format = #tpu.pack_format<interleaved>} : vector<32xbf16> -> vector<16xf32>
        %unpack3A_320 = tpu.unpack_subelements %bitcast3A_318, 1 {pack_format = #tpu.pack_format<interleaved>} : vector<32xbf16> -> vector<16xf32>
        %swap3A_321 = arith.index_cast %add3A_275 : i32 to index
        %swap3A_322 = arith.constant 32 : index
        %swap3A_323 = tpu.vector_load %arg10[%swap3A_321, %swap3A_322] {strides = array<i32>} : memref<128x128xf32, #tpu.memory_space<vmem>>, vector<16xf32>,
        tpu.vector_store %arg10[%swap3A_321, %swap3A_322], %unpack3A_319 {strides = array<i32>} : memref<128x128xf32, #tpu.memory_space<vmem>>, vector<16xf32>,
        %swap3A_324 = arith.index_cast %add3A_275 : i32 to index
        %swap3A_325 = arith.constant 96 : index
        %swap3A_326 = tpu.vector_load %arg10[%swap3A_324, %swap3A_325] {strides = array<i32>} : memref<128x128xf32, #tpu.memory_space<vmem>>, vector<16xf32>,
        tpu.vector_store %arg10[%swap3A_324, %swap3A_325], %unpack3A_320 {strides = array<i32>} : memref<128x128xf32, #tpu.memory_space<vmem>>, vector<16xf32>,
        %get3A_327 = arith.constant 0 : i32
        %get3A_328 = arith.constant 0 : i32
        %get3A_329 = arith.constant 0 : i32
        %get3A_330 = tpu.memref_slice %arg9[%get3A_327, %get3A_328, %get3A_329] : memref<2x128x64xi32, #tpu.memory_space<vmem>> -> memref<1x128x64xi32, #tpu.memory_space<vmem>>
        %get3A_331 = tpu.memref_squeeze %get3A_330 : memref<1x128x64xi32, #tpu.memory_space<vmem>> -> memref<128x64xi32, #tpu.memory_space<vmem>>
        %get3A_332 = arith.index_cast %add3A_275 : i32 to index
        %get3A_333 = arith.constant 48 : index
        %get3A_334 = tpu.vector_load %get3A_331[%get3A_332, %get3A_333] {strides = array<i32>} : memref<128x64xi32, #tpu.memory_space<vmem>>, vector<16xi32>,
        %bitcast3A_335 = vector.bitcast %get3A_334 : vector<16xi32> to vector<32xbf16>
        %unpack3A_336 = tpu.unpack_subelements %bitcast3A_335, 0 {pack_format = #tpu.pack_format<interleaved>} : vector<32xbf16> -> vector<16xf32>
        %unpack3A_337 = tpu.unpack_subelements %bitcast3A_335, 1 {pack_format = #tpu.pack_format<interleaved>} : vector<32xbf16> -> vector<16xf32>
        %swap3A_338 = arith.index_cast %add3A_275 : i32 to index
        %swap3A_339 = arith.constant 48 : index
        %swap3A_340 = tpu.vector_load %arg10[%swap3A_338, %swap3A_339] {strides = array<i32>} : memref<128x128xf32, #tpu.memory_space<vmem>>, vector<16xf32>,
        tpu.vector_store %arg10[%swap3A_338, %swap3A_339], %unpack3A_336 {strides = array<i32>} : memref<128x128xf32, #tpu.memory_space<vmem>>, vector<16xf32>,
        %swap3A_341 = arith.index_cast %add3A_275 : i32 to index
        %swap3A_342 = arith.constant 112 : index
        %swap3A_343 = tpu.vector_load %arg10[%swap3A_341, %swap3A_342] {strides = array<i32>} : memref<128x128xf32, #tpu.memory_space<vmem>>, vector<16xf32>,
        tpu.vector_store %arg10[%swap3A_341, %swap3A_342], %unpack3A_337 {strides = array<i32>} : memref<128x128xf32, #tpu.memory_space<vmem>>, vector<16xf32>,
      }
      %scan3A_170 = arith.constant 64 : i32
      "tpu.region"() ({
        %run_scoped3A_203 = tpu.sem_alloc : memref<!tpu.dma_semaphore, #tpu.memory_space<semaphore_mem>>
        %dma_start3A_204 = arith.constant 0 : i32
        %dma_start3A_205 = tpu.memref_slice %arg8[%mul3A_140, %dma_start3A_204] : memref<40x128xi32, #tpu.memory_space<vmem>> -> memref<1x128xi32, #tpu.memory_space<vmem>>
        %dma_start3A_206 = tpu.memref_squeeze %dma_start3A_205 : memref<1x128xi32, #tpu.memory_space<vmem>> -> memref<128xi32, #tpu.memory_space<vmem>>
        %dma_start3A_207 = arith.constant 0 : i32
        %dma_start3A_208 = arith.constant 0 : i32
        %dma_start3A_209 = tpu.memref_slice %arg11[%dma_start3A_207, %dma_start3A_208] : memref<10240x128xf32, #tpu.memory_space<vmem_shared>> -> memref<10240x128xf32, #tpu.memory_space<vmem_shared>>
        tpu.enqueue_indirect_dma source(%arg10 : memref<128x128xf32, #tpu.memory_space<vmem>>) target(%dma_start3A_209 : memref<10240x128xf32, #tpu.memory_space<vmem_shared>>) offsets(%dma_start3A_206 : memref<128xi32, #tpu.memory_space<vmem>>) semaphore(%run_scoped3A_203 : memref<!tpu.dma_semaphore, #tpu.memory_space<semaphore_mem>>) {add = true}
        %dma_wait3A_210 = arith.constant 0 : i32
        %dma_wait3A_211 = tpu.memref_slice %arg8[%mul3A_140, %dma_wait3A_210] : memref<40x128xi32, #tpu.memory_space<vmem>> -> memref<1x128xi32, #tpu.memory_space<vmem>>
        %dma_wait3A_212 = tpu.memref_squeeze %dma_wait3A_211 : memref<1x128xi32, #tpu.memory_space<vmem>> -> memref<128xi32, #tpu.memory_space<vmem>>
        %dma_wait3A_213 = arith.constant 0 : i32
        %dma_wait3A_214 = arith.constant 0 : i32
        %dma_wait3A_215 = tpu.memref_slice %arg11[%dma_wait3A_213, %dma_wait3A_214] : memref<10240x128xf32, #tpu.memory_space<vmem_shared>> -> memref<10240x128xf32, #tpu.memory_space<vmem_shared>>
        tpu.wait_indirect_dma semaphore(%run_scoped3A_203 : memref<!tpu.dma_semaphore, #tpu.memory_space<semaphore_mem>>) src(%arg10 : memref<128x128xf32, #tpu.memory_space<vmem>>) dst(%dma_wait3A_215 : memref<10240x128xf32, #tpu.memory_space<vmem_shared>>)
        tpu.yield
      }) : () -> ()
      %add3A_171 = arith.constant 2 : i32
      %add3A_172 = arith.addi %mul3A_140, %add3A_171 : i32
      %mul3A_173 = arith.constant 128 : i32
      %mul3A_174 = arith.muli %add3A_172, %mul3A_173 : i32
      %dma_start3A_175 = arith.constant 0 : i32
      %dma_start3A_176 = arith.constant 0 : i32
      %dma_start3A_177 = arith.constant 0 : i32
      %dma_start3A_178 = tpu.memref_slice %arg9[%dma_start3A_175, %dma_start3A_176, %dma_start3A_177] : memref<2x128x64xi32, #tpu.memory_space<vmem>> -> memref<1x128x64xi32, #tpu.memory_space<vmem>>
      %dma_start3A_179 = tpu.memref_squeeze %dma_start3A_178 : memref<1x128x64xi32, #tpu.memory_space<vmem>> -> memref<128x64xi32, #tpu.memory_space<vmem>>
      %dma_start3A_180 = tpu.memref_slice %arg7[%mul3A_174] : memref<5120xi32, #tpu.memory_space<vmem>> -> memref<128xi32, #tpu.memory_space<vmem>>
      %dma_start3A_181 = arith.constant 0 : i32
      %dma_start3A_182 = arith.constant 0 : i32
      %dma_start3A_183 = tpu.memref_slice %arg2[%dma_start3A_181, %dma_start3A_182] : memref<10000x64xi32, #tpu.memory_space<hbm>> -> memref<10000x64xi32, #tpu.memory_space<hbm>>
      tpu.enqueue_indirect_dma source(%dma_start3A_183 : memref<10000x64xi32, #tpu.memory_space<hbm>>) target(%dma_start3A_179 : memref<128x64xi32, #tpu.memory_space<vmem>>) offsets(%dma_start3A_180 : memref<128xi32, #tpu.memory_space<vmem>>) semaphore(%arg12 : memref<!tpu.dma_semaphore, #tpu.memory_space<semaphore_mem>>)
      %add3A_184 = arith.constant 1 : i32
      %add3A_185 = arith.addi %mul3A_140, %add3A_184 : i32
      %mul3A_186 = arith.constant 128 : i32
      %mul3A_187 = arith.muli %add3A_185, %mul3A_186 : i32
      %dma_wait3A_188 = arith.constant 1 : i32
      %dma_wait3A_189 = arith.constant 0 : i32
      %dma_wait3A_190 = arith.constant 0 : i32
      %dma_wait3A_191 = tpu.memref_slice %arg9[%dma_wait3A_188, %dma_wait3A_189, %dma_wait3A_190] : memref<2x128x64xi32, #tpu.memory_space<vmem>> -> memref<1x128x64xi32, #tpu.memory_space<vmem>>
      %dma_wait3A_192 = tpu.memref_squeeze %dma_wait3A_191 : memref<1x128x64xi32, #tpu.memory_space<vmem>> -> memref<128x64xi32, #tpu.memory_space<vmem>>
      %dma_wait3A_193 = tpu.memref_slice %arg7[%mul3A_187] : memref<5120xi32, #tpu.memory_space<vmem>> -> memref<128xi32, #tpu.memory_space<vmem>>
      %dma_wait3A_194 = arith.constant 0 : i32
      %dma_wait3A_195 = arith.constant 0 : i32
      %dma_wait3A_196 = tpu.memref_slice %arg2[%dma_wait3A_194, %dma_wait3A_195] : memref<10000x64xi32, #tpu.memory_space<hbm>> -> memref<10000x64xi32, #tpu.memory_space<hbm>>
      tpu.wait_indirect_dma semaphore(%arg13 : memref<!tpu.dma_semaphore, #tpu.memory_space<semaphore_mem>>) src(%dma_wait3A_196 : memref<10000x64xi32, #tpu.memory_space<hbm>>) dst(%dma_wait3A_192 : memref<128x64xi32, #tpu.memory_space<vmem>>)
      %scan3A_197 = arith.constant 0 : i32
      %scan3A_198 = arith.constant 0 : i32
      %scan3A_199 = arith.constant 64 : i32
      %scan3A_200 = arith.addi %scan3A_198, %scan3A_199 : i32
      %scan3A_201 = arith.constant 1 : i32
      scf.for %scan3A_203 = %scan3A_198 to %scan3A_200 step %scan3A_201  : i32 {
        %mul3A_204 = arith.constant 2 : i32
        %mul3A_205 = arith.muli %scan3A_203, %mul3A_204 : i32
        %add3A_206 = arith.constant 0 : i32
        %add3A_207 = arith.addi %mul3A_205, %add3A_206 : i32
        %get3A = arith.constant 1 : i32
        %get3A_208 = arith.constant 0 : i32
        %get3A_209 = arith.constant 0 : i32
        %get3A_210 = tpu.memref_slice %arg9[%get3A, %get3A_208, %get3A_209] : memref<2x128x64xi32, #tpu.memory_space<vmem>> -> memref<1x128x64xi32, #tpu.memory_space<vmem>>
        %get3A_211 = tpu.memref_squeeze %get3A_210 : memref<1x128x64xi32, #tpu.memory_space<vmem>> -> memref<128x64xi32, #tpu.memory_space<vmem>>
        %get3A_212 = arith.index_cast %add3A_207 : i32 to index
        %get3A_213 = arith.constant 0 : index
        %get3A_214 = tpu.vector_load %get3A_211[%get3A_212, %get3A_213] {strides = array<i32>} : memref<128x64xi32, #tpu.memory_space<vmem>>, vector<16xi32>,
        %bitcast3A = vector.bitcast %get3A_214 : vector<16xi32> to vector<32xbf16>
        %unpack3A = tpu.unpack_subelements %bitcast3A, 0 {pack_format = #tpu.pack_format<interleaved>} : vector<32xbf16> -> vector<16xf32>
        %unpack3A_215 = tpu.unpack_subelements %bitcast3A, 1 {pack_format = #tpu.pack_format<interleaved>} : vector<32xbf16> -> vector<16xf32>
        %swap3A = arith.index_cast %add3A_207 : i32 to index
        %swap3A_216 = arith.constant 0 : index
        %swap3A_217 = tpu.vector_load %arg10[%swap3A, %swap3A_216] {strides = array<i32>} : memref<128x128xf32, #tpu.memory_space<vmem>>, vector<16xf32>,
        tpu.vector_store %arg10[%swap3A, %swap3A_216], %unpack3A {strides = array<i32>} : memref<128x128xf32, #tpu.memory_space<vmem>>, vector<16xf32>,
        %swap3A_218 = arith.index_cast %add3A_207 : i32 to index
        %swap3A_219 = arith.constant 64 : index
        %swap3A_220 = tpu.vector_load %arg10[%swap3A_218, %swap3A_219] {strides = array<i32>} : memref<128x128xf32, #tpu.memory_space<vmem>>, vector<16xf32>,
        tpu.vector_store %arg10[%swap3A_218, %swap3A_219], %unpack3A_215 {strides = array<i32>} : memref<128x128xf32, #tpu.memory_space<vmem>>, vector<16xf32>,
        %get3A_221 = arith.constant 1 : i32
        %get3A_222 = arith.constant 0 : i32
        %get3A_223 = arith.constant 0 : i32
        %get3A_224 = tpu.memref_slice %arg9[%get3A_221, %get3A_222, %get3A_223] : memref<2x128x64xi32, #tpu.memory_space<vmem>> -> memref<1x128x64xi32, #tpu.memory_space<vmem>>
        %get3A_225 = tpu.memref_squeeze %get3A_224 : memref<1x128x64xi32, #tpu.memory_space<vmem>> -> memref<128x64xi32, #tpu.memory_space<vmem>>
        %get3A_226 = arith.index_cast %add3A_207 : i32 to index
        %get3A_227 = arith.constant 16 : index
        %get3A_228 = tpu.vector_load %get3A_225[%get3A_226, %get3A_227] {strides = array<i32>} : memref<128x64xi32, #tpu.memory_space<vmem>>, vector<16xi32>,
        %bitcast3A_229 = vector.bitcast %get3A_228 : vector<16xi32> to vector<32xbf16>
        %unpack3A_230 = tpu.unpack_subelements %bitcast3A_229, 0 {pack_format = #tpu.pack_format<interleaved>} : vector<32xbf16> -> vector<16xf32>
        %unpack3A_231 = tpu.unpack_subelements %bitcast3A_229, 1 {pack_format = #tpu.pack_format<interleaved>} : vector<32xbf16> -> vector<16xf32>
        %swap3A_232 = arith.index_cast %add3A_207 : i32 to index
        %swap3A_233 = arith.constant 16 : index
        %swap3A_234 = tpu.vector_load %arg10[%swap3A_232, %swap3A_233] {strides = array<i32>} : memref<128x128xf32, #tpu.memory_space<vmem>>, vector<16xf32>,
        tpu.vector_store %arg10[%swap3A_232, %swap3A_233], %unpack3A_230 {strides = array<i32>} : memref<128x128xf32, #tpu.memory_space<vmem>>, vector<16xf32>,
        %swap3A_235 = arith.index_cast %add3A_207 : i32 to index
        %swap3A_236 = arith.constant 80 : index
        %swap3A_237 = tpu.vector_load %arg10[%swap3A_235, %swap3A_236] {strides = array<i32>} : memref<128x128xf32, #tpu.memory_space<vmem>>, vector<16xf32>,
        tpu.vector_store %arg10[%swap3A_235, %swap3A_236], %unpack3A_231 {strides = array<i32>} : memref<128x128xf32, #tpu.memory_space<vmem>>, vector<16xf32>,
        %get3A_238 = arith.constant 1 : i32
        %get3A_239 = arith.constant 0 : i32
        %get3A_240 = arith.constant 0 : i32
        %get3A_241 = tpu.memref_slice %arg9[%get3A_238, %get3A_239, %get3A_240] : memref<2x128x64xi32, #tpu.memory_space<vmem>> -> memref<1x128x64xi32, #tpu.memory_space<vmem>>
        %get3A_242 = tpu.memref_squeeze %get3A_241 : memref<1x128x64xi32, #tpu.memory_space<vmem>> -> memref<128x64xi32, #tpu.memory_space<vmem>>
        %get3A_243 = arith.index_cast %add3A_207 : i32 to index
        %get3A_244 = arith.constant 32 : index
        %get3A_245 = tpu.vector_load %get3A_242[%get3A_243, %get3A_244] {strides = array<i32>} : memref<128x64xi32, #tpu.memory_space<vmem>>, vector<16xi32>,
        %bitcast3A_246 = vector.bitcast %get3A_245 : vector<16xi32> to vector<32xbf16>
        %unpack3A_247 = tpu.unpack_subelements %bitcast3A_246, 0 {pack_format = #tpu.pack_format<interleaved>} : vector<32xbf16> -> vector<16xf32>
        %unpack3A_248 = tpu.unpack_subelements %bitcast3A_246, 1 {pack_format = #tpu.pack_format<interleaved>} : vector<32xbf16> -> vector<16xf32>
        %swap3A_249 = arith.index_cast %add3A_207 : i32 to index
        %swap3A_250 = arith.constant 32 : index
        %swap3A_251 = tpu.vector_load %arg10[%swap3A_249, %swap3A_250] {strides = array<i32>} : memref<128x128xf32, #tpu.memory_space<vmem>>, vector<16xf32>,
        tpu.vector_store %arg10[%swap3A_249, %swap3A_250], %unpack3A_247 {strides = array<i32>} : memref<128x128xf32, #tpu.memory_space<vmem>>, vector<16xf32>,
        %swap3A_252 = arith.index_cast %add3A_207 : i32 to index
        %swap3A_253 = arith.constant 96 : index
        %swap3A_254 = tpu.vector_load %arg10[%swap3A_252, %swap3A_253] {strides = array<i32>} : memref<128x128xf32, #tpu.memory_space<vmem>>, vector<16xf32>,
        tpu.vector_store %arg10[%swap3A_252, %swap3A_253], %unpack3A_248 {strides = array<i32>} : memref<128x128xf32, #tpu.memory_space<vmem>>, vector<16xf32>,
        %get3A_255 = arith.constant 1 : i32
        %get3A_256 = arith.constant 0 : i32
        %get3A_257 = arith.constant 0 : i32
        %get3A_258 = tpu.memref_slice %arg9[%get3A_255, %get3A_256, %get3A_257] : memref<2x128x64xi32, #tpu.memory_space<vmem>> -> memref<1x128x64xi32, #tpu.memory_space<vmem>>
        %get3A_259 = tpu.memref_squeeze %get3A_258 : memref<1x128x64xi32, #tpu.memory_space<vmem>> -> memref<128x64xi32, #tpu.memory_space<vmem>>
        %get3A_260 = arith.index_cast %add3A_207 : i32 to index
        %get3A_261 = arith.constant 48 : index
        %get3A_262 = tpu.vector_load %get3A_259[%get3A_260, %get3A_261] {strides = array<i32>} : memref<128x64xi32, #tpu.memory_space<vmem>>, vector<16xi32>,
        %bitcast3A_263 = vector.bitcast %get3A_262 : vector<16xi32> to vector<32xbf16>
        %unpack3A_264 = tpu.unpack_subelements %bitcast3A_263, 0 {pack_format = #tpu.pack_format<interleaved>} : vector<32xbf16> -> vector<16xf32>
        %unpack3A_265 = tpu.unpack_subelements %bitcast3A_263, 1 {pack_format = #tpu.pack_format<interleaved>} : vector<32xbf16> -> vector<16xf32>
        %swap3A_266 = arith.index_cast %add3A_207 : i32 to index
        %swap3A_267 = arith.constant 48 : index
        %swap3A_268 = tpu.vector_load %arg10[%swap3A_266, %swap3A_267] {strides = array<i32>} : memref<128x128xf32, #tpu.memory_space<vmem>>, vector<16xf32>,
        tpu.vector_store %arg10[%swap3A_266, %swap3A_267], %unpack3A_264 {strides = array<i32>} : memref<128x128xf32, #tpu.memory_space<vmem>>, vector<16xf32>,
        %swap3A_269 = arith.index_cast %add3A_207 : i32 to index
        %swap3A_270 = arith.constant 112 : index
        %swap3A_271 = tpu.vector_load %arg10[%swap3A_269, %swap3A_270] {strides = array<i32>} : memref<128x128xf32, #tpu.memory_space<vmem>>, vector<16xf32>,
        tpu.vector_store %arg10[%swap3A_269, %swap3A_270], %unpack3A_265 {strides = array<i32>} : memref<128x128xf32, #tpu.memory_space<vmem>>, vector<16xf32>,
        %mul3A_272 = arith.constant 2 : i32
        %mul3A_273 = arith.muli %scan3A_203, %mul3A_272 : i32
        %add3A_274 = arith.constant 1 : i32
        %add3A_275 = arith.addi %mul3A_273, %add3A_274 : i32
        %get3A_276 = arith.constant 1 : i32
        %get3A_277 = arith.constant 0 : i32
        %get3A_278 = arith.constant 0 : i32
        %get3A_279 = tpu.memref_slice %arg9[%get3A_276, %get3A_277, %get3A_278] : memref<2x128x64xi32, #tpu.memory_space<vmem>> -> memref<1x128x64xi32, #tpu.memory_space<vmem>>
        %get3A_280 = tpu.memref_squeeze %get3A_279 : memref<1x128x64xi32, #tpu.memory_space<vmem>> -> memref<128x64xi32, #tpu.memory_space<vmem>>
        %get3A_281 = arith.index_cast %add3A_275 : i32 to index
        %get3A_282 = arith.constant 0 : index
        %get3A_283 = tpu.vector_load %get3A_280[%get3A_281, %get3A_282] {strides = array<i32>} : memref<128x64xi32, #tpu.memory_space<vmem>>, vector<16xi32>,
        %bitcast3A_284 = vector.bitcast %get3A_283 : vector<16xi32> to vector<32xbf16>
        %unpack3A_285 = tpu.unpack_subelements %bitcast3A_284, 0 {pack_format = #tpu.pack_format<interleaved>} : vector<32xbf16> -> vector<16xf32>
        %unpack3A_286 = tpu.unpack_subelements %bitcast3A_284, 1 {pack_format = #tpu.pack_format<interleaved>} : vector<32xbf16> -> vector<16xf32>
        %swap3A_287 = arith.index_cast %add3A_275 : i32 to index
        %swap3A_288 = arith.constant 0 : index
        %swap3A_289 = tpu.vector_load %arg10[%swap3A_287, %swap3A_288] {strides = array<i32>} : memref<128x128xf32, #tpu.memory_space<vmem>>, vector<16xf32>,
        tpu.vector_store %arg10[%swap3A_287, %swap3A_288], %unpack3A_285 {strides = array<i32>} : memref<128x128xf32, #tpu.memory_space<vmem>>, vector<16xf32>,
        %swap3A_290 = arith.index_cast %add3A_275 : i32 to index
        %swap3A_291 = arith.constant 64 : index
        %swap3A_292 = tpu.vector_load %arg10[%swap3A_290, %swap3A_291] {strides = array<i32>} : memref<128x128xf32, #tpu.memory_space<vmem>>, vector<16xf32>,
        tpu.vector_store %arg10[%swap3A_290, %swap3A_291], %unpack3A_286 {strides = array<i32>} : memref<128x128xf32, #tpu.memory_space<vmem>>, vector<16xf32>,
        %get3A_293 = arith.constant 1 : i32
        %get3A_294 = arith.constant 0 : i32
        %get3A_295 = arith.constant 0 : i32
        %get3A_296 = tpu.memref_slice %arg9[%get3A_293, %get3A_294, %get3A_295] : memref<2x128x64xi32, #tpu.memory_space<vmem>> -> memref<1x128x64xi32, #tpu.memory_space<vmem>>
        %get3A_297 = tpu.memref_squeeze %get3A_296 : memref<1x128x64xi32, #tpu.memory_space<vmem>> -> memref<128x64xi32, #tpu.memory_space<vmem>>
        %get3A_298 = arith.index_cast %add3A_275 : i32 to index
        %get3A_299 = arith.constant 16 : index
        %get3A_300 = tpu.vector_load %get3A_297[%get3A_298, %get3A_299] {strides = array<i32>} : memref<128x64xi32, #tpu.memory_space<vmem>>, vector<16xi32>,
        %bitcast3A_301 = vector.bitcast %get3A_300 : vector<16xi32> to vector<32xbf16>
        %unpack3A_302 = tpu.unpack_subelements %bitcast3A_301, 0 {pack_format = #tpu.pack_format<interleaved>} : vector<32xbf16> -> vector<16xf32>
        %unpack3A_303 = tpu.unpack_subelements %bitcast3A_301, 1 {pack_format = #tpu.pack_format<interleaved>} : vector<32xbf16> -> vector<16xf32>
        %swap3A_304 = arith.index_cast %add3A_275 : i32 to index
        %swap3A_305 = arith.constant 16 : index
        %swap3A_306 = tpu.vector_load %arg10[%swap3A_304, %swap3A_305] {strides = array<i32>} : memref<128x128xf32, #tpu.memory_space<vmem>>, vector<16xf32>,
        tpu.vector_store %arg10[%swap3A_304, %swap3A_305], %unpack3A_302 {strides = array<i32>} : memref<128x128xf32, #tpu.memory_space<vmem>>, vector<16xf32>,
        %swap3A_307 = arith.index_cast %add3A_275 : i32 to index
        %swap3A_308 = arith.constant 80 : index
        %swap3A_309 = tpu.vector_load %arg10[%swap3A_307, %swap3A_308] {strides = array<i32>} : memref<128x128xf32, #tpu.memory_space<vmem>>, vector<16xf32>,
        tpu.vector_store %arg10[%swap3A_307, %swap3A_308], %unpack3A_303 {strides = array<i32>} : memref<128x128xf32, #tpu.memory_space<vmem>>, vector<16xf32>,
        %get3A_310 = arith.constant 1 : i32
        %get3A_311 = arith.constant 0 : i32
        %get3A_312 = arith.constant 0 : i32
        %get3A_313 = tpu.memref_slice %arg9[%get3A_310, %get3A_311, %get3A_312] : memref<2x128x64xi32, #tpu.memory_space<vmem>> -> memref<1x128x64xi32, #tpu.memory_space<vmem>>
        %get3A_314 = tpu.memref_squeeze %get3A_313 : memref<1x128x64xi32, #tpu.memory_space<vmem>> -> memref<128x64xi32, #tpu.memory_space<vmem>>
        %get3A_315 = arith.index_cast %add3A_275 : i32 to index
        %get3A_316 = arith.constant 32 : index
        %get3A_317 = tpu.vector_load %get3A_314[%get3A_315, %get3A_316] {strides = array<i32>} : memref<128x64xi32, #tpu.memory_space<vmem>>, vector<16xi32>,
        %bitcast3A_318 = vector.bitcast %get3A_317 : vector<16xi32> to vector<32xbf16>
        %unpack3A_319 = tpu.unpack_subelements %bitcast3A_318, 0 {pack_format = #tpu.pack_format<interleaved>} : vector<32xbf16> -> vector<16xf32>
        %unpack3A_320 = tpu.unpack_subelements %bitcast3A_318, 1 {pack_format = #tpu.pack_format<interleaved>} : vector<32xbf16> -> vector<16xf32>
        %swap3A_321 = arith.index_cast %add3A_275 : i32 to index
        %swap3A_322 = arith.constant 32 : index
        %swap3A_323 = tpu.vector_load %arg10[%swap3A_321, %swap3A_322] {strides = array<i32>} : memref<128x128xf32, #tpu.memory_space<vmem>>, vector<16xf32>,
        tpu.vector_store %arg10[%swap3A_321, %swap3A_322], %unpack3A_319 {strides = array<i32>} : memref<128x128xf32, #tpu.memory_space<vmem>>, vector<16xf32>,
        %swap3A_324 = arith.index_cast %add3A_275 : i32 to index
        %swap3A_325 = arith.constant 96 : index
        %swap3A_326 = tpu.vector_load %arg10[%swap3A_324, %swap3A_325] {strides = array<i32>} : memref<128x128xf32, #tpu.memory_space<vmem>>, vector<16xf32>,
        tpu.vector_store %arg10[%swap3A_324, %swap3A_325], %unpack3A_320 {strides = array<i32>} : memref<128x128xf32, #tpu.memory_space<vmem>>, vector<16xf32>,
        %get3A_327 = arith.constant 1 : i32
        %get3A_328 = arith.constant 0 : i32
        %get3A_329 = arith.constant 0 : i32
        %get3A_330 = tpu.memref_slice %arg9[%get3A_327, %get3A_328, %get3A_329] : memref<2x128x64xi32, #tpu.memory_space<vmem>> -> memref<1x128x64xi32, #tpu.memory_space<vmem>>
        %get3A_331 = tpu.memref_squeeze %get3A_330 : memref<1x128x64xi32, #tpu.memory_space<vmem>> -> memref<128x64xi32, #tpu.memory_space<vmem>>
        %get3A_332 = arith.index_cast %add3A_275 : i32 to index
        %get3A_333 = arith.constant 48 : index
        %get3A_334 = tpu.vector_load %get3A_331[%get3A_332, %get3A_333] {strides = array<i32>} : memref<128x64xi32, #tpu.memory_space<vmem>>, vector<16xi32>,
        %bitcast3A_335 = vector.bitcast %get3A_334 : vector<16xi32> to vector<32xbf16>
        %unpack3A_336 = tpu.unpack_subelements %bitcast3A_335, 0 {pack_format = #tpu.pack_format<interleaved>} : vector<32xbf16> -> vector<16xf32>
        %unpack3A_337 = tpu.unpack_subelements %bitcast3A_335, 1 {pack_format = #tpu.pack_format<interleaved>} : vector<32xbf16> -> vector<16xf32>
        %swap3A_338 = arith.index_cast %add3A_275 : i32 to index
        %swap3A_339 = arith.constant 48 : index
        %swap3A_340 = tpu.vector_load %arg10[%swap3A_338, %swap3A_339] {strides = array<i32>} : memref<128x128xf32, #tpu.memory_space<vmem>>, vector<16xf32>,
        tpu.vector_store %arg10[%swap3A_338, %swap3A_339], %unpack3A_336 {strides = array<i32>} : memref<128x128xf32, #tpu.memory_space<vmem>>, vector<16xf32>,
        %swap3A_341 = arith.index_cast %add3A_275 : i32 to index
        %swap3A_342 = arith.constant 112 : index
        %swap3A_343 = tpu.vector_load %arg10[%swap3A_341, %swap3A_342] {strides = array<i32>} : memref<128x128xf32, #tpu.memory_space<vmem>>, vector<16xf32>,
        tpu.vector_store %arg10[%swap3A_341, %swap3A_342], %unpack3A_337 {strides = array<i32>} : memref<128x128xf32, #tpu.memory_space<vmem>>, vector<16xf32>,
      }
      %scan3A_202 = arith.constant 64 : i32
      "tpu.region"() ({
        %run_scoped3A_203 = tpu.sem_alloc : memref<!tpu.dma_semaphore, #tpu.memory_space<semaphore_mem>>
        %dma_start3A_204 = arith.constant 0 : i32
        %dma_start3A_205 = tpu.memref_slice %arg8[%add3A_185, %dma_start3A_204] : memref<40x128xi32, #tpu.memory_space<vmem>> -> memref<1x128xi32, #tpu.memory_space<vmem>>
        %dma_start3A_206 = tpu.memref_squeeze %dma_start3A_205 : memref<1x128xi32, #tpu.memory_space<vmem>> -> memref<128xi32, #tpu.memory_space<vmem>>
        %dma_start3A_207 = arith.constant 0 : i32
        %dma_start3A_208 = arith.constant 0 : i32
        %dma_start3A_209 = tpu.memref_slice %arg11[%dma_start3A_207, %dma_start3A_208] : memref<10240x128xf32, #tpu.memory_space<vmem_shared>> -> memref<10240x128xf32, #tpu.memory_space<vmem_shared>>
        tpu.enqueue_indirect_dma source(%arg10 : memref<128x128xf32, #tpu.memory_space<vmem>>) target(%dma_start3A_209 : memref<10240x128xf32, #tpu.memory_space<vmem_shared>>) offsets(%dma_start3A_206 : memref<128xi32, #tpu.memory_space<vmem>>) semaphore(%run_scoped3A_203 : memref<!tpu.dma_semaphore, #tpu.memory_space<semaphore_mem>>) {add = true}
        %dma_wait3A_210 = arith.constant 0 : i32
        %dma_wait3A_211 = tpu.memref_slice %arg8[%add3A_185, %dma_wait3A_210] : memref<40x128xi32, #tpu.memory_space<vmem>> -> memref<1x128xi32, #tpu.memory_space<vmem>>
        %dma_wait3A_212 = tpu.memref_squeeze %dma_wait3A_211 : memref<1x128xi32, #tpu.memory_space<vmem>> -> memref<128xi32, #tpu.memory_space<vmem>>
        %dma_wait3A_213 = arith.constant 0 : i32
        %dma_wait3A_214 = arith.constant 0 : i32
        %dma_wait3A_215 = tpu.memref_slice %arg11[%dma_wait3A_213, %dma_wait3A_214] : memref<10240x128xf32, #tpu.memory_space<vmem_shared>> -> memref<10240x128xf32, #tpu.memory_space<vmem_shared>>
        tpu.wait_indirect_dma semaphore(%run_scoped3A_203 : memref<!tpu.dma_semaphore, #tpu.memory_space<semaphore_mem>>) src(%arg10 : memref<128x128xf32, #tpu.memory_space<vmem>>) dst(%dma_wait3A_215 : memref<10240x128xf32, #tpu.memory_space<vmem_shared>>)
        tpu.yield
      }) : () -> ()
    }
    %scan3A_88 = arith.constant 19 : i32
    %dma_start3A_89 = arith.constant 1 : i32
    %dma_start3A_90 = arith.constant 0 : i32
    %dma_start3A_91 = arith.constant 0 : i32
    %dma_start3A_92 = tpu.memref_slice %arg9[%dma_start3A_89, %dma_start3A_90, %dma_start3A_91] : memref<2x128x64xi32, #tpu.memory_space<vmem>> -> memref<1x128x64xi32, #tpu.memory_space<vmem>>
    %dma_start3A_93 = tpu.memref_squeeze %dma_start3A_92 : memref<1x128x64xi32, #tpu.memory_space<vmem>> -> memref<128x64xi32, #tpu.memory_space<vmem>>
    %dma_start3A_94 = arith.constant 4992 : i32
    %dma_start3A_95 = tpu.memref_slice %arg7[%dma_start3A_94] : memref<5120xi32, #tpu.memory_space<vmem>> -> memref<128xi32, #tpu.memory_space<vmem>>
    %dma_start3A_96 = arith.constant 0 : i32
    %dma_start3A_97 = arith.constant 0 : i32
    %dma_start3A_98 = tpu.memref_slice %arg2[%dma_start3A_96, %dma_start3A_97] : memref<10000x64xi32, #tpu.memory_space<hbm>> -> memref<10000x64xi32, #tpu.memory_space<hbm>>
    tpu.enqueue_indirect_dma source(%dma_start3A_98 : memref<10000x64xi32, #tpu.memory_space<hbm>>) target(%dma_start3A_93 : memref<128x64xi32, #tpu.memory_space<vmem>>) offsets(%dma_start3A_95 : memref<128xi32, #tpu.memory_space<vmem>>) semaphore(%arg13 : memref<!tpu.dma_semaphore, #tpu.memory_space<semaphore_mem>>)
    %dma_wait3A_99 = arith.constant 0 : i32
    %dma_wait3A_100 = arith.constant 0 : i32
    %dma_wait3A_101 = arith.constant 0 : i32
    %dma_wait3A_102 = tpu.memref_slice %arg9[%dma_wait3A_99, %dma_wait3A_100, %dma_wait3A_101] : memref<2x128x64xi32, #tpu.memory_space<vmem>> -> memref<1x128x64xi32, #tpu.memory_space<vmem>>
    %dma_wait3A_103 = tpu.memref_squeeze %dma_wait3A_102 : memref<1x128x64xi32, #tpu.memory_space<vmem>> -> memref<128x64xi32, #tpu.memory_space<vmem>>
    %dma_wait3A_104 = arith.constant 4864 : i32
    %dma_wait3A_105 = tpu.memref_slice %arg7[%dma_wait3A_104] : memref<5120xi32, #tpu.memory_space<vmem>> -> memref<128xi32, #tpu.memory_space<vmem>>
    %dma_wait3A_106 = arith.constant 0 : i32
    %dma_wait3A_107 = arith.constant 0 : i32
    %dma_wait3A_108 = tpu.memref_slice %arg2[%dma_wait3A_106, %dma_wait3A_107] : memref<10000x64xi32, #tpu.memory_space<hbm>> -> memref<10000x64xi32, #tpu.memory_space<hbm>>
    tpu.wait_indirect_dma semaphore(%arg12 : memref<!tpu.dma_semaphore, #tpu.memory_space<semaphore_mem>>) src(%dma_wait3A_108 : memref<10000x64xi32, #tpu.memory_space<hbm>>) dst(%dma_wait3A_103 : memref<128x64xi32, #tpu.memory_space<vmem>>)
    %scan3A_109 = arith.constant 0 : i32
    %scan3A_110 = arith.constant 0 : i32
    %scan3A_111 = arith.constant 64 : i32
    %scan3A_112 = arith.addi %scan3A_110, %scan3A_111 : i32
    %scan3A_113 = arith.constant 1 : i32
    scf.for %scan3A_138 = %scan3A_110 to %scan3A_112 step %scan3A_113  : i32 {
      %mul3A_139 = arith.constant 2 : i32
      %mul3A_140 = arith.muli %scan3A_138, %mul3A_139 : i32
      %add3A_141 = arith.constant 0 : i32
      %add3A_142 = arith.addi %mul3A_140, %add3A_141 : i32
      %get3A = arith.constant 0 : i32
      %get3A_143 = arith.constant 0 : i32
      %get3A_144 = arith.constant 0 : i32
      %get3A_145 = tpu.memref_slice %arg9[%get3A, %get3A_143, %get3A_144] : memref<2x128x64xi32, #tpu.memory_space<vmem>> -> memref<1x128x64xi32, #tpu.memory_space<vmem>>
      %get3A_146 = tpu.memref_squeeze %get3A_145 : memref<1x128x64xi32, #tpu.memory_space<vmem>> -> memref<128x64xi32, #tpu.memory_space<vmem>>
      %get3A_147 = arith.index_cast %add3A_142 : i32 to index
      %get3A_148 = arith.constant 0 : index
      %get3A_149 = tpu.vector_load %get3A_146[%get3A_147, %get3A_148] {strides = array<i32>} : memref<128x64xi32, #tpu.memory_space<vmem>>, vector<16xi32>,
      %bitcast3A = vector.bitcast %get3A_149 : vector<16xi32> to vector<32xbf16>
      %unpack3A = tpu.unpack_subelements %bitcast3A, 0 {pack_format = #tpu.pack_format<interleaved>} : vector<32xbf16> -> vector<16xf32>
      %unpack3A_150 = tpu.unpack_subelements %bitcast3A, 1 {pack_format = #tpu.pack_format<interleaved>} : vector<32xbf16> -> vector<16xf32>
      %swap3A = arith.index_cast %add3A_142 : i32 to index
      %swap3A_151 = arith.constant 0 : index
      %swap3A_152 = tpu.vector_load %arg10[%swap3A, %swap3A_151] {strides = array<i32>} : memref<128x128xf32, #tpu.memory_space<vmem>>, vector<16xf32>,
      tpu.vector_store %arg10[%swap3A, %swap3A_151], %unpack3A {strides = array<i32>} : memref<128x128xf32, #tpu.memory_space<vmem>>, vector<16xf32>,
      %swap3A_153 = arith.index_cast %add3A_142 : i32 to index
      %swap3A_154 = arith.constant 64 : index
      %swap3A_155 = tpu.vector_load %arg10[%swap3A_153, %swap3A_154] {strides = array<i32>} : memref<128x128xf32, #tpu.memory_space<vmem>>, vector<16xf32>,
      tpu.vector_store %arg10[%swap3A_153, %swap3A_154], %unpack3A_150 {strides = array<i32>} : memref<128x128xf32, #tpu.memory_space<vmem>>, vector<16xf32>,
      %get3A_156 = arith.constant 0 : i32
      %get3A_157 = arith.constant 0 : i32
      %get3A_158 = arith.constant 0 : i32
      %get3A_159 = tpu.memref_slice %arg9[%get3A_156, %get3A_157, %get3A_158] : memref<2x128x64xi32, #tpu.memory_space<vmem>> -> memref<1x128x64xi32, #tpu.memory_space<vmem>>
      %get3A_160 = tpu.memref_squeeze %get3A_159 : memref<1x128x64xi32, #tpu.memory_space<vmem>> -> memref<128x64xi32, #tpu.memory_space<vmem>>
      %get3A_161 = arith.index_cast %add3A_142 : i32 to index
      %get3A_162 = arith.constant 16 : index
      %get3A_163 = tpu.vector_load %get3A_160[%get3A_161, %get3A_162] {strides = array<i32>} : memref<128x64xi32, #tpu.memory_space<vmem>>, vector<16xi32>,
      %bitcast3A_164 = vector.bitcast %get3A_163 : vector<16xi32> to vector<32xbf16>
      %unpack3A_165 = tpu.unpack_subelements %bitcast3A_164, 0 {pack_format = #tpu.pack_format<interleaved>} : vector<32xbf16> -> vector<16xf32>
      %unpack3A_166 = tpu.unpack_subelements %bitcast3A_164, 1 {pack_format = #tpu.pack_format<interleaved>} : vector<32xbf16> -> vector<16xf32>
      %swap3A_167 = arith.index_cast %add3A_142 : i32 to index
      %swap3A_168 = arith.constant 16 : index
      %swap3A_169 = tpu.vector_load %arg10[%swap3A_167, %swap3A_168] {strides = array<i32>} : memref<128x128xf32, #tpu.memory_space<vmem>>, vector<16xf32>,
      tpu.vector_store %arg10[%swap3A_167, %swap3A_168], %unpack3A_165 {strides = array<i32>} : memref<128x128xf32, #tpu.memory_space<vmem>>, vector<16xf32>,
      %swap3A_170 = arith.index_cast %add3A_142 : i32 to index
      %swap3A_171 = arith.constant 80 : index
      %swap3A_172 = tpu.vector_load %arg10[%swap3A_170, %swap3A_171] {strides = array<i32>} : memref<128x128xf32, #tpu.memory_space<vmem>>, vector<16xf32>,
      tpu.vector_store %arg10[%swap3A_170, %swap3A_171], %unpack3A_166 {strides = array<i32>} : memref<128x128xf32, #tpu.memory_space<vmem>>, vector<16xf32>,
      %get3A_173 = arith.constant 0 : i32
      %get3A_174 = arith.constant 0 : i32
      %get3A_175 = arith.constant 0 : i32
      %get3A_176 = tpu.memref_slice %arg9[%get3A_173, %get3A_174, %get3A_175] : memref<2x128x64xi32, #tpu.memory_space<vmem>> -> memref<1x128x64xi32, #tpu.memory_space<vmem>>
      %get3A_177 = tpu.memref_squeeze %get3A_176 : memref<1x128x64xi32, #tpu.memory_space<vmem>> -> memref<128x64xi32, #tpu.memory_space<vmem>>
      %get3A_178 = arith.index_cast %add3A_142 : i32 to index
      %get3A_179 = arith.constant 32 : index
      %get3A_180 = tpu.vector_load %get3A_177[%get3A_178, %get3A_179] {strides = array<i32>} : memref<128x64xi32, #tpu.memory_space<vmem>>, vector<16xi32>,
      %bitcast3A_181 = vector.bitcast %get3A_180 : vector<16xi32> to vector<32xbf16>
      %unpack3A_182 = tpu.unpack_subelements %bitcast3A_181, 0 {pack_format = #tpu.pack_format<interleaved>} : vector<32xbf16> -> vector<16xf32>
      %unpack3A_183 = tpu.unpack_subelements %bitcast3A_181, 1 {pack_format = #tpu.pack_format<interleaved>} : vector<32xbf16> -> vector<16xf32>
      %swap3A_184 = arith.index_cast %add3A_142 : i32 to index
      %swap3A_185 = arith.constant 32 : index
      %swap3A_186 = tpu.vector_load %arg10[%swap3A_184, %swap3A_185] {strides = array<i32>} : memref<128x128xf32, #tpu.memory_space<vmem>>, vector<16xf32>,
      tpu.vector_store %arg10[%swap3A_184, %swap3A_185], %unpack3A_182 {strides = array<i32>} : memref<128x128xf32, #tpu.memory_space<vmem>>, vector<16xf32>,
      %swap3A_187 = arith.index_cast %add3A_142 : i32 to index
      %swap3A_188 = arith.constant 96 : index
      %swap3A_189 = tpu.vector_load %arg10[%swap3A_187, %swap3A_188] {strides = array<i32>} : memref<128x128xf32, #tpu.memory_space<vmem>>, vector<16xf32>,
      tpu.vector_store %arg10[%swap3A_187, %swap3A_188], %unpack3A_183 {strides = array<i32>} : memref<128x128xf32, #tpu.memory_space<vmem>>, vector<16xf32>,
      %get3A_190 = arith.constant 0 : i32
      %get3A_191 = arith.constant 0 : i32
      %get3A_192 = arith.constant 0 : i32
      %get3A_193 = tpu.memref_slice %arg9[%get3A_190, %get3A_191, %get3A_192] : memref<2x128x64xi32, #tpu.memory_space<vmem>> -> memref<1x128x64xi32, #tpu.memory_space<vmem>>
      %get3A_194 = tpu.memref_squeeze %get3A_193 : memref<1x128x64xi32, #tpu.memory_space<vmem>> -> memref<128x64xi32, #tpu.memory_space<vmem>>
      %get3A_195 = arith.index_cast %add3A_142 : i32 to index
      %get3A_196 = arith.constant 48 : index
      %get3A_197 = tpu.vector_load %get3A_194[%get3A_195, %get3A_196] {strides = array<i32>} : memref<128x64xi32, #tpu.memory_space<vmem>>, vector<16xi32>,
      %bitcast3A_198 = vector.bitcast %get3A_197 : vector<16xi32> to vector<32xbf16>
      %unpack3A_199 = tpu.unpack_subelements %bitcast3A_198, 0 {pack_format = #tpu.pack_format<interleaved>} : vector<32xbf16> -> vector<16xf32>
      %unpack3A_200 = tpu.unpack_subelements %bitcast3A_198, 1 {pack_format = #tpu.pack_format<interleaved>} : vector<32xbf16> -> vector<16xf32>
      %swap3A_201 = arith.index_cast %add3A_142 : i32 to index
      %swap3A_202 = arith.constant 48 : index
      %swap3A_203 = tpu.vector_load %arg10[%swap3A_201, %swap3A_202] {strides = array<i32>} : memref<128x128xf32, #tpu.memory_space<vmem>>, vector<16xf32>,
      tpu.vector_store %arg10[%swap3A_201, %swap3A_202], %unpack3A_199 {strides = array<i32>} : memref<128x128xf32, #tpu.memory_space<vmem>>, vector<16xf32>,
      %swap3A_204 = arith.index_cast %add3A_142 : i32 to index
      %swap3A_205 = arith.constant 112 : index
      %swap3A_206 = tpu.vector_load %arg10[%swap3A_204, %swap3A_205] {strides = array<i32>} : memref<128x128xf32, #tpu.memory_space<vmem>>, vector<16xf32>,
      tpu.vector_store %arg10[%swap3A_204, %swap3A_205], %unpack3A_200 {strides = array<i32>} : memref<128x128xf32, #tpu.memory_space<vmem>>, vector<16xf32>,
      %mul3A_207 = arith.constant 2 : i32
      %mul3A_208 = arith.muli %scan3A_138, %mul3A_207 : i32
      %add3A_209 = arith.constant 1 : i32
      %add3A_210 = arith.addi %mul3A_208, %add3A_209 : i32
      %get3A_211 = arith.constant 0 : i32
      %get3A_212 = arith.constant 0 : i32
      %get3A_213 = arith.constant 0 : i32
      %get3A_214 = tpu.memref_slice %arg9[%get3A_211, %get3A_212, %get3A_213] : memref<2x128x64xi32, #tpu.memory_space<vmem>> -> memref<1x128x64xi32, #tpu.memory_space<vmem>>
      %get3A_215 = tpu.memref_squeeze %get3A_214 : memref<1x128x64xi32, #tpu.memory_space<vmem>> -> memref<128x64xi32, #tpu.memory_space<vmem>>
      %get3A_216 = arith.index_cast %add3A_210 : i32 to index
      %get3A_217 = arith.constant 0 : index
      %get3A_218 = tpu.vector_load %get3A_215[%get3A_216, %get3A_217] {strides = array<i32>} : memref<128x64xi32, #tpu.memory_space<vmem>>, vector<16xi32>,
      %bitcast3A_219 = vector.bitcast %get3A_218 : vector<16xi32> to vector<32xbf16>
      %unpack3A_220 = tpu.unpack_subelements %bitcast3A_219, 0 {pack_format = #tpu.pack_format<interleaved>} : vector<32xbf16> -> vector<16xf32>
      %unpack3A_221 = tpu.unpack_subelements %bitcast3A_219, 1 {pack_format = #tpu.pack_format<interleaved>} : vector<32xbf16> -> vector<16xf32>
      %swap3A_222 = arith.index_cast %add3A_210 : i32 to index
      %swap3A_223 = arith.constant 0 : index
      %swap3A_224 = tpu.vector_load %arg10[%swap3A_222, %swap3A_223] {strides = array<i32>} : memref<128x128xf32, #tpu.memory_space<vmem>>, vector<16xf32>,
      tpu.vector_store %arg10[%swap3A_222, %swap3A_223], %unpack3A_220 {strides = array<i32>} : memref<128x128xf32, #tpu.memory_space<vmem>>, vector<16xf32>,
      %swap3A_225 = arith.index_cast %add3A_210 : i32 to index
      %swap3A_226 = arith.constant 64 : index
      %swap3A_227 = tpu.vector_load %arg10[%swap3A_225, %swap3A_226] {strides = array<i32>} : memref<128x128xf32, #tpu.memory_space<vmem>>, vector<16xf32>,
      tpu.vector_store %arg10[%swap3A_225, %swap3A_226], %unpack3A_221 {strides = array<i32>} : memref<128x128xf32, #tpu.memory_space<vmem>>, vector<16xf32>,
      %get3A_228 = arith.constant 0 : i32
      %get3A_229 = arith.constant 0 : i32
      %get3A_230 = arith.constant 0 : i32
      %get3A_231 = tpu.memref_slice %arg9[%get3A_228, %get3A_229, %get3A_230] : memref<2x128x64xi32, #tpu.memory_space<vmem>> -> memref<1x128x64xi32, #tpu.memory_space<vmem>>
      %get3A_232 = tpu.memref_squeeze %get3A_231 : memref<1x128x64xi32, #tpu.memory_space<vmem>> -> memref<128x64xi32, #tpu.memory_space<vmem>>
      %get3A_233 = arith.index_cast %add3A_210 : i32 to index
      %get3A_234 = arith.constant 16 : index
      %get3A_235 = tpu.vector_load %get3A_232[%get3A_233, %get3A_234] {strides = array<i32>} : memref<128x64xi32, #tpu.memory_space<vmem>>, vector<16xi32>,
      %bitcast3A_236 = vector.bitcast %get3A_235 : vector<16xi32> to vector<32xbf16>
      %unpack3A_237 = tpu.unpack_subelements %bitcast3A_236, 0 {pack_format = #tpu.pack_format<interleaved>} : vector<32xbf16> -> vector<16xf32>
      %unpack3A_238 = tpu.unpack_subelements %bitcast3A_236, 1 {pack_format = #tpu.pack_format<interleaved>} : vector<32xbf16> -> vector<16xf32>
      %swap3A_239 = arith.index_cast %add3A_210 : i32 to index
      %swap3A_240 = arith.constant 16 : index
      %swap3A_241 = tpu.vector_load %arg10[%swap3A_239, %swap3A_240] {strides = array<i32>} : memref<128x128xf32, #tpu.memory_space<vmem>>, vector<16xf32>,
      tpu.vector_store %arg10[%swap3A_239, %swap3A_240], %unpack3A_237 {strides = array<i32>} : memref<128x128xf32, #tpu.memory_space<vmem>>, vector<16xf32>,
      %swap3A_242 = arith.index_cast %add3A_210 : i32 to index
      %swap3A_243 = arith.constant 80 : index
      %swap3A_244 = tpu.vector_load %arg10[%swap3A_242, %swap3A_243] {strides = array<i32>} : memref<128x128xf32, #tpu.memory_space<vmem>>, vector<16xf32>,
      tpu.vector_store %arg10[%swap3A_242, %swap3A_243], %unpack3A_238 {strides = array<i32>} : memref<128x128xf32, #tpu.memory_space<vmem>>, vector<16xf32>,
      %get3A_245 = arith.constant 0 : i32
      %get3A_246 = arith.constant 0 : i32
      %get3A_247 = arith.constant 0 : i32
      %get3A_248 = tpu.memref_slice %arg9[%get3A_245, %get3A_246, %get3A_247] : memref<2x128x64xi32, #tpu.memory_space<vmem>> -> memref<1x128x64xi32, #tpu.memory_space<vmem>>
      %get3A_249 = tpu.memref_squeeze %get3A_248 : memref<1x128x64xi32, #tpu.memory_space<vmem>> -> memref<128x64xi32, #tpu.memory_space<vmem>>
      %get3A_250 = arith.index_cast %add3A_210 : i32 to index
      %get3A_251 = arith.constant 32 : index
      %get3A_252 = tpu.vector_load %get3A_249[%get3A_250, %get3A_251] {strides = array<i32>} : memref<128x64xi32, #tpu.memory_space<vmem>>, vector<16xi32>,
      %bitcast3A_253 = vector.bitcast %get3A_252 : vector<16xi32> to vector<32xbf16>
      %unpack3A_254 = tpu.unpack_subelements %bitcast3A_253, 0 {pack_format = #tpu.pack_format<interleaved>} : vector<32xbf16> -> vector<16xf32>
      %unpack3A_255 = tpu.unpack_subelements %bitcast3A_253, 1 {pack_format = #tpu.pack_format<interleaved>} : vector<32xbf16> -> vector<16xf32>
      %swap3A_256 = arith.index_cast %add3A_210 : i32 to index
      %swap3A_257 = arith.constant 32 : index
      %swap3A_258 = tpu.vector_load %arg10[%swap3A_256, %swap3A_257] {strides = array<i32>} : memref<128x128xf32, #tpu.memory_space<vmem>>, vector<16xf32>,
      tpu.vector_store %arg10[%swap3A_256, %swap3A_257], %unpack3A_254 {strides = array<i32>} : memref<128x128xf32, #tpu.memory_space<vmem>>, vector<16xf32>,
      %swap3A_259 = arith.index_cast %add3A_210 : i32 to index
      %swap3A_260 = arith.constant 96 : index
      %swap3A_261 = tpu.vector_load %arg10[%swap3A_259, %swap3A_260] {strides = array<i32>} : memref<128x128xf32, #tpu.memory_space<vmem>>, vector<16xf32>,
      tpu.vector_store %arg10[%swap3A_259, %swap3A_260], %unpack3A_255 {strides = array<i32>} : memref<128x128xf32, #tpu.memory_space<vmem>>, vector<16xf32>,
      %get3A_262 = arith.constant 0 : i32
      %get3A_263 = arith.constant 0 : i32
      %get3A_264 = arith.constant 0 : i32
      %get3A_265 = tpu.memref_slice %arg9[%get3A_262, %get3A_263, %get3A_264] : memref<2x128x64xi32, #tpu.memory_space<vmem>> -> memref<1x128x64xi32, #tpu.memory_space<vmem>>
      %get3A_266 = tpu.memref_squeeze %get3A_265 : memref<1x128x64xi32, #tpu.memory_space<vmem>> -> memref<128x64xi32, #tpu.memory_space<vmem>>
      %get3A_267 = arith.index_cast %add3A_210 : i32 to index
      %get3A_268 = arith.constant 48 : index
      %get3A_269 = tpu.vector_load %get3A_266[%get3A_267, %get3A_268] {strides = array<i32>} : memref<128x64xi32, #tpu.memory_space<vmem>>, vector<16xi32>,
      %bitcast3A_270 = vector.bitcast %get3A_269 : vector<16xi32> to vector<32xbf16>
      %unpack3A_271 = tpu.unpack_subelements %bitcast3A_270, 0 {pack_format = #tpu.pack_format<interleaved>} : vector<32xbf16> -> vector<16xf32>
      %unpack3A_272 = tpu.unpack_subelements %bitcast3A_270, 1 {pack_format = #tpu.pack_format<interleaved>} : vector<32xbf16> -> vector<16xf32>
      %swap3A_273 = arith.index_cast %add3A_210 : i32 to index
      %swap3A_274 = arith.constant 48 : index
      %swap3A_275 = tpu.vector_load %arg10[%swap3A_273, %swap3A_274] {strides = array<i32>} : memref<128x128xf32, #tpu.memory_space<vmem>>, vector<16xf32>,
      tpu.vector_store %arg10[%swap3A_273, %swap3A_274], %unpack3A_271 {strides = array<i32>} : memref<128x128xf32, #tpu.memory_space<vmem>>, vector<16xf32>,
      %swap3A_276 = arith.index_cast %add3A_210 : i32 to index
      %swap3A_277 = arith.constant 112 : index
      %swap3A_278 = tpu.vector_load %arg10[%swap3A_276, %swap3A_277] {strides = array<i32>} : memref<128x128xf32, #tpu.memory_space<vmem>>, vector<16xf32>,
      tpu.vector_store %arg10[%swap3A_276, %swap3A_277], %unpack3A_272 {strides = array<i32>} : memref<128x128xf32, #tpu.memory_space<vmem>>, vector<16xf32>,
    }
    %scan3A_114 = arith.constant 64 : i32
    %run_scoped3A_115 = arith.constant 38 : i32
    "tpu.region"() ({
      %run_scoped3A_138 = tpu.sem_alloc : memref<!tpu.dma_semaphore, #tpu.memory_space<semaphore_mem>>
      %dma_start3A_139 = arith.constant 0 : i32
      %dma_start3A_140 = tpu.memref_slice %arg8[%run_scoped3A_115, %dma_start3A_139] : memref<40x128xi32, #tpu.memory_space<vmem>> -> memref<1x128xi32, #tpu.memory_space<vmem>>
      %dma_start3A_141 = tpu.memref_squeeze %dma_start3A_140 : memref<1x128xi32, #tpu.memory_space<vmem>> -> memref<128xi32, #tpu.memory_space<vmem>>
      %dma_start3A_142 = arith.constant 0 : i32
      %dma_start3A_143 = arith.constant 0 : i32
      %dma_start3A_144 = tpu.memref_slice %arg11[%dma_start3A_142, %dma_start3A_143] : memref<10240x128xf32, #tpu.memory_space<vmem_shared>> -> memref<10240x128xf32, #tpu.memory_space<vmem_shared>>
      tpu.enqueue_indirect_dma source(%arg10 : memref<128x128xf32, #tpu.memory_space<vmem>>) target(%dma_start3A_144 : memref<10240x128xf32, #tpu.memory_space<vmem_shared>>) offsets(%dma_start3A_141 : memref<128xi32, #tpu.memory_space<vmem>>) semaphore(%run_scoped3A_138 : memref<!tpu.dma_semaphore, #tpu.memory_space<semaphore_mem>>) {add = true}
      %dma_wait3A_145 = arith.constant 0 : i32
      %dma_wait3A_146 = tpu.memref_slice %arg8[%run_scoped3A_115, %dma_wait3A_145] : memref<40x128xi32, #tpu.memory_space<vmem>> -> memref<1x128xi32, #tpu.memory_space<vmem>>
      %dma_wait3A_147 = tpu.memref_squeeze %dma_wait3A_146 : memref<1x128xi32, #tpu.memory_space<vmem>> -> memref<128xi32, #tpu.memory_space<vmem>>
      %dma_wait3A_148 = arith.constant 0 : i32
      %dma_wait3A_149 = arith.constant 0 : i32
      %dma_wait3A_150 = tpu.memref_slice %arg11[%dma_wait3A_148, %dma_wait3A_149] : memref<10240x128xf32, #tpu.memory_space<vmem_shared>> -> memref<10240x128xf32, #tpu.memory_space<vmem_shared>>
      tpu.wait_indirect_dma semaphore(%run_scoped3A_138 : memref<!tpu.dma_semaphore, #tpu.memory_space<semaphore_mem>>) src(%arg10 : memref<128x128xf32, #tpu.memory_space<vmem>>) dst(%dma_wait3A_150 : memref<10240x128xf32, #tpu.memory_space<vmem_shared>>)
      tpu.yield
    }) : () -> ()
    %dma_wait3A_116 = arith.constant 1 : i32
    %dma_wait3A_117 = arith.constant 0 : i32
    %dma_wait3A_118 = arith.constant 0 : i32
    %dma_wait3A_119 = tpu.memref_slice %arg9[%dma_wait3A_116, %dma_wait3A_117, %dma_wait3A_118] : memref<2x128x64xi32, #tpu.memory_space<vmem>> -> memref<1x128x64xi32, #tpu.memory_space<vmem>>
    %dma_wait3A_120 = tpu.memref_squeeze %dma_wait3A_119 : memref<1x128x64xi32, #tpu.memory_space<vmem>> -> memref<128x64xi32, #tpu.memory_space<vmem>>
    %dma_wait3A_121 = arith.constant 4992 : i32
    %dma_wait3A_122 = tpu.memref_slice %arg7[%dma_wait3A_121] : memref<5120xi32, #tpu.memory_space<vmem>> -> memref<128xi32, #tpu.memory_space<vmem>>
    %dma_wait3A_123 = arith.constant 0 : i32
    %dma_wait3A_124 = arith.constant 0 : i32
    %dma_wait3A_125 = tpu.memref_slice %arg2[%dma_wait3A_123, %dma_wait3A_124] : memref<10000x64xi32, #tpu.memory_space<hbm>> -> memref<10000x64xi32, #tpu.memory_space<hbm>>
    tpu.wait_indirect_dma semaphore(%arg13 : memref<!tpu.dma_semaphore, #tpu.memory_space<semaphore_mem>>) src(%dma_wait3A_125 : memref<10000x64xi32, #tpu.memory_space<hbm>>) dst(%dma_wait3A_120 : memref<128x64xi32, #tpu.memory_space<vmem>>)
    %scan3A_126 = arith.constant 0 : i32
    %scan3A_127 = arith.constant 0 : i32
    %scan3A_128 = arith.constant 64 : i32
    %scan3A_129 = arith.addi %scan3A_127, %scan3A_128 : i32
    %scan3A_130 = arith.constant 1 : i32
    scf.for %scan3A_138 = %scan3A_127 to %scan3A_129 step %scan3A_130  : i32 {
      %mul3A_139 = arith.constant 2 : i32
      %mul3A_140 = arith.muli %scan3A_138, %mul3A_139 : i32
      %add3A_141 = arith.constant 0 : i32
      %add3A_142 = arith.addi %mul3A_140, %add3A_141 : i32
      %get3A = arith.constant 1 : i32
      %get3A_143 = arith.constant 0 : i32
      %get3A_144 = arith.constant 0 : i32
      %get3A_145 = tpu.memref_slice %arg9[%get3A, %get3A_143, %get3A_144] : memref<2x128x64xi32, #tpu.memory_space<vmem>> -> memref<1x128x64xi32, #tpu.memory_space<vmem>>
      %get3A_146 = tpu.memref_squeeze %get3A_145 : memref<1x128x64xi32, #tpu.memory_space<vmem>> -> memref<128x64xi32, #tpu.memory_space<vmem>>
      %get3A_147 = arith.index_cast %add3A_142 : i32 to index
      %get3A_148 = arith.constant 0 : index
      %get3A_149 = tpu.vector_load %get3A_146[%get3A_147, %get3A_148] {strides = array<i32>} : memref<128x64xi32, #tpu.memory_space<vmem>>, vector<16xi32>,
      %bitcast3A = vector.bitcast %get3A_149 : vector<16xi32> to vector<32xbf16>
      %unpack3A = tpu.unpack_subelements %bitcast3A, 0 {pack_format = #tpu.pack_format<interleaved>} : vector<32xbf16> -> vector<16xf32>
      %unpack3A_150 = tpu.unpack_subelements %bitcast3A, 1 {pack_format = #tpu.pack_format<interleaved>} : vector<32xbf16> -> vector<16xf32>
      %swap3A = arith.index_cast %add3A_142 : i32 to index
      %swap3A_151 = arith.constant 0 : index
      %swap3A_152 = tpu.vector_load %arg10[%swap3A, %swap3A_151] {strides = array<i32>} : memref<128x128xf32, #tpu.memory_space<vmem>>, vector<16xf32>,
      tpu.vector_store %arg10[%swap3A, %swap3A_151], %unpack3A {strides = array<i32>} : memref<128x128xf32, #tpu.memory_space<vmem>>, vector<16xf32>,
      %swap3A_153 = arith.index_cast %add3A_142 : i32 to index
      %swap3A_154 = arith.constant 64 : index
      %swap3A_155 = tpu.vector_load %arg10[%swap3A_153, %swap3A_154] {strides = array<i32>} : memref<128x128xf32, #tpu.memory_space<vmem>>, vector<16xf32>,
      tpu.vector_store %arg10[%swap3A_153, %swap3A_154], %unpack3A_150 {strides = array<i32>} : memref<128x128xf32, #tpu.memory_space<vmem>>, vector<16xf32>,
      %get3A_156 = arith.constant 1 : i32
      %get3A_157 = arith.constant 0 : i32
      %get3A_158 = arith.constant 0 : i32
      %get3A_159 = tpu.memref_slice %arg9[%get3A_156, %get3A_157, %get3A_158] : memref<2x128x64xi32, #tpu.memory_space<vmem>> -> memref<1x128x64xi32, #tpu.memory_space<vmem>>
      %get3A_160 = tpu.memref_squeeze %get3A_159 : memref<1x128x64xi32, #tpu.memory_space<vmem>> -> memref<128x64xi32, #tpu.memory_space<vmem>>
      %get3A_161 = arith.index_cast %add3A_142 : i32 to index
      %get3A_162 = arith.constant 16 : index
      %get3A_163 = tpu.vector_load %get3A_160[%get3A_161, %get3A_162] {strides = array<i32>} : memref<128x64xi32, #tpu.memory_space<vmem>>, vector<16xi32>,
      %bitcast3A_164 = vector.bitcast %get3A_163 : vector<16xi32> to vector<32xbf16>
      %unpack3A_165 = tpu.unpack_subelements %bitcast3A_164, 0 {pack_format = #tpu.pack_format<interleaved>} : vector<32xbf16> -> vector<16xf32>
      %unpack3A_166 = tpu.unpack_subelements %bitcast3A_164, 1 {pack_format = #tpu.pack_format<interleaved>} : vector<32xbf16> -> vector<16xf32>
      %swap3A_167 = arith.index_cast %add3A_142 : i32 to index
      %swap3A_168 = arith.constant 16 : index
      %swap3A_169 = tpu.vector_load %arg10[%swap3A_167, %swap3A_168] {strides = array<i32>} : memref<128x128xf32, #tpu.memory_space<vmem>>, vector<16xf32>,
      tpu.vector_store %arg10[%swap3A_167, %swap3A_168], %unpack3A_165 {strides = array<i32>} : memref<128x128xf32, #tpu.memory_space<vmem>>, vector<16xf32>,
      %swap3A_170 = arith.index_cast %add3A_142 : i32 to index
      %swap3A_171 = arith.constant 80 : index
      %swap3A_172 = tpu.vector_load %arg10[%swap3A_170, %swap3A_171] {strides = array<i32>} : memref<128x128xf32, #tpu.memory_space<vmem>>, vector<16xf32>,
      tpu.vector_store %arg10[%swap3A_170, %swap3A_171], %unpack3A_166 {strides = array<i32>} : memref<128x128xf32, #tpu.memory_space<vmem>>, vector<16xf32>,
      %get3A_173 = arith.constant 1 : i32
      %get3A_174 = arith.constant 0 : i32
      %get3A_175 = arith.constant 0 : i32
      %get3A_176 = tpu.memref_slice %arg9[%get3A_173, %get3A_174, %get3A_175] : memref<2x128x64xi32, #tpu.memory_space<vmem>> -> memref<1x128x64xi32, #tpu.memory_space<vmem>>
      %get3A_177 = tpu.memref_squeeze %get3A_176 : memref<1x128x64xi32, #tpu.memory_space<vmem>> -> memref<128x64xi32, #tpu.memory_space<vmem>>
      %get3A_178 = arith.index_cast %add3A_142 : i32 to index
      %get3A_179 = arith.constant 32 : index
      %get3A_180 = tpu.vector_load %get3A_177[%get3A_178, %get3A_179] {strides = array<i32>} : memref<128x64xi32, #tpu.memory_space<vmem>>, vector<16xi32>,
      %bitcast3A_181 = vector.bitcast %get3A_180 : vector<16xi32> to vector<32xbf16>
      %unpack3A_182 = tpu.unpack_subelements %bitcast3A_181, 0 {pack_format = #tpu.pack_format<interleaved>} : vector<32xbf16> -> vector<16xf32>
      %unpack3A_183 = tpu.unpack_subelements %bitcast3A_181, 1 {pack_format = #tpu.pack_format<interleaved>} : vector<32xbf16> -> vector<16xf32>
      %swap3A_184 = arith.index_cast %add3A_142 : i32 to index
      %swap3A_185 = arith.constant 32 : index
      %swap3A_186 = tpu.vector_load %arg10[%swap3A_184, %swap3A_185] {strides = array<i32>} : memref<128x128xf32, #tpu.memory_space<vmem>>, vector<16xf32>,
      tpu.vector_store %arg10[%swap3A_184, %swap3A_185], %unpack3A_182 {strides = array<i32>} : memref<128x128xf32, #tpu.memory_space<vmem>>, vector<16xf32>,
      %swap3A_187 = arith.index_cast %add3A_142 : i32 to index
      %swap3A_188 = arith.constant 96 : index
      %swap3A_189 = tpu.vector_load %arg10[%swap3A_187, %swap3A_188] {strides = array<i32>} : memref<128x128xf32, #tpu.memory_space<vmem>>, vector<16xf32>,
      tpu.vector_store %arg10[%swap3A_187, %swap3A_188], %unpack3A_183 {strides = array<i32>} : memref<128x128xf32, #tpu.memory_space<vmem>>, vector<16xf32>,
      %get3A_190 = arith.constant 1 : i32
      %get3A_191 = arith.constant 0 : i32
      %get3A_192 = arith.constant 0 : i32
      %get3A_193 = tpu.memref_slice %arg9[%get3A_190, %get3A_191, %get3A_192] : memref<2x128x64xi32, #tpu.memory_space<vmem>> -> memref<1x128x64xi32, #tpu.memory_space<vmem>>
      %get3A_194 = tpu.memref_squeeze %get3A_193 : memref<1x128x64xi32, #tpu.memory_space<vmem>> -> memref<128x64xi32, #tpu.memory_space<vmem>>
      %get3A_195 = arith.index_cast %add3A_142 : i32 to index
      %get3A_196 = arith.constant 48 : index
      %get3A_197 = tpu.vector_load %get3A_194[%get3A_195, %get3A_196] {strides = array<i32>} : memref<128x64xi32, #tpu.memory_space<vmem>>, vector<16xi32>,
      %bitcast3A_198 = vector.bitcast %get3A_197 : vector<16xi32> to vector<32xbf16>
      %unpack3A_199 = tpu.unpack_subelements %bitcast3A_198, 0 {pack_format = #tpu.pack_format<interleaved>} : vector<32xbf16> -> vector<16xf32>
      %unpack3A_200 = tpu.unpack_subelements %bitcast3A_198, 1 {pack_format = #tpu.pack_format<interleaved>} : vector<32xbf16> -> vector<16xf32>
      %swap3A_201 = arith.index_cast %add3A_142 : i32 to index
      %swap3A_202 = arith.constant 48 : index
      %swap3A_203 = tpu.vector_load %arg10[%swap3A_201, %swap3A_202] {strides = array<i32>} : memref<128x128xf32, #tpu.memory_space<vmem>>, vector<16xf32>,
      tpu.vector_store %arg10[%swap3A_201, %swap3A_202], %unpack3A_199 {strides = array<i32>} : memref<128x128xf32, #tpu.memory_space<vmem>>, vector<16xf32>,
      %swap3A_204 = arith.index_cast %add3A_142 : i32 to index
      %swap3A_205 = arith.constant 112 : index
      %swap3A_206 = tpu.vector_load %arg10[%swap3A_204, %swap3A_205] {strides = array<i32>} : memref<128x128xf32, #tpu.memory_space<vmem>>, vector<16xf32>,
      tpu.vector_store %arg10[%swap3A_204, %swap3A_205], %unpack3A_200 {strides = array<i32>} : memref<128x128xf32, #tpu.memory_space<vmem>>, vector<16xf32>,
      %mul3A_207 = arith.constant 2 : i32
      %mul3A_208 = arith.muli %scan3A_138, %mul3A_207 : i32
      %add3A_209 = arith.constant 1 : i32
      %add3A_210 = arith.addi %mul3A_208, %add3A_209 : i32
      %get3A_211 = arith.constant 1 : i32
      %get3A_212 = arith.constant 0 : i32
      %get3A_213 = arith.constant 0 : i32
      %get3A_214 = tpu.memref_slice %arg9[%get3A_211, %get3A_212, %get3A_213] : memref<2x128x64xi32, #tpu.memory_space<vmem>> -> memref<1x128x64xi32, #tpu.memory_space<vmem>>
      %get3A_215 = tpu.memref_squeeze %get3A_214 : memref<1x128x64xi32, #tpu.memory_space<vmem>> -> memref<128x64xi32, #tpu.memory_space<vmem>>
      %get3A_216 = arith.index_cast %add3A_210 : i32 to index
      %get3A_217 = arith.constant 0 : index
      %get3A_218 = tpu.vector_load %get3A_215[%get3A_216, %get3A_217] {strides = array<i32>} : memref<128x64xi32, #tpu.memory_space<vmem>>, vector<16xi32>,
      %bitcast3A_219 = vector.bitcast %get3A_218 : vector<16xi32> to vector<32xbf16>
      %unpack3A_220 = tpu.unpack_subelements %bitcast3A_219, 0 {pack_format = #tpu.pack_format<interleaved>} : vector<32xbf16> -> vector<16xf32>
      %unpack3A_221 = tpu.unpack_subelements %bitcast3A_219, 1 {pack_format = #tpu.pack_format<interleaved>} : vector<32xbf16> -> vector<16xf32>
      %swap3A_222 = arith.index_cast %add3A_210 : i32 to index
      %swap3A_223 = arith.constant 0 : index
      %swap3A_224 = tpu.vector_load %arg10[%swap3A_222, %swap3A_223] {strides = array<i32>} : memref<128x128xf32, #tpu.memory_space<vmem>>, vector<16xf32>,
      tpu.vector_store %arg10[%swap3A_222, %swap3A_223], %unpack3A_220 {strides = array<i32>} : memref<128x128xf32, #tpu.memory_space<vmem>>, vector<16xf32>,
      %swap3A_225 = arith.index_cast %add3A_210 : i32 to index
      %swap3A_226 = arith.constant 64 : index
      %swap3A_227 = tpu.vector_load %arg10[%swap3A_225, %swap3A_226] {strides = array<i32>} : memref<128x128xf32, #tpu.memory_space<vmem>>, vector<16xf32>,
      tpu.vector_store %arg10[%swap3A_225, %swap3A_226], %unpack3A_221 {strides = array<i32>} : memref<128x128xf32, #tpu.memory_space<vmem>>, vector<16xf32>,
      %get3A_228 = arith.constant 1 : i32
      %get3A_229 = arith.constant 0 : i32
      %get3A_230 = arith.constant 0 : i32
      %get3A_231 = tpu.memref_slice %arg9[%get3A_228, %get3A_229, %get3A_230] : memref<2x128x64xi32, #tpu.memory_space<vmem>> -> memref<1x128x64xi32, #tpu.memory_space<vmem>>
      %get3A_232 = tpu.memref_squeeze %get3A_231 : memref<1x128x64xi32, #tpu.memory_space<vmem>> -> memref<128x64xi32, #tpu.memory_space<vmem>>
      %get3A_233 = arith.index_cast %add3A_210 : i32 to index
      %get3A_234 = arith.constant 16 : index
      %get3A_235 = tpu.vector_load %get3A_232[%get3A_233, %get3A_234] {strides = array<i32>} : memref<128x64xi32, #tpu.memory_space<vmem>>, vector<16xi32>,
      %bitcast3A_236 = vector.bitcast %get3A_235 : vector<16xi32> to vector<32xbf16>
      %unpack3A_237 = tpu.unpack_subelements %bitcast3A_236, 0 {pack_format = #tpu.pack_format<interleaved>} : vector<32xbf16> -> vector<16xf32>
      %unpack3A_238 = tpu.unpack_subelements %bitcast3A_236, 1 {pack_format = #tpu.pack_format<interleaved>} : vector<32xbf16> -> vector<16xf32>
      %swap3A_239 = arith.index_cast %add3A_210 : i32 to index
      %swap3A_240 = arith.constant 16 : index
      %swap3A_241 = tpu.vector_load %arg10[%swap3A_239, %swap3A_240] {strides = array<i32>} : memref<128x128xf32, #tpu.memory_space<vmem>>, vector<16xf32>,
      tpu.vector_store %arg10[%swap3A_239, %swap3A_240], %unpack3A_237 {strides = array<i32>} : memref<128x128xf32, #tpu.memory_space<vmem>>, vector<16xf32>,
      %swap3A_242 = arith.index_cast %add3A_210 : i32 to index
      %swap3A_243 = arith.constant 80 : index
      %swap3A_244 = tpu.vector_load %arg10[%swap3A_242, %swap3A_243] {strides = array<i32>} : memref<128x128xf32, #tpu.memory_space<vmem>>, vector<16xf32>,
      tpu.vector_store %arg10[%swap3A_242, %swap3A_243], %unpack3A_238 {strides = array<i32>} : memref<128x128xf32, #tpu.memory_space<vmem>>, vector<16xf32>,
      %get3A_245 = arith.constant 1 : i32
      %get3A_246 = arith.constant 0 : i32
      %get3A_247 = arith.constant 0 : i32
      %get3A_248 = tpu.memref_slice %arg9[%get3A_245, %get3A_246, %get3A_247] : memref<2x128x64xi32, #tpu.memory_space<vmem>> -> memref<1x128x64xi32, #tpu.memory_space<vmem>>
      %get3A_249 = tpu.memref_squeeze %get3A_248 : memref<1x128x64xi32, #tpu.memory_space<vmem>> -> memref<128x64xi32, #tpu.memory_space<vmem>>
      %get3A_250 = arith.index_cast %add3A_210 : i32 to index
      %get3A_251 = arith.constant 32 : index
      %get3A_252 = tpu.vector_load %get3A_249[%get3A_250, %get3A_251] {strides = array<i32>} : memref<128x64xi32, #tpu.memory_space<vmem>>, vector<16xi32>,
      %bitcast3A_253 = vector.bitcast %get3A_252 : vector<16xi32> to vector<32xbf16>
      %unpack3A_254 = tpu.unpack_subelements %bitcast3A_253, 0 {pack_format = #tpu.pack_format<interleaved>} : vector<32xbf16> -> vector<16xf32>
      %unpack3A_255 = tpu.unpack_subelements %bitcast3A_253, 1 {pack_format = #tpu.pack_format<interleaved>} : vector<32xbf16> -> vector<16xf32>
      %swap3A_256 = arith.index_cast %add3A_210 : i32 to index
      %swap3A_257 = arith.constant 32 : index
      %swap3A_258 = tpu.vector_load %arg10[%swap3A_256, %swap3A_257] {strides = array<i32>} : memref<128x128xf32, #tpu.memory_space<vmem>>, vector<16xf32>,
      tpu.vector_store %arg10[%swap3A_256, %swap3A_257], %unpack3A_254 {strides = array<i32>} : memref<128x128xf32, #tpu.memory_space<vmem>>, vector<16xf32>,
      %swap3A_259 = arith.index_cast %add3A_210 : i32 to index
      %swap3A_260 = arith.constant 96 : index
      %swap3A_261 = tpu.vector_load %arg10[%swap3A_259, %swap3A_260] {strides = array<i32>} : memref<128x128xf32, #tpu.memory_space<vmem>>, vector<16xf32>,
      tpu.vector_store %arg10[%swap3A_259, %swap3A_260], %unpack3A_255 {strides = array<i32>} : memref<128x128xf32, #tpu.memory_space<vmem>>, vector<16xf32>,
      %get3A_262 = arith.constant 1 : i32
      %get3A_263 = arith.constant 0 : i32
      %get3A_264 = arith.constant 0 : i32
      %get3A_265 = tpu.memref_slice %arg9[%get3A_262, %get3A_263, %get3A_264] : memref<2x128x64xi32, #tpu.memory_space<vmem>> -> memref<1x128x64xi32, #tpu.memory_space<vmem>>
      %get3A_266 = tpu.memref_squeeze %get3A_265 : memref<1x128x64xi32, #tpu.memory_space<vmem>> -> memref<128x64xi32, #tpu.memory_space<vmem>>
      %get3A_267 = arith.index_cast %add3A_210 : i32 to index
      %get3A_268 = arith.constant 48 : index
      %get3A_269 = tpu.vector_load %get3A_266[%get3A_267, %get3A_268] {strides = array<i32>} : memref<128x64xi32, #tpu.memory_space<vmem>>, vector<16xi32>,
      %bitcast3A_270 = vector.bitcast %get3A_269 : vector<16xi32> to vector<32xbf16>
      %unpack3A_271 = tpu.unpack_subelements %bitcast3A_270, 0 {pack_format = #tpu.pack_format<interleaved>} : vector<32xbf16> -> vector<16xf32>
      %unpack3A_272 = tpu.unpack_subelements %bitcast3A_270, 1 {pack_format = #tpu.pack_format<interleaved>} : vector<32xbf16> -> vector<16xf32>
      %swap3A_273 = arith.index_cast %add3A_210 : i32 to index
      %swap3A_274 = arith.constant 48 : index
      %swap3A_275 = tpu.vector_load %arg10[%swap3A_273, %swap3A_274] {strides = array<i32>} : memref<128x128xf32, #tpu.memory_space<vmem>>, vector<16xf32>,
      tpu.vector_store %arg10[%swap3A_273, %swap3A_274], %unpack3A_271 {strides = array<i32>} : memref<128x128xf32, #tpu.memory_space<vmem>>, vector<16xf32>,
      %swap3A_276 = arith.index_cast %add3A_210 : i32 to index
      %swap3A_277 = arith.constant 112 : index
      %swap3A_278 = tpu.vector_load %arg10[%swap3A_276, %swap3A_277] {strides = array<i32>} : memref<128x128xf32, #tpu.memory_space<vmem>>, vector<16xf32>,
      tpu.vector_store %arg10[%swap3A_276, %swap3A_277], %unpack3A_272 {strides = array<i32>} : memref<128x128xf32, #tpu.memory_space<vmem>>, vector<16xf32>,
    }
    %scan3A_131 = arith.constant 64 : i32
    %run_scoped3A_132 = arith.constant 39 : i32
    "tpu.region"() ({
      %run_scoped3A_138 = tpu.sem_alloc : memref<!tpu.dma_semaphore, #tpu.memory_space<semaphore_mem>>
      %dma_start3A_139 = arith.constant 0 : i32
      %dma_start3A_140 = tpu.memref_slice %arg8[%run_scoped3A_132, %dma_start3A_139] : memref<40x128xi32, #tpu.memory_space<vmem>> -> memref<1x128xi32, #tpu.memory_space<vmem>>
      %dma_start3A_141 = tpu.memref_squeeze %dma_start3A_140 : memref<1x128xi32, #tpu.memory_space<vmem>> -> memref<128xi32, #tpu.memory_space<vmem>>
      %dma_start3A_142 = arith.constant 0 : i32
      %dma_start3A_143 = arith.constant 0 : i32
      %dma_start3A_144 = tpu.memref_slice %arg11[%dma_start3A_142, %dma_start3A_143] : memref<10240x128xf32, #tpu.memory_space<vmem_shared>> -> memref<10240x128xf32, #tpu.memory_space<vmem_shared>>
      tpu.enqueue_indirect_dma source(%arg10 : memref<128x128xf32, #tpu.memory_space<vmem>>) target(%dma_start3A_144 : memref<10240x128xf32, #tpu.memory_space<vmem_shared>>) offsets(%dma_start3A_141 : memref<128xi32, #tpu.memory_space<vmem>>) semaphore(%run_scoped3A_138 : memref<!tpu.dma_semaphore, #tpu.memory_space<semaphore_mem>>) {add = true}
      %dma_wait3A_145 = arith.constant 0 : i32
      %dma_wait3A_146 = tpu.memref_slice %arg8[%run_scoped3A_132, %dma_wait3A_145] : memref<40x128xi32, #tpu.memory_space<vmem>> -> memref<1x128xi32, #tpu.memory_space<vmem>>
      %dma_wait3A_147 = tpu.memref_squeeze %dma_wait3A_146 : memref<1x128xi32, #tpu.memory_space<vmem>> -> memref<128xi32, #tpu.memory_space<vmem>>
      %dma_wait3A_148 = arith.constant 0 : i32
      %dma_wait3A_149 = arith.constant 0 : i32
      %dma_wait3A_150 = tpu.memref_slice %arg11[%dma_wait3A_148, %dma_wait3A_149] : memref<10240x128xf32, #tpu.memory_space<vmem_shared>> -> memref<10240x128xf32, #tpu.memory_space<vmem_shared>>
      tpu.wait_indirect_dma semaphore(%run_scoped3A_138 : memref<!tpu.dma_semaphore, #tpu.memory_space<semaphore_mem>>) src(%arg10 : memref<128x128xf32, #tpu.memory_space<vmem>>) dst(%dma_wait3A_150 : memref<10240x128xf32, #tpu.memory_space<vmem_shared>>)
      tpu.yield
    }) : () -> ()
    %barrier3A_133 = arith.constant 0 : index
    tpu.barrier barrier_id(%barrier3A_133)
    %mul3A_134 = arith.constant 640 : i32
    %mul3A_135 = arith.muli %arg1, %mul3A_134 : i32
    %mul3A_136 = arith.constant 640 : i32
    %mul3A_137 = arith.muli %arg1, %mul3A_136 : i32
    "tpu.region"() ({
      %run_scoped3A_138 = tpu.sem_alloc : memref<!tpu.dma_semaphore, #tpu.memory_space<semaphore_mem>>
      %dma_start3A_139 = arith.constant 0 : i32
      %dma_start3A_140 = arith.constant 0 : i32
      %dma_start3A_141 = tpu.memref_slice %arg6[%arg0, %dma_start3A_139, %dma_start3A_140] : memref<2x10240x128xf32, #tpu.memory_space<hbm>> -> memref<1x10240x128xf32, #tpu.memory_space<hbm>>
      %dma_start3A_142 = tpu.memref_squeeze %dma_start3A_141 : memref<1x10240x128xf32, #tpu.memory_space<hbm>> -> memref<10240x128xf32, #tpu.memory_space<hbm>>
      %dma_start3A_143 = arith.constant 0 : i32
      %dma_start3A_144 = tpu.memref_slice %dma_start3A_142[%mul3A_137, %dma_start3A_143] : memref<10240x128xf32, #tpu.memory_space<hbm>> -> memref<640x128xf32, #tpu.memory_space<hbm>>
      %dma_start3A_145 = arith.constant 0 : i32
      %dma_start3A_146 = tpu.memref_slice %arg11[%mul3A_135, %dma_start3A_145] : memref<10240x128xf32, #tpu.memory_space<vmem_shared>> -> memref<640x128xf32, #tpu.memory_space<vmem_shared>>
      tpu.enqueue_dma source(%dma_start3A_146 : memref<640x128xf32, #tpu.memory_space<vmem_shared>>) target(%dma_start3A_144 : memref<640x128xf32, #tpu.memory_space<hbm>>) target_semaphore(%run_scoped3A_138 : memref<!tpu.dma_semaphore, #tpu.memory_space<semaphore_mem>>)
      %dma_wait3A_147 = arith.constant 0 : i32
      %dma_wait3A_148 = arith.constant 0 : i32
      %dma_wait3A_149 = tpu.memref_slice %arg6[%arg0, %dma_wait3A_147, %dma_wait3A_148] : memref<2x10240x128xf32, #tpu.memory_space<hbm>> -> memref<1x10240x128xf32, #tpu.memory_space<hbm>>
      %dma_wait3A_150 = tpu.memref_squeeze %dma_wait3A_149 : memref<1x10240x128xf32, #tpu.memory_space<hbm>> -> memref<10240x128xf32, #tpu.memory_space<hbm>>
      %dma_wait3A_151 = arith.constant 0 : i32
      %dma_wait3A_152 = tpu.memref_slice %dma_wait3A_150[%mul3A_137, %dma_wait3A_151] : memref<10240x128xf32, #tpu.memory_space<hbm>> -> memref<640x128xf32, #tpu.memory_space<hbm>>
      %dma_wait3A_153 = arith.constant 0 : i32
      %dma_wait3A_154 = tpu.memref_slice %arg11[%mul3A_135, %dma_wait3A_153] : memref<10240x128xf32, #tpu.memory_space<vmem_shared>> -> memref<640x128xf32, #tpu.memory_space<vmem_shared>>
      tpu.wait_dma2 semaphore(%run_scoped3A_138 : memref<!tpu.dma_semaphore, #tpu.memory_space<semaphore_mem>>) src(%dma_wait3A_154 : memref<640x128xf32, #tpu.memory_space<vmem_shared>>) dst(%dma_wait3A_152 : memref<640x128xf32, #tpu.memory_space<hbm>>)
      tpu.yield
    }) : () -> ()
    return
  }
}

module attributes {stable_mosaic.version = 14 : i64} {
  func.func @_tc_body(%arg0: i32, %arg1: memref<1000x128xf32, #tpu.memory_space<vmem>>, %arg2: memref<2x1000x128xf32, #tpu.memory_space<vmem>>, %arg3: memref<128x128xf32, #tpu.memory_space<vmem>>, %arg4: memref<128x128xf32, #tpu.memory_space<vmem>>, %arg5: memref<1x128xf32, #tpu.memory_space<vmem>>, %arg6: memref<1000x128xf32, #tpu.memory_space<vmem>>) attributes {dimension_semantics = [#tpu.dimension_semantics<arbitrary>], iteration_bounds = array<i64: 10>, scalar_prefetch = 0 : i64, scratch_operands = 0 : i64, tpu.core_type = #tpu.core_type<tc>, window_params = [{transform_indices = @transform_0, window_bounds = array<i64: 1000, 128>}, {transform_indices = @transform_1, window_bounds = array<i64: 2, 1000, 128>}, {pipeline_mode = #tpu.pipeline_mode<synchronous>, transform_indices = @transform_2, window_bounds = array<i64: 128, 128>}, {pipeline_mode = #tpu.pipeline_mode<synchronous>, transform_indices = @transform_3, window_bounds = array<i64: 128, 128>}, {pipeline_mode = #tpu.pipeline_mode<synchronous>, transform_indices = @transform_4, window_bounds = array<i64: 1, 128>}, {transform_indices = @transform_5, window_bounds = array<i64: 1000, 128>}]} {
    %get3A = arith.constant 0 : index
    %get3A_0 = arith.constant 0 : index
    %get3A_1 = arith.constant 0 : index
    %get3A_2 = vector.load %arg2[%get3A, %get3A_0, %get3A_1] : memref<2x1000x128xf32, #tpu.memory_space<vmem>>, vector<1x1000x128xf32>
    %get3A_3 = vector.shape_cast %get3A_2 : vector<1x1000x128xf32> to vector<1000x128xf32>
    %get3A_4 = arith.constant 1 : index
    %get3A_5 = arith.constant 0 : index
    %get3A_6 = arith.constant 0 : index
    %get3A_7 = vector.load %arg2[%get3A_4, %get3A_5, %get3A_6] : memref<2x1000x128xf32, #tpu.memory_space<vmem>>, vector<1x1000x128xf32>
    %get3A_8 = vector.shape_cast %get3A_7 : vector<1x1000x128xf32> to vector<1000x128xf32>
    %add3A = arith.addf %get3A_3, %get3A_8 : vector<1000x128xf32>
    %get3A_9 = arith.constant 0 : index
    %get3A_10 = arith.constant 0 : index
    %get3A_11 = vector.load %arg1[%get3A_9, %get3A_10] : memref<1000x128xf32, #tpu.memory_space<vmem>>, vector<1000x128xf32>
    %get3A_12 = arith.constant 0 : index
    %get3A_13 = arith.constant 0 : index
    %get3A_14 = vector.load %arg3[%get3A_12, %get3A_13] : memref<128x128xf32, #tpu.memory_space<vmem>>, vector<128x128xf32>
    %dot_general3A = arith.constant dense<0.000000e+00> : vector<1000x128xf32>
    %dot_general3A_15 = tpu.matmul %get3A_11, %get3A_14, %dot_general3A {dimension_numbers = #tpu.dot_dimension_numbers<[1], [0], [0], [1], [0, 0, 1, 1], [], []>, transpose_lhs_hint = false} : vector<1000x128xf32>, vector<128x128xf32>, vector<1000x128xf32> -> vector<1000x128xf32>
    %get3A_16 = arith.constant 0 : index
    %get3A_17 = arith.constant 0 : index
    %get3A_18 = vector.load %arg4[%get3A_16, %get3A_17] : memref<128x128xf32, #tpu.memory_space<vmem>>, vector<128x128xf32>
    %dot_general3A_19 = arith.constant dense<0.000000e+00> : vector<1000x128xf32>
    %dot_general3A_20 = tpu.matmul %add3A, %get3A_18, %dot_general3A_19 {dimension_numbers = #tpu.dot_dimension_numbers<[1], [0], [0], [1], [0, 0, 1, 1], [], []>, transpose_lhs_hint = false} : vector<1000x128xf32>, vector<128x128xf32>, vector<1000x128xf32> -> vector<1000x128xf32>
    %add3A_21 = arith.addf %dot_general3A_15, %dot_general3A_20 : vector<1000x128xf32>
    %get3A_22 = arith.constant 0 : index
    %get3A_23 = arith.constant 0 : index
    %get3A_24 = vector.load %arg5[%get3A_22, %get3A_23] : memref<1x128xf32, #tpu.memory_space<vmem>>, vector<1x128xf32>
    %add3A_25 = vector.broadcast %get3A_24 : vector<1x128xf32> to vector<1000x128xf32>
    %add3A_26 = arith.addf %add3A_21, %add3A_25 : vector<1000x128xf32>
    %logistic3A = arith.negf %add3A_26 : vector<1000x128xf32>
    %logistic3A_27 = math.exp %logistic3A : vector<1000x128xf32>
    %logistic3A_28 = arith.constant 1.000000e+00 : f32
    %logistic3A_29 = vector.broadcast %logistic3A_28 : f32 to vector<1000x128xf32>
    %logistic3A_30 = arith.addf %logistic3A_29, %logistic3A_27 : vector<1000x128xf32>
    %logistic3A_31 = arith.divf %logistic3A_29, %logistic3A_30 : vector<1000x128xf32>
    %mul3A = arith.mulf %add3A_26, %logistic3A_31 : vector<1000x128xf32>
    %swap3A = arith.constant 0 : index
    %swap3A_32 = arith.constant 0 : index
    %swap3A_33 = vector.load %arg6[%swap3A, %swap3A_32] : memref<1000x128xf32, #tpu.memory_space<vmem>>, vector<1000x128xf32>
    tpu.vector_store %arg6[%swap3A, %swap3A_32], %mul3A {strides = array<i32>} : memref<1000x128xf32, #tpu.memory_space<vmem>>, vector<1000x128xf32>,
    return
  }
  func.func @transform_0(%arg0: i32) -> (i32, i32) {
    %c0_i32 = arith.constant 0 : i32
    %c0_i32_0 = arith.constant 0 : i32
    return %arg0, %c0_i32 : i32, i32
  }
  func.func @transform_1(%arg0: i32) -> (i32, i32, i32) {
    %c0_i32 = arith.constant 0 : i32
    %c0_i32_0 = arith.constant 0 : i32
    %c0_i32_1 = arith.constant 0 : i32
    return %c0_i32, %arg0, %c0_i32_0 : i32, i32, i32
  }
  func.func @transform_2(%arg0: i32) -> (i32, i32) {
    %c0_i32 = arith.constant 0 : i32
    %c0_i32_0 = arith.constant 0 : i32
    %c0_i32_1 = arith.constant 0 : i32
    return %c0_i32, %c0_i32_0 : i32, i32
  }
  func.func @transform_3(%arg0: i32) -> (i32, i32) {
    %c0_i32 = arith.constant 0 : i32
    %c0_i32_0 = arith.constant 0 : i32
    %c0_i32_1 = arith.constant 0 : i32
    return %c0_i32, %c0_i32_0 : i32, i32
  }
  func.func @transform_4(%arg0: i32) -> (i32, i32) {
    %c0_i32 = arith.constant 0 : i32
    %c0_i32_0 = arith.constant 0 : i32
    %c0_i32_1 = arith.constant 0 : i32
    return %c0_i32, %c0_i32_0 : i32, i32
  }
  func.func @transform_5(%arg0: i32) -> (i32, i32) {
    %c0_i32 = arith.constant 0 : i32
    %c0_i32_0 = arith.constant 0 : i32
    return %arg0, %c0_i32 : i32, i32
  }
}

</mosaic_0001>

<sc_bundles>
// kernel: kernel.4.cloned.1.call-start
scs
__scs_entry_jumppad:
0x0: {  	(pc) =	sbr.rel $0x88, $3  }
0x1: {  	(tag) =	ssettag $0x0;
	lr =	simm.s32 $0x1  }
0x2: {  	[smem:$0x3F9C] =	sst lr;
	_ =	strace $0xD0000000  }
0x3: {  	_ = 	snop  }
0x4: {  	_ = 	snop  }
0x5: {  	_ = 	snop  }
0x6: {  	_ = 	snop  }
0x7: {  	_ = 	snop  }
__scs_overlays_trampoline_lowered:
0x8: {  	[smem:$0x3FAB] =	sst s0  }
0x9: {  	[smem:$0x3FAC] =	sst s1  }
0xa: {  	[smem:$0x3FAD] =	sst s2  }
0xb: {  	[smem:$0x3FAE] =	sst s3  }
0xc: {  	[smem:$0x3FAF] =	sst s4  }
0xd: {  	[smem:$0x3FB0] =	sst s5  }
0xe: {  	[smem:$0x3FB1] =	sst s6  }
0xf: {  	[smem:$0x3FB2] =	sst s7  }
0x10: {  	[smem:$0x3FB3] =	sst s8  }
0x11: {  	[smem:$0x3FB4] =	sst s9;
	s0 =	simm.s32 @!p0 $0x0  }
0x12: {  	s1 =	sld [smem:$0x3F9A];
	s0 =	simm.s32 @p0 $0x1  }
0x13: {  	[smem:$0x3FB5] =	sst s0;
	s0 =	simm.s32 @!p1 $0x0  }
0x14: {  	s2 =	sld [smem:$0x3F99];
	s0 =	simm.s32 @p1 $0x1  }
0x15: {  	[smem:$0x3FB6] =	sst s0;
	s0 =	simm.s32 @!p2 $0x0  }
0x16: {  	s3 =	sld [smem:$0x3FDB];
	s0 =	simm.s32 @p2 $0x1  }
0x17: {  	s4 =	simm.s32 $0x1BF5;
	[smem:$0x3FB8] =	sst s0  }
0x18: {  	s0 =	sld [smem:$0x3F9B];
	_ =	swait.ge [sflag:s4], $0x0  }
0x19: {  	s7 =	sld [smem:$0x3F9C]  }
0x1a: {  	s8 =	sadd.s32 $0xFFFFE003, lr  }
0x1b: {  	s9 =	sadd.s32 $0xFFFFFEF7, lr;
	s5 =	simm.s32 $0xFFFFFFFF;
	p2 =	slt.u32 s8, $0xFFFFF086  }
0x1c: {  	p1 =	slt.u32 s9, $0xF7A;
	s5 =	simm.s32 @!p2 $0x0  }
0x1d: {  	s5 =	simm.s32 @p1 $0x1;
	p0 =	seq.s32 s7, s2  }
0x1e: {  	s7 =	smul.u32 @!p0 $0xF7A, s2;
	p2 =	seq.s32 @!p0 s5, $0x0  }
0x1f: {  	s9 =	smul.u32 $0xF7A, s1;
	s8 =	simm.s32 @!p0 $0x1BF5;
	p2 =	por !p2, p0  }
0x20: {  	[sflag:s8] =	ssyncset.s32 @!p0 $0xFFFFF086;
	s6 =	sadd.s32 @!p0 s3, s7;
	s7 =	simm.s32 @!p0 $0x108  }
0x21: {  	s3 =	sadd.s32 s3, s9;
	s6 =	sadd.s32 @!p0 $0x88, s6;
	s7 =	simm.s32 @p2 $0x1082  }
0x22: {  	[simem:s7], [sflag:s8] =	dma.local @!p0 [hbm:s6], $0xF7A  }
0x23: {  	s9 =	sor.u32 $0xD0000000, s2;
	s6 =	simm.s32 $0x108;
	_ =	swait.ge @!p0 [sflag:s8], $0x0  }
0x24: {  	s3 =	sadd.s32 $0x88, s3;
	s6 =	simm.s32 @!p1 $0x1082;
	[sflag:s4] =	ssyncset.s32 $0xFFFFF086  }
0x25: {  	[simem:s6], [sflag:s4] =	dma.local [hbm:s3], $0xF7A  }
0x26: {  	[smem:$0x3F9C] =	sst s1;
	(tag) =	ssettag s2;
	_ =	strace s9  }
0x27: {  	s1 =	sld [smem:$0x3FAC]  }
0x28: {  	s2 =	sld [smem:$0x3FAD]  }
0x29: {  	s4 =	sld [smem:$0x3FAF]  }
0x2a: {  	p0 =	seq.s32 s5, $0x0;
	s5 =	sld [smem:$0x3FB0]  }
0x2b: {  	s6 =	sld [smem:$0x3FB1]  }
0x2c: {  	s7 =	sld [smem:$0x3FB2]  }
0x2d: {  	s3 =	simm.s32 $0x108;
	s8 =	sld [smem:$0x3FB3]  }
0x2e: {  	s3 =	simm.s32 @!p0 $0x1082;
	s9 =	sld [smem:$0x3FB4]  }
0x2f: {  	lr =	sadd.s32 s0, s3;
	s0 =	sld [smem:$0x3FAB]  }
0x30: {  	s3 =	sld [smem:$0x3FAE]  }
0x31: {  	[smem:$0x3FB7] =	sst s10  }
0x32: {  	s10 =	sld [smem:$0x3FB5];
	_ =	sdelay $0x3  }
0x33: {  	p0 =	seq.s32 s10, $0x1;
	s10 =	sld [smem:$0x3FB7];
	_ =	sdelay $0x3  }
0x34: {  	[smem:$0x3FB7] =	sst s10  }
0x35: {  	s10 =	sld [smem:$0x3FB6];
	_ =	sdelay $0x3  }
0x36: {  	p1 =	seq.s32 s10, $0x1;
	s10 =	sld [smem:$0x3FB7];
	_ =	sdelay $0x3  }
0x37: {  	[smem:$0x3FB7] =	sst s10  }
0x38: {  	s10 =	sld [smem:$0x3FB8]  }
0x39: {  	_ = 	snop;
	(pc) =	sbr.ind lr, $3  }
0x3a: {  	_ = 	snop  }
0x3b: {  	_ = 	snop  }
0x3c: {  	p2 =	seq.s32 s10, $0x1;
	s10 =	sld [smem:$0x3FB7]  }
0x3d: {  	_ =	shalt  }
0x3e: {  	_ =	shalt  }
0x3f: {  	_ =	shalt  }
0x40: {  	_ =	shalt  }
0x41: {  	_ =	shalt  }
0x42: {  	_ =	shalt  }
0x43: {  	_ =	shalt  }
0x44: {  	_ =	shalt  }
0x45: {  	_ =	shalt  }
0x46: {  	_ =	shalt  }
0x47: {  	_ =	shalt  }
0x48: {  	_ =	shalt  }
0x49: {  	_ =	shalt  }
0x4a: {  	_ =	shalt  }
0x4b: {  	_ =	shalt  }
0x4c: {  	_ =	shalt  }
0x4d: {  	_ =	shalt  }
0x4e: {  	_ =	shalt  }
0x4f: {  	_ =	shalt  }
0x50: {  	_ =	shalt  }
0x51: {  	_ =	shalt  }
0x52: {  	_ =	shalt  }
0x53: {  	_ =	shalt  }
0x54: {  	_ =	shalt  }
0x55: {  	_ =	shalt  }
0x56: {  	_ =	shalt  }
0x57: {  	_ =	shalt  }
0x58: {  	_ =	shalt  }
0x59: {  	_ =	shalt  }
0x5a: {  	_ =	shalt  }
0x5b: {  	_ =	shalt  }
0x5c: {  	_ =	shalt  }
0x5d: {  	_ =	shalt  }
0x5e: {  	_ =	shalt  }
0x5f: {  	_ =	shalt  }
0x60: {  	_ =	shalt  }
0x61: {  	_ =	shalt  }
0x62: {  	_ =	shalt  }
0x63: {  	_ =	shalt  }
0x64: {  	_ =	shalt  }
0x65: {  	_ =	shalt  }
0x66: {  	_ =	shalt  }
0x67: {  	_ =	shalt  }
0x68: {  	_ =	shalt  }
0x69: {  	_ =	shalt  }
0x6a: {  	_ =	shalt  }
0x6b: {  	_ =	shalt  }
0x6c: {  	_ =	shalt  }
0x6d: {  	_ =	shalt  }
0x6e: {  	_ =	shalt  }
0x6f: {  	_ =	shalt  }
0x70: {  	_ =	shalt  }
0x71: {  	_ =	shalt  }
0x72: {  	_ =	shalt  }
0x73: {  	_ =	shalt  }
0x74: {  	_ =	shalt  }
0x75: {  	_ =	shalt  }
0x76: {  	_ =	shalt  }
0x77: {  	_ =	shalt  }
0x78: {  	_ =	shalt  }
0x79: {  	_ =	shalt  }
0x7a: {  	_ =	shalt  }
0x7b: {  	_ =	shalt  }
0x7c: {  	_ =	shalt  }
0x7d: {  	_ =	shalt  }
0x7e: {  	_ =	shalt  }
0x7f: {  	_ =	shalt  }
0x80: {  	_ =	shalt  }
0x81: {  	_ =	shalt  }
0x82: {  	_ =	shalt  }
0x83: {  	_ =	shalt  }
0x84: {  	_ =	shalt  }
0x85: {  	_ =	shalt  }
0x86: {  	_ =	shalt  }
0x87: {  	_ =	shalt  }
.Lfunc_end0:
.L_simem_size_0:
called_computation_lowered:
.L_overlay_start_0:
0x88: {  	s2 =	sld [smem:$0x3FD9]  }
0x89: {  	s3 =	sld [smem:$0x3FFE];
	_ =	sdelay $0x1  }
0x8a: {  	s1 =	srdreg.scid  }
0x8b: {  	s0 =	sand.u32 $0x1, s1  }
0x8c: {  	s17 =	sshll.u32 s0, $0xA;
	s2 =	sadd.s32 s3, s2  }
0x8d: {  	s2 =	sadd.s32 s2, s17  }
0x8e: {  	[smem:$0x3FC3] =	sst s2  }
0x8f: {  	_ = 	snop  }
0x90: {  	s2 =	sld [smem:$0x3FD0];
	(tm) =	ssettm $0x1  }
0x91: {  	s18 =	sld [smem:$0x3FFB];
	_ =	sdelay $0x3  }
0x92: {  	_ =	strace s18  }
0x93: {  	s3 =	sld [smem:$0x3FFC];
	_ =	sdelay $0x3  }
0x94: {  	_ =	strace s3  }
0x95: {  	s3 =	sld [smem:$0x3FFD];
	_ =	sdelay $0x3  }
0x96: {  	_ =	strace s3  }
0x97: {  	_ =	strace $0x8FFFFFFF  }
0x98: {  	s19 =	sld [smem:$0x3FDB];
	_ =	sdelay $0x1  }
0x99: {  	s4 =	simm.s32 $_scs_section_size  }
0x9a: {  	s5 =	simm.s32 $_size__tile_overlayer_lowered;
	s6 =	simm.s32 $_tile_overlayer_lowered  }
0x9b: {  	s22 =	simm.s32 $0x1BFF;
	s21 =	sshll.u32 s6, $0x1;
	s3 =	sadd.s32 s4, s19  }
0x9c: {  	s7 =	simm.s32 $0x0;
	s20 =	sshll.u32 s5, $0x1;
	s5 =	sadd.s32 s21, s3  }
0x9d: {  	[timem:s7], [sflag:s22] =	dma.local [hbm:s5], s20  }
0x9e: {  	_ =	swait.ge [sflag:s22], s20  }
0x9f: {  	s4 =	ssub.s32 $0x0, s20;
	[sflag:s22] =	ssyncset.done $0x0  }
0xa0: {  	[sflag:s22] =	ssyncadd.s32 s4;
	_ =	sdelay $0x1  }
0xa1: {  	s23 =	simm.s32 $0x1B8B  }
0xa2: {  	_ =	swait.ge [sflag:s23], $0x1  }
0xa3: {  	[sflag:s23] =	ssyncset.done $0x0  }
0xa4: {  	s25 =	simm.s32 $0x1B8E;
	s24 =	sld [smem:$0x3FFE];
	[sflag:s23] =	ssyncadd.s32 $0xFFFFFFFF  }
0xa5: {  	s26 =	simm.s32 $execute0_lowered;
	[smem:$0x3FD2] =	sst s25  }
0xa6: {  	s5 =	sshll.u32 s26, $0x1;
	_ =	strace $0x80000046;
	[dreg:$0x1] =	wrdreg $0xFFFFFFFF  }
0xa7: {  	s28 =	simm.s32 $_size_execute0_lowered;
	s3 =	sadd.s32 s3, s5;
	[dreg:$0x0] =	wrdreg $0x0  }
0xa8: {  	s5 =	sshll.u32 s28, $0x1;
	[dreg:$0x2] =	wrdreg s3  }
0xa9: {  	[dreg:$0x3] =	wrdreg s5  }
0xaa: {  	[dreg:$0x4] =	wrdreg $0xC0  }
0xab: {  	_ =	task [dreg:s7], $0x5FFFF  }
0xac: {  	[dreg:$0x1] =	wrdreg $0xFFFFFFFF  }
0xad: {  	[dreg:$0x0] =	wrdreg $0x60  }
0xae: {  	[dreg:$0x2] =	wrdreg s24  }
0xaf: {  	[dreg:$0x3] =	wrdreg s2  }
0xb0: {  	[dreg:$0x4] =	wrdreg $0xA8000  }
0xb1: {  	[dreg:$0x5] =	wrdreg $0x9  }
0xb2: {  	_ =	task.clear_ibuf [dreg:s7], $0x6FFFF;
	_ =	strace $0x90000046  }
0xb3: {  	s29 =	simm.s32 $0x9;
	_ =	strace $0x80000048  }
0xb4: {  	_ =	swait.ge [sflag:s29], $0x1  }
0xb5: {  	[sflag:s29] =	ssyncadd.s32 $0xFFFFFFFF  }
0xb6: {  	_ =	strace $0x90000048  }
0xb7: {  	_ =	sfence  }
0xb8: {  	s30 =	sld [smem:$0x0];
	_ =	sdelay $0x2  }
0xb9: {  	s31 =	sshll.u32 s1, $0xD;
	s1 =	sshrl.u32 s1, $0x2  }
0xba: {  	s3 =	sand.u32 $0x4000, s31;
	s1 =	sadd.s32 s1, s30  }
0xbb: {  	s0 =	sor.u32 s3, s0;
	s1 =	sshll.u32 s1, $0x11  }
0xbc: {  	s0 =	sor.u32 s1, s0  }
0xbd: {  	s0 =	sadd.s32 $0x8F2B, s0  }
0xbe: {  	[sflag:s0] =	ssyncadd.remote.s32 $0x1  }
0xbf: {  	_ =	sfence.sel $0xFFFF  }
0xc0: {  	[dreg:$0x0] =	wrdreg $0xFFFFFFFF;
	(pc) =	sbr.abs _section_cstart, $3  }
0xc1: {  	[dreg:$0x1] =	wrdreg $0xFFFFFFFF  }
0xc2: {  	_ =	task.clear_ibuf [dreg:s7], $0x2FFFF;
	_ =	strace $0x9FFFFFFF  }
0xc3: {  	(tm) =	ssettm $0x7FFFFFFF  }
tec
execute0_lowered:
.L_overlay_start_1:
0x0: {  	(tag) =	ssettag $0x1  }
0x1: {  	s0 =	rddreg [dreg:$0x0]  }
0x2: {  	s4 =	rddreg [dreg:$0x1]  }
0x3: {  	s1 =	rddreg [dreg:$0x2]  }
0x4: {  	s2 =	simm.s32 $0x0;
	s5 =	srdreg.scid;
	s13 =	stileid.u32  }
0x5: {  	s15 =	simm.s32 $0x80;
	s16 =	simm.s32 $0x2800;
	s17 =	simm.s32 $0x4800  }
0x6: {  	s18 =	simm.s32 $0x1;
	s19 =	simm.s32 $0x6800;
	s20 =	simm.s32 $0x2  }
0x7: {  	s21 =	simm.s32 $0x1380;
	s22 =	simm.s32 $0x2700;
	s23 =	simm.s32 $0x2780  }
0x8: {  	s25 =	simm.s32 $0x0;
	[smem:$0x7FF] =	sst s2;
	s3 =	sadd.s32 $0x400, s0  }
0x9: {  	s9 =	sadd.s32 $0x1DE00, s0;
	s5 =	sand.u32 $0x1, s5;
	s10 =	sadd.s32 $0x13E00, s0  }
0xa: {  	s8 =	smul.u32 $0x14000, s13;
	s29 =	sshll.u32 s13, $0x6;
	_ =	strace $0x80000047  }
0xb: {  	s6 =	smul.u32 $0x28000, s5;
	s7 =	ssub.s32 $0x2, s5;
	s5 =	sshll.u32 s5, $0x4  }
0xc: {  	s26 =	sshrl.u32 s7, $0x1;
	s5 =	sor.u32 s13, s5;
	s12 =	sadd.s32 s8, s1  }
0xd: {  	s24 =	sshrl.u32 s8, $0x3;
	s13 =	simm.s32 $0x3;
	s28 =	smul.u32 $0x2800, s5  }
0xe: {  	s0 =	sadd.s32 s6, s0;
	s11 =	ssub.s32 s7, s26;
	s30 =	smul.u32 $0x500, s5  }
0xf: {  	s5 =	sadd.s32 s4, s24;
	s6 =	sor.u32 $0x1C03, s29;
	s12 =	sshrl.u32 s12, $0x3  }
0x10: {  	s0 =	sadd.s32 $0x27E00, s0;
	s11 =	smax.u32 s11, $0x1;
	s31 =	sshrl.u32 s28, $0x3  }
0x11: {  	s8 =	sadd.s32 s10, s30;
	s24 =	sadd.s32 s24, s0;
	s4 =	sadd.s32 $0x280, s31  }
0x12: {  	s7 =	sadd.s32 s9, s31;
	s9 =	sadd.s32 s9, s4;
	s10 =	sadd.s32 s10, s4  }
.LBB2_1:
0x13: {  	[spmem:s12], [sflag:s6] =	dma.local [hbm:s5], $0x2800  }
0x14: {  	_ =	swait.ge [sflag:s13], $0x2800  }
0x15: {  	[sflag:s13] =	ssyncset.done $0x0  }
0x16: {  	[sflag:s13] =	ssyncadd.s32 $0xFFFFD800  }
0x17: {  	[bflag:$0x0] =	sbarrier.arrive $0xFFFF  }
0x18: {  	[tilespmem:s2], [sflag:$0x3] =	stream.linear.gather [hbm4b:s7+s2], $0x1400, $0x38;
	[tilespmem:$0x1E800] =	vst v63  }
0x19: {  	_ =	swait.ge [sflag:s13], $0x1400  }
0x1a: {  	[sflag:s13] =	ssyncset.done $0x0  }
0x1b: {  	s0 =	simm.s32 $0x1400;
	[sflag:s13] =	ssyncadd.s32 $0xFFFFEC00  }
0x1c: {  	[tilespmem:s0], [sflag:$0x3] =	stream.linear.gather [hbm4b:s8+s2], $0x1400, $0x38;
	[tilespmem:$0x1E800] =	vst v63  }
0x1d: {  	_ =	swait.ge [sflag:s13], $0x1400  }
0x1e: {  	[sflag:s13] =	ssyncset.done $0x0  }
0x1f: {  	s26 =	simm.s32 $0x0;
	[sflag:s13] =	ssyncadd.s32 $0xFFFFEC00  }
0x20: {  	[tilespmem:s16], [sflag:$0x1] =	stream.indirect.gather [hbm4b:s3+s15], $0x40, s2, s15, $0xb8;
	[tilespmem:$0x1E800] =	vst v63  }
.LBB2_2:
0x21: {  	s29 =	sshll.u32 s26, $0x8  }
0x22: {  	s28 =	sor.u32 $0x80, s29  }
0x23: {  	[tilespmem:s17], [sflag:$0x2] =	stream.indirect.gather [hbm4b:s3+s15], $0x40, s28, s15, $0xb8;
	[tilespmem:$0x1E800] =	vst v63  }
0x24: {  	_ =	swait.ge [sflag:s18], $0x2000  }
0x25: {  	[sflag:s18] =	ssyncset.done $0x0  }
0x26: {  	s31 =	simm.s32 $0x0;
	[sflag:s18] =	ssyncadd.s32 $0xFFFFE000  }
0x27: {  	v0 =	vld [tilespmem:s31+$0x2800];
	_ =	sdelay $0x4  }
0x28: {  	s30 =	simm.s32 $0x6880;
	v1 =	vunpack.i.l.bf16.f32 v0  }
0x29: {  	v0 =	vunpack.i.u.bf16.f32 v0;
	[tilespmem:s30+$0xFFFFFF80] =	vst v1  }
0x2a: {  	[tilespmem:s30+$0xFFFFFFC0] =	vst v0  }
0x2b: {  	v0 =	vld [tilespmem:s31+$0x2810];
	_ =	sdelay $0x4  }
0x2c: {  	v1 =	vunpack.i.l.bf16.f32 v0  }
0x2d: {  	v0 =	vunpack.i.u.bf16.f32 v0;
	[tilespmem:s30+$0xFFFFFF90] =	vst v1  }
0x2e: {  	[tilespmem:s30+$0xFFFFFFD0] =	vst v0  }
0x2f: {  	v0 =	vld [tilespmem:s31+$0x2820];
	_ =	sdelay $0x4  }
0x30: {  	v1 =	vunpack.i.l.bf16.f32 v0  }
0x31: {  	v0 =	vunpack.i.u.bf16.f32 v0;
	[tilespmem:s30+$0xFFFFFFA0] =	vst v1  }
0x32: {  	[tilespmem:s30+$0xFFFFFFE0] =	vst v0  }
0x33: {  	v0 =	vld [tilespmem:s31+$0x2830];
	_ =	sdelay $0x4  }
0x34: {  	v1 =	vunpack.i.l.bf16.f32 v0  }
0x35: {  	v0 =	vunpack.i.u.bf16.f32 v0;
	[tilespmem:s30+$0xFFFFFFB0] =	vst v1  }
0x36: {  	[tilespmem:s30+$0xFFFFFFF0] =	vst v0  }
0x37: {  	v0 =	vld [tilespmem:s31+$0x2840];
	_ =	sdelay $0x4  }
0x38: {  	v1 =	vunpack.i.l.bf16.f32 v0  }
0x39: {  	v0 =	vunpack.i.u.bf16.f32 v0;
	[tilespmem:s30+$0x0] =	vst v1  }
0x3a: {  	[tilespmem:s30+$0x40] =	vst v0  }
0x3b: {  	v0 =	vld [tilespmem:s31+$0x2850];
	_ =	sdelay $0x4  }
0x3c: {  	v1 =	vunpack.i.l.bf16.f32 v0  }
0x3d: {  	v0 =	vunpack.i.u.bf16.f32 v0;
	[tilespmem:s30+$0x10] =	vst v1  }
0x3e: {  	[tilespmem:s30+$0x50] =	vst v0  }
0x3f: {  	v0 =	vld [tilespmem:s31+$0x2860];
	_ =	sdelay $0x4  }
0x40: {  	v1 =	vunpack.i.l.bf16.f32 v0  }
0x41: {  	s0 =	simm.s32 $0x200;
	s4 =	simm.s32 $0x6880;
	v0 =	vunpack.i.u.bf16.f32 v0;
	[tilespmem:s30+$0x20] =	vst v1  }
.LBB2_3:
0x42: {  	p0 =	sne.s32 s0, $0x7E00  }
0x43: {  	[tilespmem:s30+$0x60] =	vst v0;
	s4 =	sadd.s32 $0x100, s4;
	s14 =	smov.u32 s0;
	s0 =	sadd.s32 $0x200, s0  }
0x44: {  	v0 =	vld [tilespmem:s31+$0x2870];
	_ =	sdelay $0x4  }
0x45: {  	v1 =	vunpack.i.u.bf16.f32 v0;
	v0 =	vunpack.i.l.bf16.f32 v0  }
0x46: {  	[tilespmem:s30+$0x30] =	vst v0  }
0x47: {  	s31 =	sshra.s32 s14, $0x2;
	[tilespmem:s30+$0x70] =	vst v1;
	s30 =	smov.u32 s4  }
0x48: {  	v0 =	vld [tilespmem:s31+$0x2800];
	_ =	sdelay $0x4  }
0x49: {  	v1 =	vunpack.i.u.bf16.f32 v0;
	v0 =	vunpack.i.l.bf16.f32 v0  }
0x4a: {  	[tilespmem:s4+$0xFFFFFF80] =	vst v0  }
0x4b: {  	[tilespmem:s4+$0xFFFFFFC0] =	vst v1  }
0x4c: {  	v0 =	vld [tilespmem:s31+$0x2810];
	_ =	sdelay $0x4  }
0x4d: {  	v1 =	vunpack.i.u.bf16.f32 v0;
	v0 =	vunpack.i.l.bf16.f32 v0  }
0x4e: {  	[tilespmem:s4+$0xFFFFFF90] =	vst v0  }
0x4f: {  	[tilespmem:s4+$0xFFFFFFD0] =	vst v1  }
0x50: {  	v0 =	vld [tilespmem:s31+$0x2820];
	_ =	sdelay $0x4  }
0x51: {  	v1 =	vunpack.i.u.bf16.f32 v0;
	v0 =	vunpack.i.l.bf16.f32 v0  }
0x52: {  	[tilespmem:s4+$0xFFFFFFA0] =	vst v0  }
0x53: {  	[tilespmem:s4+$0xFFFFFFE0] =	vst v1  }
0x54: {  	v0 =	vld [tilespmem:s31+$0x2830];
	_ =	sdelay $0x4  }
0x55: {  	v1 =	vunpack.i.u.bf16.f32 v0;
	v0 =	vunpack.i.l.bf16.f32 v0  }
0x56: {  	[tilespmem:s4+$0xFFFFFFB0] =	vst v0  }
0x57: {  	[tilespmem:s4+$0xFFFFFFF0] =	vst v1  }
0x58: {  	v0 =	vld [tilespmem:s31+$0x2840];
	_ =	sdelay $0x4  }
0x59: {  	v1 =	vunpack.i.u.bf16.f32 v0;
	v0 =	vunpack.i.l.bf16.f32 v0  }
0x5a: {  	[tilespmem:s4+$0x0] =	vst v0  }
0x5b: {  	[tilespmem:s4+$0x40] =	vst v1  }
0x5c: {  	v0 =	vld [tilespmem:s31+$0x2850];
	_ =	sdelay $0x4  }
0x5d: {  	v1 =	vunpack.i.u.bf16.f32 v0;
	v0 =	vunpack.i.l.bf16.f32 v0  }
0x5e: {  	[tilespmem:s4+$0x10] =	vst v0  }
0x5f: {  	[tilespmem:s4+$0x50] =	vst v1  }
0x60: {  	v1 =	vld [tilespmem:s31+$0x2860];
	_ =	sdelay $0x1  }
.Ltmp0:
0x61: {  	(pc) =	sbr.rel @p0 .LBB2_3-.Ltmp0, $3  }
0x62: {  	_ =	sdelay $0x1  }
0x63: {  	v0 =	vunpack.i.u.bf16.f32 v1;
	v1 =	vunpack.i.l.bf16.f32 v1  }
0x64: {  	[tilespmem:s4+$0x20] =	vst v1  }
0x65: {  	[tilespmem:s30+$0x60] =	vst v0  }
0x66: {  	v0 =	vld [tilespmem:s31+$0x2870];
	_ =	sdelay $0x4  }
0x67: {  	v1 =	vunpack.i.l.bf16.f32 v0  }
0x68: {  	s0 =	sand.u32 $0x3FFFFF00, s29;
	v0 =	vunpack.i.u.bf16.f32 v0;
	[tilespmem:s30+$0x30] =	vst v1  }
0x69: {  	s4 =	sadd.s32 $0x1400, s0;
	[tilespmem:s30+$0x70] =	vst v0  }
0x6a: {  	[spmem:s1] =	stream.indirect.scatter.add.f32 [tilespmem:s19], [sflag:$0x3], $0x80, s4, s15, $0xb8;
	[tilespmem:$0x1E800] =	vst v63  }
0x6b: {  	_ =	swait.ge [sflag:s13], $0x4000  }
0x6c: {  	[sflag:s13] =	ssyncset.done $0x0  }
0x6d: {  	s0 =	sadd.s32 $0x100, s0;
	[sflag:s13] =	ssyncadd.s32 $0xFFFFC000  }
0x6e: {  	[tilespmem:s16], [sflag:$0x1] =	stream.indirect.gather [hbm4b:s3+s15], $0x40, s0, s15, $0xb8;
	[tilespmem:$0x1E800] =	vst v63  }
0x6f: {  	_ =	swait.ge [sflag:s20], $0x2000  }
0x70: {  	[sflag:s20] =	ssyncset.done $0x0  }
0x71: {  	s30 =	simm.s32 $0x0;
	[sflag:s20] =	ssyncadd.s32 $0xFFFFE000  }
0x72: {  	v0 =	vld [tilespmem:s30+$0x4800];
	_ =	sdelay $0x4  }
0x73: {  	s29 =	simm.s32 $0x6880;
	v1 =	vunpack.i.l.bf16.f32 v0  }
0x74: {  	v0 =	vunpack.i.u.bf16.f32 v0;
	[tilespmem:s29+$0xFFFFFF80] =	vst v1  }
0x75: {  	[tilespmem:s29+$0xFFFFFFC0] =	vst v0  }
0x76: {  	v0 =	vld [tilespmem:s30+$0x4810];
	_ =	sdelay $0x4  }
0x77: {  	v1 =	vunpack.i.l.bf16.f32 v0  }
0x78: {  	v0 =	vunpack.i.u.bf16.f32 v0;
	[tilespmem:s29+$0xFFFFFF90] =	vst v1  }
0x79: {  	[tilespmem:s29+$0xFFFFFFD0] =	vst v0  }
0x7a: {  	v0 =	vld [tilespmem:s30+$0x4820];
	_ =	sdelay $0x4  }
0x7b: {  	v1 =	vunpack.i.l.bf16.f32 v0  }
0x7c: {  	v0 =	vunpack.i.u.bf16.f32 v0;
	[tilespmem:s29+$0xFFFFFFA0] =	vst v1  }
0x7d: {  	[tilespmem:s29+$0xFFFFFFE0] =	vst v0  }
0x7e: {  	v0 =	vld [tilespmem:s30+$0x4830];
	_ =	sdelay $0x4  }
0x7f: {  	v1 =	vunpack.i.l.bf16.f32 v0  }
0x80: {  	v0 =	vunpack.i.u.bf16.f32 v0;
	[tilespmem:s29+$0xFFFFFFB0] =	vst v1  }
0x81: {  	[tilespmem:s29+$0xFFFFFFF0] =	vst v0  }
0x82: {  	v0 =	vld [tilespmem:s30+$0x4840];
	_ =	sdelay $0x4  }
0x83: {  	v1 =	vunpack.i.l.bf16.f32 v0  }
0x84: {  	v0 =	vunpack.i.u.bf16.f32 v0;
	[tilespmem:s29+$0x0] =	vst v1  }
0x85: {  	[tilespmem:s29+$0x40] =	vst v0  }
0x86: {  	v0 =	vld [tilespmem:s30+$0x4850];
	_ =	sdelay $0x4  }
0x87: {  	v1 =	vunpack.i.l.bf16.f32 v0  }
0x88: {  	v0 =	vunpack.i.u.bf16.f32 v0;
	[tilespmem:s29+$0x10] =	vst v1  }
0x89: {  	[tilespmem:s29+$0x50] =	vst v0  }
0x8a: {  	v0 =	vld [tilespmem:s30+$0x4860];
	_ =	sdelay $0x4  }
0x8b: {  	v1 =	vunpack.i.l.bf16.f32 v0  }
0x8c: {  	s4 =	simm.s32 $0x6880;
	s0 =	simm.s32 $0x200;
	v0 =	vunpack.i.u.bf16.f32 v0;
	[tilespmem:s29+$0x20] =	vst v1  }
.LBB2_5:
0x8d: {  	p0 =	sne.s32 s0, $0x7E00  }
0x8e: {  	[tilespmem:s29+$0x60] =	vst v0;
	s4 =	sadd.s32 $0x100, s4;
	s14 =	smov.u32 s0;
	s0 =	sadd.s32 $0x200, s0  }
0x8f: {  	v0 =	vld [tilespmem:s30+$0x4870];
	_ =	sdelay $0x4  }
0x90: {  	v1 =	vunpack.i.u.bf16.f32 v0;
	v0 =	vunpack.i.l.bf16.f32 v0  }
0x91: {  	[tilespmem:s29+$0x30] =	vst v0  }
0x92: {  	s30 =	sshra.s32 s14, $0x2;
	[tilespmem:s29+$0x70] =	vst v1;
	s29 =	smov.u32 s4  }
0x93: {  	v0 =	vld [tilespmem:s30+$0x4800];
	_ =	sdelay $0x4  }
0x94: {  	v1 =	vunpack.i.u.bf16.f32 v0;
	v0 =	vunpack.i.l.bf16.f32 v0  }
0x95: {  	[tilespmem:s4+$0xFFFFFF80] =	vst v0  }
0x96: {  	[tilespmem:s4+$0xFFFFFFC0] =	vst v1  }
0x97: {  	v0 =	vld [tilespmem:s30+$0x4810];
	_ =	sdelay $0x4  }
0x98: {  	v1 =	vunpack.i.u.bf16.f32 v0;
	v0 =	vunpack.i.l.bf16.f32 v0  }
0x99: {  	[tilespmem:s4+$0xFFFFFF90] =	vst v0  }
0x9a: {  	[tilespmem:s4+$0xFFFFFFD0] =	vst v1  }
0x9b: {  	v0 =	vld [tilespmem:s30+$0x4820];
	_ =	sdelay $0x4  }
0x9c: {  	v1 =	vunpack.i.u.bf16.f32 v0;
	v0 =	vunpack.i.l.bf16.f32 v0  }
0x9d: {  	[tilespmem:s4+$0xFFFFFFA0] =	vst v0  }
0x9e: {  	[tilespmem:s4+$0xFFFFFFE0] =	vst v1  }
0x9f: {  	v0 =	vld [tilespmem:s30+$0x4830];
	_ =	sdelay $0x4  }
0xa0: {  	v1 =	vunpack.i.u.bf16.f32 v0;
	v0 =	vunpack.i.l.bf16.f32 v0  }
0xa1: {  	[tilespmem:s4+$0xFFFFFFB0] =	vst v0  }
0xa2: {  	[tilespmem:s4+$0xFFFFFFF0] =	vst v1  }
0xa3: {  	v0 =	vld [tilespmem:s30+$0x4840];
	_ =	sdelay $0x4  }
0xa4: {  	v1 =	vunpack.i.u.bf16.f32 v0;
	v0 =	vunpack.i.l.bf16.f32 v0  }
0xa5: {  	[tilespmem:s4+$0x0] =	vst v0  }
0xa6: {  	[tilespmem:s4+$0x40] =	vst v1  }
0xa7: {  	v0 =	vld [tilespmem:s30+$0x4850];
	_ =	sdelay $0x4  }
0xa8: {  	v1 =	vunpack.i.u.bf16.f32 v0;
	v0 =	vunpack.i.l.bf16.f32 v0  }
0xa9: {  	[tilespmem:s4+$0x10] =	vst v0  }
0xaa: {  	[tilespmem:s4+$0x50] =	vst v1  }
0xab: {  	v1 =	vld [tilespmem:s30+$0x4860];
	_ =	sdelay $0x1  }
.Ltmp1:
0xac: {  	(pc) =	sbr.rel @p0 .LBB2_5-.Ltmp1, $3  }
0xad: {  	_ =	sdelay $0x1  }
0xae: {  	v0 =	vunpack.i.u.bf16.f32 v1;
	v1 =	vunpack.i.l.bf16.f32 v1  }
0xaf: {  	[tilespmem:s4+$0x20] =	vst v1  }
0xb0: {  	[tilespmem:s29+$0x60] =	vst v0  }
0xb1: {  	v0 =	vld [tilespmem:s30+$0x4870];
	_ =	sdelay $0x4  }
0xb2: {  	s26 =	sadd.s32 $0x1, s26;
	v1 =	vunpack.i.l.bf16.f32 v0  }
0xb3: {  	p0 =	sne.s32 s26, $0x13;
	v0 =	vunpack.i.u.bf16.f32 v0;
	[tilespmem:s29+$0x30] =	vst v1  }
.Ltmp2:
0xb4: {  	s0 =	sadd.s32 $0x1400, s28;
	[tilespmem:s29+$0x70] =	vst v0;
	(pc) =	sbr.rel @p0 .LBB2_2-.Ltmp2, $4  }
0xb5: {  	[spmem:s1] =	stream.indirect.scatter.add.f32 [tilespmem:s19], [sflag:$0x3], $0x80, s0, s15, $0xb8;
	[tilespmem:$0x1E800] =	vst v63  }
0xb6: {  	_ =	swait.ge [sflag:s13], $0x4000  }
0xb7: {  	[sflag:s13] =	ssyncset.done $0x0  }
0xb8: {  	[sflag:s13] =	ssyncadd.s32 $0xFFFFC000  }
0xb9: {  	[tilespmem:s17], [sflag:$0x2] =	stream.indirect.gather [hbm4b:s3+s15], $0x40, s21, s15, $0xb8;
	[tilespmem:$0x1E800] =	vst v63  }
0xba: {  	_ =	swait.ge [sflag:s18], $0x2000  }
0xbb: {  	[sflag:s18] =	ssyncset.done $0x0  }
0xbc: {  	s28 =	simm.s32 $0x0;
	[sflag:s18] =	ssyncadd.s32 $0xFFFFE000  }
0xbd: {  	v0 =	vld [tilespmem:s28+$0x2800];
	_ =	sdelay $0x4  }
0xbe: {  	s26 =	simm.s32 $0x6880;
	v1 =	vunpack.i.l.bf16.f32 v0  }
0xbf: {  	v0 =	vunpack.i.u.bf16.f32 v0;
	[tilespmem:s26+$0xFFFFFF80] =	vst v1  }
0xc0: {  	[tilespmem:s26+$0xFFFFFFC0] =	vst v0  }
0xc1: {  	v0 =	vld [tilespmem:s28+$0x2810];
	_ =	sdelay $0x4  }
0xc2: {  	v1 =	vunpack.i.l.bf16.f32 v0  }
0xc3: {  	v0 =	vunpack.i.u.bf16.f32 v0;
	[tilespmem:s26+$0xFFFFFF90] =	vst v1  }
0xc4: {  	[tilespmem:s26+$0xFFFFFFD0] =	vst v0  }
0xc5: {  	v0 =	vld [tilespmem:s28+$0x2820];
	_ =	sdelay $0x4  }
0xc6: {  	v1 =	vunpack.i.l.bf16.f32 v0  }
0xc7: {  	v0 =	vunpack.i.u.bf16.f32 v0;
	[tilespmem:s26+$0xFFFFFFA0] =	vst v1  }
0xc8: {  	[tilespmem:s26+$0xFFFFFFE0] =	vst v0  }
0xc9: {  	v0 =	vld [tilespmem:s28+$0x2830];
	_ =	sdelay $0x4  }
0xca: {  	v1 =	vunpack.i.l.bf16.f32 v0  }
0xcb: {  	v0 =	vunpack.i.u.bf16.f32 v0;
	[tilespmem:s26+$0xFFFFFFB0] =	vst v1  }
0xcc: {  	[tilespmem:s26+$0xFFFFFFF0] =	vst v0  }
0xcd: {  	v0 =	vld [tilespmem:s28+$0x2840];
	_ =	sdelay $0x4  }
0xce: {  	v1 =	vunpack.i.l.bf16.f32 v0  }
0xcf: {  	v0 =	vunpack.i.u.bf16.f32 v0;
	[tilespmem:s26+$0x0] =	vst v1  }
0xd0: {  	[tilespmem:s26+$0x40] =	vst v0  }
0xd1: {  	v0 =	vld [tilespmem:s28+$0x2850];
	_ =	sdelay $0x4  }
0xd2: {  	v1 =	vunpack.i.l.bf16.f32 v0  }
0xd3: {  	v0 =	vunpack.i.u.bf16.f32 v0;
	[tilespmem:s26+$0x10] =	vst v1  }
0xd4: {  	[tilespmem:s26+$0x50] =	vst v0  }
0xd5: {  	v0 =	vld [tilespmem:s28+$0x2860];
	_ =	sdelay $0x4  }
0xd6: {  	v1 =	vunpack.i.l.bf16.f32 v0  }
0xd7: {  	s0 =	simm.s32 $0x200;
	s4 =	simm.s32 $0x6880;
	v0 =	vunpack.i.u.bf16.f32 v0;
	[tilespmem:s26+$0x20] =	vst v1  }
.LBB2_8:
0xd8: {  	p0 =	sne.s32 s0, $0x7E00  }
0xd9: {  	[tilespmem:s26+$0x60] =	vst v0;
	s4 =	sadd.s32 $0x100, s4;
	s14 =	smov.u32 s0;
	s0 =	sadd.s32 $0x200, s0  }
0xda: {  	v0 =	vld [tilespmem:s28+$0x2870];
	_ =	sdelay $0x4  }
0xdb: {  	v1 =	vunpack.i.u.bf16.f32 v0;
	v0 =	vunpack.i.l.bf16.f32 v0  }
0xdc: {  	[tilespmem:s26+$0x30] =	vst v0  }
0xdd: {  	s28 =	sshra.s32 s14, $0x2;
	[tilespmem:s26+$0x70] =	vst v1;
	s26 =	smov.u32 s4  }
0xde: {  	v0 =	vld [tilespmem:s28+$0x2800];
	_ =	sdelay $0x4  }
0xdf: {  	v1 =	vunpack.i.u.bf16.f32 v0;
	v0 =	vunpack.i.l.bf16.f32 v0  }
0xe0: {  	[tilespmem:s4+$0xFFFFFF80] =	vst v0  }
0xe1: {  	[tilespmem:s4+$0xFFFFFFC0] =	vst v1  }
0xe2: {  	v0 =	vld [tilespmem:s28+$0x2810];
	_ =	sdelay $0x4  }
0xe3: {  	v1 =	vunpack.i.u.bf16.f32 v0;
	v0 =	vunpack.i.l.bf16.f32 v0  }
0xe4: {  	[tilespmem:s4+$0xFFFFFF90] =	vst v0  }
0xe5: {  	[tilespmem:s4+$0xFFFFFFD0] =	vst v1  }
0xe6: {  	v0 =	vld [tilespmem:s28+$0x2820];
	_ =	sdelay $0x4  }
0xe7: {  	v1 =	vunpack.i.u.bf16.f32 v0;
	v0 =	vunpack.i.l.bf16.f32 v0  }
0xe8: {  	[tilespmem:s4+$0xFFFFFFA0] =	vst v0  }
0xe9: {  	[tilespmem:s4+$0xFFFFFFE0] =	vst v1  }
0xea: {  	v0 =	vld [tilespmem:s28+$0x2830];
	_ =	sdelay $0x4  }
0xeb: {  	v1 =	vunpack.i.u.bf16.f32 v0;
	v0 =	vunpack.i.l.bf16.f32 v0  }
0xec: {  	[tilespmem:s4+$0xFFFFFFB0] =	vst v0  }
0xed: {  	[tilespmem:s4+$0xFFFFFFF0] =	vst v1  }
0xee: {  	v0 =	vld [tilespmem:s28+$0x2840];
	_ =	sdelay $0x4  }
0xef: {  	v1 =	vunpack.i.u.bf16.f32 v0;
	v0 =	vunpack.i.l.bf16.f32 v0  }
0xf0: {  	[tilespmem:s4+$0x0] =	vst v0  }
0xf1: {  	[tilespmem:s4+$0x40] =	vst v1  }
0xf2: {  	v0 =	vld [tilespmem:s28+$0x2850];
	_ =	sdelay $0x4  }
0xf3: {  	v1 =	vunpack.i.u.bf16.f32 v0;
	v0 =	vunpack.i.l.bf16.f32 v0  }
0xf4: {  	[tilespmem:s4+$0x10] =	vst v0  }
0xf5: {  	[tilespmem:s4+$0x50] =	vst v1  }
0xf6: {  	v1 =	vld [tilespmem:s28+$0x2860];
	_ =	sdelay $0x1  }
.Ltmp3:
0xf7: {  	(pc) =	sbr.rel @p0 .LBB2_8-.Ltmp3, $3  }
0xf8: {  	_ =	sdelay $0x1  }
0xf9: {  	v0 =	vunpack.i.u.bf16.f32 v1;
	v1 =	vunpack.i.l.bf16.f32 v1  }
0xfa: {  	[tilespmem:s4+$0x20] =	vst v1  }
0xfb: {  	[tilespmem:s26+$0x60] =	vst v0  }
0xfc: {  	v0 =	vld [tilespmem:s28+$0x2870];
	_ =	sdelay $0x4  }
0xfd: {  	v1 =	vunpack.i.l.bf16.f32 v0  }
0xfe: {  	v0 =	vunpack.i.u.bf16.f32 v0;
	[tilespmem:s26+$0x30] =	vst v1  }
0xff: {  	[tilespmem:s26+$0x70] =	vst v0  }
0x100: {  	[spmem:s1] =	stream.indirect.scatter.add.f32 [tilespmem:s19], [sflag:$0x3], $0x80, s22, s15, $0xb8;
	[tilespmem:$0x1E800] =	vst v63  }
0x101: {  	_ =	swait.ge [sflag:s13], $0x4000  }
0x102: {  	[sflag:s13] =	ssyncset.done $0x0  }
0x103: {  	[sflag:s13] =	ssyncadd.s32 $0xFFFFC000  }
0x104: {  	_ =	swait.ge [sflag:s20], $0x2000  }
0x105: {  	[sflag:s20] =	ssyncset.done $0x0  }
0x106: {  	s28 =	simm.s32 $0x0;
	[sflag:s20] =	ssyncadd.s32 $0xFFFFE000  }
0x107: {  	v0 =	vld [tilespmem:s28+$0x4800];
	_ =	sdelay $0x4  }
0x108: {  	s26 =	simm.s32 $0x6880;
	v1 =	vunpack.i.l.bf16.f32 v0  }
0x109: {  	v0 =	vunpack.i.u.bf16.f32 v0;
	[tilespmem:s26+$0xFFFFFF80] =	vst v1  }
0x10a: {  	[tilespmem:s26+$0xFFFFFFC0] =	vst v0  }
0x10b: {  	v0 =	vld [tilespmem:s28+$0x4810];
	_ =	sdelay $0x4  }
0x10c: {  	v1 =	vunpack.i.l.bf16.f32 v0  }
0x10d: {  	v0 =	vunpack.i.u.bf16.f32 v0;
	[tilespmem:s26+$0xFFFFFF90] =	vst v1  }
0x10e: {  	[tilespmem:s26+$0xFFFFFFD0] =	vst v0  }
0x10f: {  	v0 =	vld [tilespmem:s28+$0x4820];
	_ =	sdelay $0x4  }
0x110: {  	v1 =	vunpack.i.l.bf16.f32 v0  }
0x111: {  	v0 =	vunpack.i.u.bf16.f32 v0;
	[tilespmem:s26+$0xFFFFFFA0] =	vst v1  }
0x112: {  	[tilespmem:s26+$0xFFFFFFE0] =	vst v0  }
0x113: {  	v0 =	vld [tilespmem:s28+$0x4830];
	_ =	sdelay $0x4  }
0x114: {  	v1 =	vunpack.i.l.bf16.f32 v0  }
0x115: {  	v0 =	vunpack.i.u.bf16.f32 v0;
	[tilespmem:s26+$0xFFFFFFB0] =	vst v1  }
0x116: {  	[tilespmem:s26+$0xFFFFFFF0] =	vst v0  }
0x117: {  	v0 =	vld [tilespmem:s28+$0x4840];
	_ =	sdelay $0x4  }
0x118: {  	v1 =	vunpack.i.l.bf16.f32 v0  }
0x119: {  	v0 =	vunpack.i.u.bf16.f32 v0;
	[tilespmem:s26+$0x0] =	vst v1  }
0x11a: {  	[tilespmem:s26+$0x40] =	vst v0  }
0x11b: {  	v0 =	vld [tilespmem:s28+$0x4850];
	_ =	sdelay $0x4  }
0x11c: {  	v1 =	vunpack.i.l.bf16.f32 v0  }
0x11d: {  	v0 =	vunpack.i.u.bf16.f32 v0;
	[tilespmem:s26+$0x10] =	vst v1  }
0x11e: {  	[tilespmem:s26+$0x50] =	vst v0  }
0x11f: {  	v0 =	vld [tilespmem:s28+$0x4860];
	_ =	sdelay $0x4  }
0x120: {  	v1 =	vunpack.i.l.bf16.f32 v0  }
0x121: {  	s0 =	simm.s32 $0x200;
	s4 =	simm.s32 $0x6880;
	v0 =	vunpack.i.u.bf16.f32 v0;
	[tilespmem:s26+$0x20] =	vst v1  }
.LBB2_10:
0x122: {  	p0 =	sne.s32 s0, $0x7E00  }
0x123: {  	[tilespmem:s26+$0x60] =	vst v0;
	s4 =	sadd.s32 $0x100, s4;
	s14 =	smov.u32 s0;
	s0 =	sadd.s32 $0x200, s0  }
0x124: {  	v0 =	vld [tilespmem:s28+$0x4870];
	_ =	sdelay $0x4  }
0x125: {  	v1 =	vunpack.i.u.bf16.f32 v0;
	v0 =	vunpack.i.l.bf16.f32 v0  }
0x126: {  	[tilespmem:s26+$0x30] =	vst v0  }
0x127: {  	s28 =	sshra.s32 s14, $0x2;
	[tilespmem:s26+$0x70] =	vst v1;
	s26 =	smov.u32 s4  }
0x128: {  	v0 =	vld [tilespmem:s28+$0x4800];
	_ =	sdelay $0x4  }
0x129: {  	v1 =	vunpack.i.u.bf16.f32 v0;
	v0 =	vunpack.i.l.bf16.f32 v0  }
0x12a: {  	[tilespmem:s4+$0xFFFFFF80] =	vst v0  }
0x12b: {  	[tilespmem:s4+$0xFFFFFFC0] =	vst v1  }
0x12c: {  	v0 =	vld [tilespmem:s28+$0x4810];
	_ =	sdelay $0x4  }
0x12d: {  	v1 =	vunpack.i.u.bf16.f32 v0;
	v0 =	vunpack.i.l.bf16.f32 v0  }
0x12e: {  	[tilespmem:s4+$0xFFFFFF90] =	vst v0  }
0x12f: {  	[tilespmem:s4+$0xFFFFFFD0] =	vst v1  }
0x130: {  	v0 =	vld [tilespmem:s28+$0x4820];
	_ =	sdelay $0x4  }
0x131: {  	v1 =	vunpack.i.u.bf16.f32 v0;
	v0 =	vunpack.i.l.bf16.f32 v0  }
0x132: {  	[tilespmem:s4+$0xFFFFFFA0] =	vst v0  }
0x133: {  	[tilespmem:s4+$0xFFFFFFE0] =	vst v1  }
0x134: {  	v0 =	vld [tilespmem:s28+$0x4830];
	_ =	sdelay $0x4  }
0x135: {  	v1 =	vunpack.i.u.bf16.f32 v0;
	v0 =	vunpack.i.l.bf16.f32 v0  }
0x136: {  	[tilespmem:s4+$0xFFFFFFB0] =	vst v0  }
0x137: {  	[tilespmem:s4+$0xFFFFFFF0] =	vst v1  }
0x138: {  	v0 =	vld [tilespmem:s28+$0x4840];
	_ =	sdelay $0x4  }
0x139: {  	v1 =	vunpack.i.u.bf16.f32 v0;
	v0 =	vunpack.i.l.bf16.f32 v0  }
0x13a: {  	[tilespmem:s4+$0x0] =	vst v0  }
0x13b: {  	[tilespmem:s4+$0x40] =	vst v1  }
0x13c: {  	v0 =	vld [tilespmem:s28+$0x4850];
	_ =	sdelay $0x4  }
0x13d: {  	v1 =	vunpack.i.u.bf16.f32 v0;
	v0 =	vunpack.i.l.bf16.f32 v0  }
0x13e: {  	[tilespmem:s4+$0x10] =	vst v0  }
0x13f: {  	[tilespmem:s4+$0x50] =	vst v1  }
0x140: {  	v1 =	vld [tilespmem:s28+$0x4860];
	_ =	sdelay $0x1  }
.Ltmp4:
0x141: {  	(pc) =	sbr.rel @p0 .LBB2_10-.Ltmp4, $3  }
0x142: {  	_ =	sdelay $0x1  }
0x143: {  	v0 =	vunpack.i.u.bf16.f32 v1;
	v1 =	vunpack.i.l.bf16.f32 v1  }
0x144: {  	[tilespmem:s4+$0x20] =	vst v1  }
0x145: {  	[tilespmem:s26+$0x60] =	vst v0  }
0x146: {  	v0 =	vld [tilespmem:s28+$0x4870];
	_ =	sdelay $0x4  }
0x147: {  	v1 =	vunpack.i.l.bf16.f32 v0  }
0x148: {  	v0 =	vunpack.i.u.bf16.f32 v0;
	[tilespmem:s26+$0x30] =	vst v1  }
0x149: {  	[tilespmem:s26+$0x70] =	vst v0  }
0x14a: {  	[spmem:s1] =	stream.indirect.scatter.add.f32 [tilespmem:s19], [sflag:$0x3], $0x80, s23, s15, $0xb8;
	[tilespmem:$0x1E800] =	vst v63  }
0x14b: {  	_ =	swait.ge [sflag:s13], $0x4000  }
0x14c: {  	[sflag:s13] =	ssyncset.done $0x0  }
0x14d: {  	s26 =	simm.s32 $0x0;
	[sflag:s13] =	ssyncadd.s32 $0xFFFFC000  }
0x14e: {  	[tilespmem:s26], [sflag:$0x3] =	stream.linear.gather [hbm4b:s9+s26], $0x1400, $0x38;
	[tilespmem:$0x1E800] =	vst v63  }
0x14f: {  	_ =	swait.ge [sflag:s13], $0x1400  }
0x150: {  	[sflag:s13] =	ssyncset.done $0x0  }
0x151: {  	s0 =	simm.s32 $0x1400;
	[sflag:s13] =	ssyncadd.s32 $0xFFFFEC00  }
0x152: {  	[tilespmem:s0], [sflag:$0x3] =	stream.linear.gather [hbm4b:s10+s26], $0x1400, $0x38;
	[tilespmem:$0x1E800] =	vst v63  }
0x153: {  	_ =	swait.ge [sflag:s13], $0x1400  }
0x154: {  	[sflag:s13] =	ssyncset.done $0x0  }
0x155: {  	[sflag:s13] =	ssyncadd.s32 $0xFFFFEC00  }
0x156: {  	[tilespmem:s16], [sflag:$0x1] =	stream.indirect.gather [hbm4b:s3+s15], $0x40, s26, s15, $0xb8;
	[tilespmem:$0x1E800] =	vst v63  }
.LBB2_12:
0x157: {  	s29 =	sshll.u32 s26, $0x8  }
0x158: {  	s28 =	sor.u32 $0x80, s29  }
0x159: {  	[tilespmem:s17], [sflag:$0x2] =	stream.indirect.gather [hbm4b:s3+s15], $0x40, s28, s15, $0xb8;
	[tilespmem:$0x1E800] =	vst v63  }
0x15a: {  	_ =	swait.ge [sflag:s18], $0x2000  }
0x15b: {  	[sflag:s18] =	ssyncset.done $0x0  }
0x15c: {  	s31 =	simm.s32 $0x0;
	[sflag:s18] =	ssyncadd.s32 $0xFFFFE000  }
0x15d: {  	v0 =	vld [tilespmem:s31+$0x2800];
	_ =	sdelay $0x4  }
0x15e: {  	s30 =	simm.s32 $0x6880;
	v1 =	vunpack.i.l.bf16.f32 v0  }
0x15f: {  	v0 =	vunpack.i.u.bf16.f32 v0;
	[tilespmem:s30+$0xFFFFFF80] =	vst v1  }
0x160: {  	[tilespmem:s30+$0xFFFFFFC0] =	vst v0  }
0x161: {  	v0 =	vld [tilespmem:s31+$0x2810];
	_ =	sdelay $0x4  }
0x162: {  	v1 =	vunpack.i.l.bf16.f32 v0  }
0x163: {  	v0 =	vunpack.i.u.bf16.f32 v0;
	[tilespmem:s30+$0xFFFFFF90] =	vst v1  }
0x164: {  	[tilespmem:s30+$0xFFFFFFD0] =	vst v0  }
0x165: {  	v0 =	vld [tilespmem:s31+$0x2820];
	_ =	sdelay $0x4  }
0x166: {  	v1 =	vunpack.i.l.bf16.f32 v0  }
0x167: {  	v0 =	vunpack.i.u.bf16.f32 v0;
	[tilespmem:s30+$0xFFFFFFA0] =	vst v1  }
0x168: {  	[tilespmem:s30+$0xFFFFFFE0] =	vst v0  }
0x169: {  	v0 =	vld [tilespmem:s31+$0x2830];
	_ =	sdelay $0x4  }
0x16a: {  	v1 =	vunpack.i.l.bf16.f32 v0  }
0x16b: {  	v0 =	vunpack.i.u.bf16.f32 v0;
	[tilespmem:s30+$0xFFFFFFB0] =	vst v1  }
0x16c: {  	[tilespmem:s30+$0xFFFFFFF0] =	vst v0  }
0x16d: {  	v0 =	vld [tilespmem:s31+$0x2840];
	_ =	sdelay $0x4  }
0x16e: {  	v1 =	vunpack.i.l.bf16.f32 v0  }
0x16f: {  	v0 =	vunpack.i.u.bf16.f32 v0;
	[tilespmem:s30+$0x0] =	vst v1  }
0x170: {  	[tilespmem:s30+$0x40] =	vst v0  }
0x171: {  	v0 =	vld [tilespmem:s31+$0x2850];
	_ =	sdelay $0x4  }
0x172: {  	v1 =	vunpack.i.l.bf16.f32 v0  }
0x173: {  	v0 =	vunpack.i.u.bf16.f32 v0;
	[tilespmem:s30+$0x10] =	vst v1  }
0x174: {  	[tilespmem:s30+$0x50] =	vst v0  }
0x175: {  	v0 =	vld [tilespmem:s31+$0x2860];
	_ =	sdelay $0x4  }
0x176: {  	v1 =	vunpack.i.l.bf16.f32 v0  }
0x177: {  	s0 =	simm.s32 $0x200;
	s4 =	simm.s32 $0x6880;
	v0 =	vunpack.i.u.bf16.f32 v0;
	[tilespmem:s30+$0x20] =	vst v1  }
.LBB2_13:
0x178: {  	p0 =	sne.s32 s0, $0x7E00  }
0x179: {  	[tilespmem:s30+$0x60] =	vst v0;
	s4 =	sadd.s32 $0x100, s4;
	s14 =	smov.u32 s0;
	s0 =	sadd.s32 $0x200, s0  }
0x17a: {  	v0 =	vld [tilespmem:s31+$0x2870];
	_ =	sdelay $0x4  }
0x17b: {  	v1 =	vunpack.i.u.bf16.f32 v0;
	v0 =	vunpack.i.l.bf16.f32 v0  }
0x17c: {  	[tilespmem:s30+$0x30] =	vst v0  }
0x17d: {  	s31 =	sshra.s32 s14, $0x2;
	[tilespmem:s30+$0x70] =	vst v1;
	s30 =	smov.u32 s4  }
0x17e: {  	v0 =	vld [tilespmem:s31+$0x2800];
	_ =	sdelay $0x4  }
0x17f: {  	v1 =	vunpack.i.u.bf16.f32 v0;
	v0 =	vunpack.i.l.bf16.f32 v0  }
0x180: {  	[tilespmem:s4+$0xFFFFFF80] =	vst v0  }
0x181: {  	[tilespmem:s4+$0xFFFFFFC0] =	vst v1  }
0x182: {  	v0 =	vld [tilespmem:s31+$0x2810];
	_ =	sdelay $0x4  }
0x183: {  	v1 =	vunpack.i.u.bf16.f32 v0;
	v0 =	vunpack.i.l.bf16.f32 v0  }
0x184: {  	[tilespmem:s4+$0xFFFFFF90] =	vst v0  }
0x185: {  	[tilespmem:s4+$0xFFFFFFD0] =	vst v1  }
0x186: {  	v0 =	vld [tilespmem:s31+$0x2820];
	_ =	sdelay $0x4  }
0x187: {  	v1 =	vunpack.i.u.bf16.f32 v0;
	v0 =	vunpack.i.l.bf16.f32 v0  }
0x188: {  	[tilespmem:s4+$0xFFFFFFA0] =	vst v0  }
0x189: {  	[tilespmem:s4+$0xFFFFFFE0] =	vst v1  }
0x18a: {  	v0 =	vld [tilespmem:s31+$0x2830];
	_ =	sdelay $0x4  }
0x18b: {  	v1 =	vunpack.i.u.bf16.f32 v0;
	v0 =	vunpack.i.l.bf16.f32 v0  }
0x18c: {  	[tilespmem:s4+$0xFFFFFFB0] =	vst v0  }
0x18d: {  	[tilespmem:s4+$0xFFFFFFF0] =	vst v1  }
0x18e: {  	v0 =	vld [tilespmem:s31+$0x2840];
	_ =	sdelay $0x4  }
0x18f: {  	v1 =	vunpack.i.u.bf16.f32 v0;
	v0 =	vunpack.i.l.bf16.f32 v0  }
0x190: {  	[tilespmem:s4+$0x0] =	vst v0  }
0x191: {  	[tilespmem:s4+$0x40] =	vst v1  }
0x192: {  	v0 =	vld [tilespmem:s31+$0x2850];
	_ =	sdelay $0x4  }
0x193: {  	v1 =	vunpack.i.u.bf16.f32 v0;
	v0 =	vunpack.i.l.bf16.f32 v0  }
0x194: {  	[tilespmem:s4+$0x10] =	vst v0  }
0x195: {  	[tilespmem:s4+$0x50] =	vst v1  }
0x196: {  	v1 =	vld [tilespmem:s31+$0x2860];
	_ =	sdelay $0x1  }
.Ltmp5:
0x197: {  	(pc) =	sbr.rel @p0 .LBB2_13-.Ltmp5, $3  }
0x198: {  	_ =	sdelay $0x1  }
0x199: {  	v0 =	vunpack.i.u.bf16.f32 v1;
	v1 =	vunpack.i.l.bf16.f32 v1  }
0x19a: {  	[tilespmem:s4+$0x20] =	vst v1  }
0x19b: {  	[tilespmem:s30+$0x60] =	vst v0  }
0x19c: {  	v0 =	vld [tilespmem:s31+$0x2870];
	_ =	sdelay $0x4  }
0x19d: {  	v1 =	vunpack.i.l.bf16.f32 v0  }
0x19e: {  	s0 =	sand.u32 $0x3FFFFF00, s29;
	v0 =	vunpack.i.u.bf16.f32 v0;
	[tilespmem:s30+$0x30] =	vst v1  }
0x19f: {  	s4 =	sadd.s32 $0x1400, s0;
	[tilespmem:s30+$0x70] =	vst v0  }
0x1a0: {  	[spmem:s1] =	stream.indirect.scatter.add.f32 [tilespmem:s19], [sflag:$0x3], $0x80, s4, s15, $0xb8;
	[tilespmem:$0x1E800] =	vst v63  }
0x1a1: {  	_ =	swait.ge [sflag:s13], $0x4000  }
0x1a2: {  	[sflag:s13] =	ssyncset.done $0x0  }
0x1a3: {  	s0 =	sadd.s32 $0x100, s0;
	[sflag:s13] =	ssyncadd.s32 $0xFFFFC000  }
0x1a4: {  	[tilespmem:s16], [sflag:$0x1] =	stream.indirect.gather [hbm4b:s3+s15], $0x40, s0, s15, $0xb8;
	[tilespmem:$0x1E800] =	vst v63  }
0x1a5: {  	_ =	swait.ge [sflag:s20], $0x2000  }
0x1a6: {  	[sflag:s20] =	ssyncset.done $0x0  }
0x1a7: {  	s30 =	simm.s32 $0x0;
	[sflag:s20] =	ssyncadd.s32 $0xFFFFE000  }
0x1a8: {  	v0 =	vld [tilespmem:s30+$0x4800];
	_ =	sdelay $0x4  }
0x1a9: {  	s29 =	simm.s32 $0x6880;
	v1 =	vunpack.i.l.bf16.f32 v0  }
0x1aa: {  	v0 =	vunpack.i.u.bf16.f32 v0;
	[tilespmem:s29+$0xFFFFFF80] =	vst v1  }
0x1ab: {  	[tilespmem:s29+$0xFFFFFFC0] =	vst v0  }
0x1ac: {  	v0 =	vld [tilespmem:s30+$0x4810];
	_ =	sdelay $0x4  }
0x1ad: {  	v1 =	vunpack.i.l.bf16.f32 v0  }
0x1ae: {  	v0 =	vunpack.i.u.bf16.f32 v0;
	[tilespmem:s29+$0xFFFFFF90] =	vst v1  }
0x1af: {  	[tilespmem:s29+$0xFFFFFFD0] =	vst v0  }
0x1b0: {  	v0 =	vld [tilespmem:s30+$0x4820];
	_ =	sdelay $0x4  }
0x1b1: {  	v1 =	vunpack.i.l.bf16.f32 v0  }
0x1b2: {  	v0 =	vunpack.i.u.bf16.f32 v0;
	[tilespmem:s29+$0xFFFFFFA0] =	vst v1  }
0x1b3: {  	[tilespmem:s29+$0xFFFFFFE0] =	vst v0  }
0x1b4: {  	v0 =	vld [tilespmem:s30+$0x4830];
	_ =	sdelay $0x4  }
0x1b5: {  	v1 =	vunpack.i.l.bf16.f32 v0  }
0x1b6: {  	v0 =	vunpack.i.u.bf16.f32 v0;
	[tilespmem:s29+$0xFFFFFFB0] =	vst v1  }
0x1b7: {  	[tilespmem:s29+$0xFFFFFFF0] =	vst v0  }
0x1b8: {  	v0 =	vld [tilespmem:s30+$0x4840];
	_ =	sdelay $0x4  }
0x1b9: {  	v1 =	vunpack.i.l.bf16.f32 v0  }
0x1ba: {  	v0 =	vunpack.i.u.bf16.f32 v0;
	[tilespmem:s29+$0x0] =	vst v1  }
0x1bb: {  	[tilespmem:s29+$0x40] =	vst v0  }
0x1bc: {  	v0 =	vld [tilespmem:s30+$0x4850];
	_ =	sdelay $0x4  }
0x1bd: {  	v1 =	vunpack.i.l.bf16.f32 v0  }
0x1be: {  	v0 =	vunpack.i.u.bf16.f32 v0;
	[tilespmem:s29+$0x10] =	vst v1  }
0x1bf: {  	[tilespmem:s29+$0x50] =	vst v0  }
0x1c0: {  	v0 =	vld [tilespmem:s30+$0x4860];
	_ =	sdelay $0x4  }
0x1c1: {  	v1 =	vunpack.i.l.bf16.f32 v0  }
0x1c2: {  	s4 =	simm.s32 $0x6880;
	s0 =	simm.s32 $0x200;
	v0 =	vunpack.i.u.bf16.f32 v0;
	[tilespmem:s29+$0x20] =	vst v1  }
.LBB2_15:
0x1c3: {  	p0 =	sne.s32 s0, $0x7E00  }
0x1c4: {  	[tilespmem:s29+$0x60] =	vst v0;
	s4 =	sadd.s32 $0x100, s4;
	s14 =	smov.u32 s0;
	s0 =	sadd.s32 $0x200, s0  }
0x1c5: {  	v0 =	vld [tilespmem:s30+$0x4870];
	_ =	sdelay $0x4  }
0x1c6: {  	v1 =	vunpack.i.u.bf16.f32 v0;
	v0 =	vunpack.i.l.bf16.f32 v0  }
0x1c7: {  	[tilespmem:s29+$0x30] =	vst v0  }
0x1c8: {  	s30 =	sshra.s32 s14, $0x2;
	[tilespmem:s29+$0x70] =	vst v1;
	s29 =	smov.u32 s4  }
0x1c9: {  	v0 =	vld [tilespmem:s30+$0x4800];
	_ =	sdelay $0x4  }
0x1ca: {  	v1 =	vunpack.i.u.bf16.f32 v0;
	v0 =	vunpack.i.l.bf16.f32 v0  }
0x1cb: {  	[tilespmem:s4+$0xFFFFFF80] =	vst v0  }
0x1cc: {  	[tilespmem:s4+$0xFFFFFFC0] =	vst v1  }
0x1cd: {  	v0 =	vld [tilespmem:s30+$0x4810];
	_ =	sdelay $0x4  }
0x1ce: {  	v1 =	vunpack.i.u.bf16.f32 v0;
	v0 =	vunpack.i.l.bf16.f32 v0  }
0x1cf: {  	[tilespmem:s4+$0xFFFFFF90] =	vst v0  }
0x1d0: {  	[tilespmem:s4+$0xFFFFFFD0] =	vst v1  }
0x1d1: {  	v0 =	vld [tilespmem:s30+$0x4820];
	_ =	sdelay $0x4  }
0x1d2: {  	v1 =	vunpack.i.u.bf16.f32 v0;
	v0 =	vunpack.i.l.bf16.f32 v0  }
0x1d3: {  	[tilespmem:s4+$0xFFFFFFA0] =	vst v0  }
0x1d4: {  	[tilespmem:s4+$0xFFFFFFE0] =	vst v1  }
0x1d5: {  	v0 =	vld [tilespmem:s30+$0x4830];
	_ =	sdelay $0x4  }
0x1d6: {  	v1 =	vunpack.i.u.bf16.f32 v0;
	v0 =	vunpack.i.l.bf16.f32 v0  }
0x1d7: {  	[tilespmem:s4+$0xFFFFFFB0] =	vst v0  }
0x1d8: {  	[tilespmem:s4+$0xFFFFFFF0] =	vst v1  }
0x1d9: {  	v0 =	vld [tilespmem:s30+$0x4840];
	_ =	sdelay $0x4  }
0x1da: {  	v1 =	vunpack.i.u.bf16.f32 v0;
	v0 =	vunpack.i.l.bf16.f32 v0  }
0x1db: {  	[tilespmem:s4+$0x0] =	vst v0  }
0x1dc: {  	[tilespmem:s4+$0x40] =	vst v1  }
0x1dd: {  	v0 =	vld [tilespmem:s30+$0x4850];
	_ =	sdelay $0x4  }
0x1de: {  	v1 =	vunpack.i.u.bf16.f32 v0;
	v0 =	vunpack.i.l.bf16.f32 v0  }
0x1df: {  	[tilespmem:s4+$0x10] =	vst v0  }
0x1e0: {  	[tilespmem:s4+$0x50] =	vst v1  }
0x1e1: {  	v1 =	vld [tilespmem:s30+$0x4860];
	_ =	sdelay $0x1  }
.Ltmp6:
0x1e2: {  	(pc) =	sbr.rel @p0 .LBB2_15-.Ltmp6, $3  }
0x1e3: {  	_ =	sdelay $0x1  }
0x1e4: {  	v0 =	vunpack.i.u.bf16.f32 v1;
	v1 =	vunpack.i.l.bf16.f32 v1  }
0x1e5: {  	[tilespmem:s4+$0x20] =	vst v1  }
0x1e6: {  	[tilespmem:s29+$0x60] =	vst v0  }
0x1e7: {  	v0 =	vld [tilespmem:s30+$0x4870];
	_ =	sdelay $0x4  }
0x1e8: {  	s26 =	sadd.s32 $0x1, s26;
	v1 =	vunpack.i.l.bf16.f32 v0  }
0x1e9: {  	p0 =	sne.s32 s26, $0x13;
	v0 =	vunpack.i.u.bf16.f32 v0;
	[tilespmem:s29+$0x30] =	vst v1  }
.Ltmp7:
0x1ea: {  	s0 =	sadd.s32 $0x1400, s28;
	[tilespmem:s29+$0x70] =	vst v0;
	(pc) =	sbr.rel @p0 .LBB2_12-.Ltmp7, $4  }
0x1eb: {  	[spmem:s1] =	stream.indirect.scatter.add.f32 [tilespmem:s19], [sflag:$0x3], $0x80, s0, s15, $0xb8;
	[tilespmem:$0x1E800] =	vst v63  }
0x1ec: {  	_ =	swait.ge [sflag:s13], $0x4000  }
0x1ed: {  	[sflag:s13] =	ssyncset.done $0x0  }
0x1ee: {  	[sflag:s13] =	ssyncadd.s32 $0xFFFFC000  }
0x1ef: {  	[tilespmem:s17], [sflag:$0x2] =	stream.indirect.gather [hbm4b:s3+s15], $0x40, s21, s15, $0xb8;
	[tilespmem:$0x1E800] =	vst v63  }
0x1f0: {  	_ =	swait.ge [sflag:s18], $0x2000  }
0x1f1: {  	[sflag:s18] =	ssyncset.done $0x0  }
0x1f2: {  	s28 =	simm.s32 $0x0;
	[sflag:s18] =	ssyncadd.s32 $0xFFFFE000  }
0x1f3: {  	v0 =	vld [tilespmem:s28+$0x2800];
	_ =	sdelay $0x4  }
0x1f4: {  	s26 =	simm.s32 $0x6880;
	v1 =	vunpack.i.l.bf16.f32 v0  }
0x1f5: {  	v0 =	vunpack.i.u.bf16.f32 v0;
	[tilespmem:s26+$0xFFFFFF80] =	vst v1  }
0x1f6: {  	[tilespmem:s26+$0xFFFFFFC0] =	vst v0  }
0x1f7: {  	v0 =	vld [tilespmem:s28+$0x2810];
	_ =	sdelay $0x4  }
0x1f8: {  	v1 =	vunpack.i.l.bf16.f32 v0  }
0x1f9: {  	v0 =	vunpack.i.u.bf16.f32 v0;
	[tilespmem:s26+$0xFFFFFF90] =	vst v1  }
0x1fa: {  	[tilespmem:s26+$0xFFFFFFD0] =	vst v0  }
0x1fb: {  	v0 =	vld [tilespmem:s28+$0x2820];
	_ =	sdelay $0x4  }
0x1fc: {  	v1 =	vunpack.i.l.bf16.f32 v0  }
0x1fd: {  	v0 =	vunpack.i.u.bf16.f32 v0;
	[tilespmem:s26+$0xFFFFFFA0] =	vst v1  }
0x1fe: {  	[tilespmem:s26+$0xFFFFFFE0] =	vst v0  }
0x1ff: {  	v0 =	vld [tilespmem:s28+$0x2830];
	_ =	sdelay $0x4  }
0x200: {  	v1 =	vunpack.i.l.bf16.f32 v0  }
0x201: {  	v0 =	vunpack.i.u.bf16.f32 v0;
	[tilespmem:s26+$0xFFFFFFB0] =	vst v1  }
0x202: {  	[tilespmem:s26+$0xFFFFFFF0] =	vst v0  }
0x203: {  	v0 =	vld [tilespmem:s28+$0x2840];
	_ =	sdelay $0x4  }
0x204: {  	v1 =	vunpack.i.l.bf16.f32 v0  }
0x205: {  	v0 =	vunpack.i.u.bf16.f32 v0;
	[tilespmem:s26+$0x0] =	vst v1  }
0x206: {  	[tilespmem:s26+$0x40] =	vst v0  }
0x207: {  	v0 =	vld [tilespmem:s28+$0x2850];
	_ =	sdelay $0x4  }
0x208: {  	v1 =	vunpack.i.l.bf16.f32 v0  }
0x209: {  	v0 =	vunpack.i.u.bf16.f32 v0;
	[tilespmem:s26+$0x10] =	vst v1  }
0x20a: {  	[tilespmem:s26+$0x50] =	vst v0  }
0x20b: {  	v0 =	vld [tilespmem:s28+$0x2860];
	_ =	sdelay $0x4  }
0x20c: {  	v1 =	vunpack.i.l.bf16.f32 v0  }
0x20d: {  	s0 =	simm.s32 $0x200;
	s4 =	simm.s32 $0x6880;
	v0 =	vunpack.i.u.bf16.f32 v0;
	[tilespmem:s26+$0x20] =	vst v1  }
.LBB2_18:
0x20e: {  	p0 =	sne.s32 s0, $0x7E00  }
0x20f: {  	[tilespmem:s26+$0x60] =	vst v0;
	s4 =	sadd.s32 $0x100, s4;
	s14 =	smov.u32 s0;
	s0 =	sadd.s32 $0x200, s0  }
0x210: {  	v0 =	vld [tilespmem:s28+$0x2870];
	_ =	sdelay $0x4  }
0x211: {  	v1 =	vunpack.i.u.bf16.f32 v0;
	v0 =	vunpack.i.l.bf16.f32 v0  }
0x212: {  	[tilespmem:s26+$0x30] =	vst v0  }
0x213: {  	s28 =	sshra.s32 s14, $0x2;
	[tilespmem:s26+$0x70] =	vst v1;
	s26 =	smov.u32 s4  }
0x214: {  	v0 =	vld [tilespmem:s28+$0x2800];
	_ =	sdelay $0x4  }
0x215: {  	v1 =	vunpack.i.u.bf16.f32 v0;
	v0 =	vunpack.i.l.bf16.f32 v0  }
0x216: {  	[tilespmem:s4+$0xFFFFFF80] =	vst v0  }
0x217: {  	[tilespmem:s4+$0xFFFFFFC0] =	vst v1  }
0x218: {  	v0 =	vld [tilespmem:s28+$0x2810];
	_ =	sdelay $0x4  }
0x219: {  	v1 =	vunpack.i.u.bf16.f32 v0;
	v0 =	vunpack.i.l.bf16.f32 v0  }
0x21a: {  	[tilespmem:s4+$0xFFFFFF90] =	vst v0  }
0x21b: {  	[tilespmem:s4+$0xFFFFFFD0] =	vst v1  }
0x21c: {  	v0 =	vld [tilespmem:s28+$0x2820];
	_ =	sdelay $0x4  }
0x21d: {  	v1 =	vunpack.i.u.bf16.f32 v0;
	v0 =	vunpack.i.l.bf16.f32 v0  }
0x21e: {  	[tilespmem:s4+$0xFFFFFFA0] =	vst v0  }
0x21f: {  	[tilespmem:s4+$0xFFFFFFE0] =	vst v1  }
0x220: {  	v0 =	vld [tilespmem:s28+$0x2830];
	_ =	sdelay $0x4  }
0x221: {  	v1 =	vunpack.i.u.bf16.f32 v0;
	v0 =	vunpack.i.l.bf16.f32 v0  }
0x222: {  	[tilespmem:s4+$0xFFFFFFB0] =	vst v0  }
0x223: {  	[tilespmem:s4+$0xFFFFFFF0] =	vst v1  }
0x224: {  	v0 =	vld [tilespmem:s28+$0x2840];
	_ =	sdelay $0x4  }
0x225: {  	v1 =	vunpack.i.u.bf16.f32 v0;
	v0 =	vunpack.i.l.bf16.f32 v0  }
0x226: {  	[tilespmem:s4+$0x0] =	vst v0  }
0x227: {  	[tilespmem:s4+$0x40] =	vst v1  }
0x228: {  	v0 =	vld [tilespmem:s28+$0x2850];
	_ =	sdelay $0x4  }
0x229: {  	v1 =	vunpack.i.u.bf16.f32 v0;
	v0 =	vunpack.i.l.bf16.f32 v0  }
0x22a: {  	[tilespmem:s4+$0x10] =	vst v0  }
0x22b: {  	[tilespmem:s4+$0x50] =	vst v1  }
0x22c: {  	v1 =	vld [tilespmem:s28+$0x2860];
	_ =	sdelay $0x1  }
.Ltmp8:
0x22d: {  	(pc) =	sbr.rel @p0 .LBB2_18-.Ltmp8, $3  }
0x22e: {  	_ =	sdelay $0x1  }
0x22f: {  	v0 =	vunpack.i.u.bf16.f32 v1;
	v1 =	vunpack.i.l.bf16.f32 v1  }
0x230: {  	[tilespmem:s4+$0x20] =	vst v1  }
0x231: {  	[tilespmem:s26+$0x60] =	vst v0  }
0x232: {  	v0 =	vld [tilespmem:s28+$0x2870];
	_ =	sdelay $0x4  }
0x233: {  	v1 =	vunpack.i.l.bf16.f32 v0  }
0x234: {  	v0 =	vunpack.i.u.bf16.f32 v0;
	[tilespmem:s26+$0x30] =	vst v1  }
0x235: {  	[tilespmem:s26+$0x70] =	vst v0  }
0x236: {  	[spmem:s1] =	stream.indirect.scatter.add.f32 [tilespmem:s19], [sflag:$0x3], $0x80, s22, s15, $0xb8;
	[tilespmem:$0x1E800] =	vst v63  }
0x237: {  	_ =	swait.ge [sflag:s13], $0x4000  }
0x238: {  	[sflag:s13] =	ssyncset.done $0x0  }
0x239: {  	[sflag:s13] =	ssyncadd.s32 $0xFFFFC000  }
0x23a: {  	_ =	swait.ge [sflag:s20], $0x2000  }
0x23b: {  	[sflag:s20] =	ssyncset.done $0x0  }
0x23c: {  	s28 =	simm.s32 $0x0;
	[sflag:s20] =	ssyncadd.s32 $0xFFFFE000  }
0x23d: {  	v0 =	vld [tilespmem:s28+$0x4800];
	_ =	sdelay $0x4  }
0x23e: {  	s26 =	simm.s32 $0x6880;
	v1 =	vunpack.i.l.bf16.f32 v0  }
0x23f: {  	v0 =	vunpack.i.u.bf16.f32 v0;
	[tilespmem:s26+$0xFFFFFF80] =	vst v1  }
0x240: {  	[tilespmem:s26+$0xFFFFFFC0] =	vst v0  }
0x241: {  	v0 =	vld [tilespmem:s28+$0x4810];
	_ =	sdelay $0x4  }
0x242: {  	v1 =	vunpack.i.l.bf16.f32 v0  }
0x243: {  	v0 =	vunpack.i.u.bf16.f32 v0;
	[tilespmem:s26+$0xFFFFFF90] =	vst v1  }
0x244: {  	[tilespmem:s26+$0xFFFFFFD0] =	vst v0  }
0x245: {  	v0 =	vld [tilespmem:s28+$0x4820];
	_ =	sdelay $0x4  }
0x246: {  	v1 =	vunpack.i.l.bf16.f32 v0  }
0x247: {  	v0 =	vunpack.i.u.bf16.f32 v0;
	[tilespmem:s26+$0xFFFFFFA0] =	vst v1  }
0x248: {  	[tilespmem:s26+$0xFFFFFFE0] =	vst v0  }
0x249: {  	v0 =	vld [tilespmem:s28+$0x4830];
	_ =	sdelay $0x4  }
0x24a: {  	v1 =	vunpack.i.l.bf16.f32 v0  }
0x24b: {  	v0 =	vunpack.i.u.bf16.f32 v0;
	[tilespmem:s26+$0xFFFFFFB0] =	vst v1  }
0x24c: {  	[tilespmem:s26+$0xFFFFFFF0] =	vst v0  }
0x24d: {  	v0 =	vld [tilespmem:s28+$0x4840];
	_ =	sdelay $0x4  }
0x24e: {  	v1 =	vunpack.i.l.bf16.f32 v0  }
0x24f: {  	v0 =	vunpack.i.u.bf16.f32 v0;
	[tilespmem:s26+$0x0] =	vst v1  }
0x250: {  	[tilespmem:s26+$0x40] =	vst v0  }
0x251: {  	v0 =	vld [tilespmem:s28+$0x4850];
	_ =	sdelay $0x4  }
0x252: {  	v1 =	vunpack.i.l.bf16.f32 v0  }
0x253: {  	v0 =	vunpack.i.u.bf16.f32 v0;
	[tilespmem:s26+$0x10] =	vst v1  }
0x254: {  	[tilespmem:s26+$0x50] =	vst v0  }
0x255: {  	v0 =	vld [tilespmem:s28+$0x4860];
	_ =	sdelay $0x4  }
0x256: {  	v1 =	vunpack.i.l.bf16.f32 v0  }
0x257: {  	s0 =	simm.s32 $0x200;
	s4 =	simm.s32 $0x6880;
	v0 =	vunpack.i.u.bf16.f32 v0;
	[tilespmem:s26+$0x20] =	vst v1  }
.LBB2_20:
0x258: {  	p0 =	sne.s32 s0, $0x7E00  }
0x259: {  	[tilespmem:s26+$0x60] =	vst v0;
	s4 =	sadd.s32 $0x100, s4;
	s14 =	smov.u32 s0;
	s0 =	sadd.s32 $0x200, s0  }
0x25a: {  	v0 =	vld [tilespmem:s28+$0x4870];
	_ =	sdelay $0x4  }
0x25b: {  	v1 =	vunpack.i.u.bf16.f32 v0;
	v0 =	vunpack.i.l.bf16.f32 v0  }
0x25c: {  	[tilespmem:s26+$0x30] =	vst v0  }
0x25d: {  	s28 =	sshra.s32 s14, $0x2;
	[tilespmem:s26+$0x70] =	vst v1;
	s26 =	smov.u32 s4  }
0x25e: {  	v0 =	vld [tilespmem:s28+$0x4800];
	_ =	sdelay $0x4  }
0x25f: {  	v1 =	vunpack.i.u.bf16.f32 v0;
	v0 =	vunpack.i.l.bf16.f32 v0  }
0x260: {  	[tilespmem:s4+$0xFFFFFF80] =	vst v0  }
0x261: {  	[tilespmem:s4+$0xFFFFFFC0] =	vst v1  }
0x262: {  	v0 =	vld [tilespmem:s28+$0x4810];
	_ =	sdelay $0x4  }
0x263: {  	v1 =	vunpack.i.u.bf16.f32 v0;
	v0 =	vunpack.i.l.bf16.f32 v0  }
0x264: {  	[tilespmem:s4+$0xFFFFFF90] =	vst v0  }
0x265: {  	[tilespmem:s4+$0xFFFFFFD0] =	vst v1  }
0x266: {  	v0 =	vld [tilespmem:s28+$0x4820];
	_ =	sdelay $0x4  }
0x267: {  	v1 =	vunpack.i.u.bf16.f32 v0;
	v0 =	vunpack.i.l.bf16.f32 v0  }
0x268: {  	[tilespmem:s4+$0xFFFFFFA0] =	vst v0  }
0x269: {  	[tilespmem:s4+$0xFFFFFFE0] =	vst v1  }
0x26a: {  	v0 =	vld [tilespmem:s28+$0x4830];
	_ =	sdelay $0x4  }
0x26b: {  	v1 =	vunpack.i.u.bf16.f32 v0;
	v0 =	vunpack.i.l.bf16.f32 v0  }
0x26c: {  	[tilespmem:s4+$0xFFFFFFB0] =	vst v0  }
0x26d: {  	[tilespmem:s4+$0xFFFFFFF0] =	vst v1  }
0x26e: {  	v0 =	vld [tilespmem:s28+$0x4840];
	_ =	sdelay $0x4  }
0x26f: {  	v1 =	vunpack.i.u.bf16.f32 v0;
	v0 =	vunpack.i.l.bf16.f32 v0  }
0x270: {  	[tilespmem:s4+$0x0] =	vst v0  }
0x271: {  	[tilespmem:s4+$0x40] =	vst v1  }
0x272: {  	v0 =	vld [tilespmem:s28+$0x4850];
	_ =	sdelay $0x4  }
0x273: {  	v1 =	vunpack.i.u.bf16.f32 v0;
	v0 =	vunpack.i.l.bf16.f32 v0  }
0x274: {  	[tilespmem:s4+$0x10] =	vst v0  }
0x275: {  	[tilespmem:s4+$0x50] =	vst v1  }
0x276: {  	v1 =	vld [tilespmem:s28+$0x4860];
	_ =	sdelay $0x1  }
.Ltmp9:
0x277: {  	(pc) =	sbr.rel @p0 .LBB2_20-.Ltmp9, $3  }
0x278: {  	_ =	sdelay $0x1  }
0x279: {  	v0 =	vunpack.i.u.bf16.f32 v1;
	v1 =	vunpack.i.l.bf16.f32 v1  }
0x27a: {  	[tilespmem:s4+$0x20] =	vst v1  }
0x27b: {  	[tilespmem:s26+$0x60] =	vst v0  }
0x27c: {  	v0 =	vld [tilespmem:s28+$0x4870];
	_ =	sdelay $0x4  }
0x27d: {  	v1 =	vunpack.i.l.bf16.f32 v0  }
0x27e: {  	v0 =	vunpack.i.u.bf16.f32 v0;
	[tilespmem:s26+$0x30] =	vst v1  }
0x27f: {  	[tilespmem:s26+$0x70] =	vst v0  }
0x280: {  	[spmem:s1] =	stream.indirect.scatter.add.f32 [tilespmem:s19], [sflag:$0x3], $0x80, s23, s15, $0xb8;
	[tilespmem:$0x1E800] =	vst v63  }
0x281: {  	_ =	swait.ge [sflag:s13], $0x4000  }
0x282: {  	s25 =	sadd.s32 $0x1, s25;
	[sflag:s13] =	ssyncset.done $0x0  }
0x283: {  	p0 =	sne.s32 s25, s11;
	[sflag:s13] =	ssyncadd.s32 $0xFFFFC000  }
.Ltmp10:
0x284: {  	[bflag:$0x0] =	sbarrier.arrive $0xFFFF;
	(pc) =	sbr.rel @p0 .LBB2_1-.Ltmp10, $4  }
0x285: {  	[hbm:s24], [sflag:s6] =	dma.local [spmem:s12], $0x2800  }
0x286: {  	_ =	swait.ge [sflag:s13], $0x2800  }
0x287: {  	[sflag:s13] =	ssyncset.done $0x0  }
0x288: {  	[sflag:s13] =	ssyncadd.s32 $0xFFFFD800  }
0x289: {  	_ =	sfence.sel $0x180000  }
0x28a: {  	[bflag:$0x0] =	sbarrier.arrive $0xFFFF  }
0x28b: {  	_ =	strace $0x90000047  }
0x28c: {  	s0 =	stileid.u32;
	[bflag:$0x2] =	sbarrier.arrive $0xFFFF  }
0x28d: {  	p0 =	sne.s32 s0, $0x0;
	s0 =	rddreg [dreg:$0x3]  }
0x28e: {  	s0 =	sadd.s32 @!p0 $0x100000, s0  }
0x28f: {  	[sflag:s0] =	ssyncadd.tile.s32 @!p0 $0x1;
	_ =	shalt  }
.Lfunc_end2:
_tile_overlayer_lowered:
.L_overlay_start_2:
0x290: {  	(tag) =	ssettag $0x2  }
0x291: {  	s0 =	rddreg [dreg:$0x0];
	s2 =	stileid.u32  }
0x292: {  	s1 =	rddreg [dreg:$0x1];
	p0 =	sne.s32 s2, $0x0  }
0x293: {  	s3 =	rddreg [dreg:$0x2];
	[bflag:$0x3] =	sbarrier.arrive $0xFFFF;
	s2 =	simm.s32 @!p0 $0x1C03  }
0x294: {  	[timem:s3], [sflag:s2] =	dma.local @!p0 [hbm:s0], s1  }
0x295: {  	s0 =	simm.s32 @!p0 $0x3  }
0x296: {  	_ =	swait.ge @!p0 [sflag:s0], s1  }
0x297: {  	s1 =	ssub.s32 @!p0 $0x0, s1;
	[sflag:s0] =	ssyncset.done @!p0 $0x0  }
0x298: {  	[sflag:s0] =	ssyncadd.s32 @!p0 s1  }
0x299: {  	[bflag:$0x3] =	sbarrier.arrive $0xFFFF  }
0x29a: {  	_ =	shalt  }

</sc_bundles>
